<compile_context>
chip_gen: v7x
topology: tpu7x:2x2x1
jax: 0.10.2.dev20260603
libtpu: 0.0.44.dev20260713+nightly
codegen_flags: <defaults>
</compile_context>

<pallas_src>
import functools

import jax
import jax.numpy as jnp
from jax import lax
from jax.experimental import pallas as pl
from jax.experimental.pallas import tpu as pltpu
from jax.experimental.pallas import tpu_sc as plsc

N_NODES = 10000
N_EDGES = 320000
D = 128
D_EDGE = 16
NEG_SLOPE = 0.2

NODE_BLK = 1000
EDGE_BLK = 4000

N_WORKERS = 32
PER_CORE = N_EDGES // 2
PER_W = N_EDGES // N_WORKERS
C = 40
N_CHUNK = PER_W // C
NBUF = 2
N_PAD = 10240
RPT = N_PAD // 16
LANES = 16



N_NODE_BLKS = N_NODES // NODE_BLK


def _tc_front_body(ea_ref, w3_ref, batt_ref, x_ref, wfc_ref, bfc_ref,
                   w1_ref, w2_ref, e_ref, a_ref, tbh_ref):
    i = pl.program_id(0)
    e = jnp.dot(ea_ref[...], w3_ref[...], preferred_element_type=jnp.float32)
    e_ref[...] = e + batt_ref[...]

    @pl.when(i < N_NODE_BLKS)
    def _():
        h = jnp.dot(x_ref[...], wfc_ref[...], preferred_element_type=jnp.float32)
        h = h + bfc_ref[...]
        a_ref[...] = jnp.dot(h, w1_ref[...], preferred_element_type=jnp.float32)
        b = jnp.dot(h, w2_ref[...], preferred_element_type=jnp.float32)
        tbh_ref[...] = jnp.concatenate([b, h], axis=1)


def _node_blk_map(i):
    return (jnp.minimum(i, N_NODE_BLKS - 1), 0)


_tc_front = pl.pallas_call(
    _tc_front_body,
    grid=(N_EDGES // EDGE_BLK,),
    in_specs=[
        pl.BlockSpec((EDGE_BLK, D_EDGE), lambda i: (i, 0)),
        pl.BlockSpec((D_EDGE, D), lambda i: (0, 0)),
        pl.BlockSpec((1, D), lambda i: (0, 0)),
        pl.BlockSpec((NODE_BLK, D), _node_blk_map),
        pl.BlockSpec((D, D), lambda i: (0, 0)),
        pl.BlockSpec((1, D), lambda i: (0, 0)),
        pl.BlockSpec((D, D), lambda i: (0, 0)),
        pl.BlockSpec((D, D), lambda i: (0, 0)),
    ],
    out_specs=[
        pl.BlockSpec((EDGE_BLK, D), lambda i: (i, 0)),
        pl.BlockSpec((NODE_BLK, D), _node_blk_map),
        pl.BlockSpec((NODE_BLK, 2 * D), _node_blk_map),
    ],
    out_shape=[
        jax.ShapeDtypeStruct((N_EDGES, D), jnp.float32),
        jax.ShapeDtypeStruct((N_NODES, D), jnp.float32),
        jax.ShapeDtypeStruct((N_NODES, 2 * D), jnp.float32),
    ],
)



def _tc_sum_body(p_ref, o_ref):
    o_ref[...] = p_ref[0] + p_ref[1]


_tc_sum = pl.pallas_call(
    _tc_sum_body,
    grid=(N_NODES // NODE_BLK,),
    in_specs=[pl.BlockSpec((2, NODE_BLK, D), lambda i: (0, i, 0))],

    out_specs=pl.BlockSpec((NODE_BLK, D), lambda i: (i, 0)),
    out_shape=jax.ShapeDtypeStruct((N_NODES, D), jnp.float32),
)



_sc_mesh = plsc.VectorSubcoreMesh(core_axis_name="c", subcore_axis_name="s")


@functools.partial(
    pl.kernel,
    mesh=_sc_mesh,
    out_type=jax.ShapeDtypeStruct((2, N_PAD, D), jnp.float32),
    scratch_types=[
        pltpu.VMEM((NBUF, 2, C), jnp.int32),
        pltpu.VMEM((NBUF, C, D), jnp.float32),
        pltpu.VMEM((NBUF, C, 2 * D), jnp.float32),
        pltpu.VMEM((NBUF, C, D), jnp.float32),
        pltpu.VMEM_SHARED((N_PAD, D), jnp.float32),
        pltpu.SemaphoreType.DMA,
        pltpu.SemaphoreType.DMA,
    ],
)
def _sc_edges(a_hbm, tbh_hbm, e_hbm, rc_hbm, zero_hbm, out_hbm,
              idx, ga, gtbh, ge, acc, sem0, sem1):
    c = lax.axis_index("c")
    s = lax.axis_index("s")
    sems = (sem0, sem1)

    rowbase = s * RPT
    pltpu.sync_copy(zero_hbm.at[pl.ds(rowbase, RPT)],
                    acc.at[pl.ds(rowbase, RPT)])

    ebase = c * PER_CORE + s * PER_W
    cbase = ebase // C

    def _issue(b, k):
        pltpu.sync_copy(rc_hbm.at[cbase + k], idx.at[b])
        pltpu.async_copy(a_hbm.at[idx.at[b, 0]], ga.at[b], sems[b])
        pltpu.async_copy(tbh_hbm.at[idx.at[b, 1]], gtbh.at[b], sems[b])
        pltpu.async_copy(e_hbm.at[pl.ds(ebase + k * C, C)], ge.at[b], sems[b])

    for b in range(NBUF):
        _issue(b, b)
    plsc.subcore_barrier()

    def _pair(t, carry):
        for b in range(NBUF):
            k = t * NBUF + b
            off = ebase + k * C
            pltpu.make_async_copy(a_hbm.at[idx.at[b, 0]], ga.at[b], sems[b]).wait()
            pltpu.make_async_copy(tbh_hbm.at[idx.at[b, 1]], gtbh.at[b], sems[b]).wait()
            pltpu.make_async_copy(e_hbm.at[pl.ds(off, C)], ge.at[b], sems[b]).wait()

            @plsc.parallel_loop(0, C, unroll=8)
            def _edge(i):
                for j in range(D // LANES):
                    sl = pl.ds(j * LANES, LANES)
                    sv = ga[b, i, sl] + gtbh[b, i, sl] + ge[b, i, sl]
                    alpha = jnp.maximum(sv, sv * jnp.float32(NEG_SLOPE))
                    ga[b, i, sl] = gtbh[b, i, pl.ds(D + j * LANES, LANES)] * alpha

            pltpu.sync_copy(ga.at[b], acc.at[idx.at[b, 0]], add=True)

            @pl.when(k + NBUF < N_CHUNK)
            def _():
                _issue(b, k + NBUF)
        return carry

    lax.fori_loop(0, N_CHUNK // NBUF, _pair, 0)
    plsc.subcore_barrier()

    pltpu.sync_copy(acc.at[pl.ds(rowbase, RPT)],
                    out_hbm.at[c, pl.ds(rowbase, RPT)])


@jax.jit
def kernel(x, edge_index, edge_attr, W_fc, b_fc, W_att, b_att):
    row = edge_index[0].astype(jnp.int32)
    col = edge_index[1].astype(jnp.int32)
    W1 = W_att[:D]
    W2 = W_att[D:2 * D]
    W3 = W_att[2 * D:]
    E, A, TBH = _tc_front(edge_attr, W3, b_att.reshape(1, D),
                          x, W_fc, b_fc.reshape(1, D), W1, W2)
    zeros = jnp.zeros((N_PAD, D), jnp.float32)
    rc = jnp.stack([row.reshape(-1, C), col.reshape(-1, C)], axis=1)
    partials = _sc_edges(A, TBH, E, rc, zeros)
    return _tc_sum(partials)

# --- scband reference (transcript-rebuilt; emitter-appended) ---
"""Pipeline reference for scband-edge-gatconv-19799799234983 (READ-ONLY COPY).

The authoritative reference and input builder live on the scoring server;
editing this copy changes nothing except your own understanding.
"""

import jax, jax.numpy as jnp
import numpy as np

N_NODES = 10000
N_EDGES = 320000
D_FEAT = 128
HIDDEN = 128
D_EDGE = 16
NEG_SLOPE = 0.2


def setup_inputs(seed: int = 0) -> dict:
    key = jax.random.key(seed)
    k_x, k_ei, k_ea, k_wfc, k_watt = jax.random.split(key, 5)
    x = jax.random.normal(k_x, (N_NODES, D_FEAT), dtype=jnp.float32)
    edge_index = jax.random.randint(k_ei, (2, N_EDGES), 0, N_NODES, dtype=jnp.int64)
    edge_attr = jax.random.normal(k_ea, (N_EDGES, D_EDGE), dtype=jnp.float32)
    # fc: Linear(node_channels=128, hidden_dim=128), xavier-uniform weight, zero bias
    lim_fc = float(np.sqrt(6.0 / (D_FEAT + HIDDEN)))
    W_fc = jax.random.uniform(k_wfc, (D_FEAT, HIDDEN), dtype=jnp.float32, minval=-lim_fc, maxval=lim_fc)
    b_fc = jnp.zeros((HIDDEN,), dtype=jnp.float32)
    # att_vector: Linear(2*hidden + edge_dim = 272, hidden_dim=128)
    in_att = 2 * HIDDEN + D_EDGE
    lim_att = float(np.sqrt(6.0 / (in_att + HIDDEN)))
    W_att = jax.random.uniform(k_watt, (in_att, HIDDEN), dtype=jnp.float32, minval=-lim_att, maxval=lim_att)
    b_att = jnp.zeros((HIDDEN,), dtype=jnp.float32)
    return {"x": x, "edge_index": edge_index, "edge_attr": edge_attr,
            "W_fc": W_fc, "b_fc": b_fc, "W_att": W_att, "b_att": b_att}


def reference(x, edge_index, edge_attr, W_fc, b_fc, W_att, b_att):
    # x = self.fc(x)
    h = x @ W_fc + b_fc
    row = edge_index[0]
    col = edge_index[1]
    # gather endpoint features
    h_i = jnp.take(h, row, axis=0)
    h_j = jnp.take(h, col, axis=0)
    h_cat = jnp.concatenate([h_i, h_j, edge_attr], axis=-1)
    alpha = h_cat @ W_att + b_att
    alpha = jax.nn.leaky_relu(alpha, negative_slope=NEG_SLOPE)
    # dropout is identity in eval mode
    messages = h_j * alpha
    # scatter-add messages to destination (row) nodes
    out = jnp.zeros_like(h).at[row].add(messages)
    return out

if __name__ == "__main__":
    import jax
    _d = setup_inputs()
    print(jax.jit(kernel)(*tuple(_d.values())))

</pallas_src>

<mosaic_0001>
#map = affine_map<(d0, d1) -> (0, 0)>
#map1 = affine_map<(d0, d1) -> (0, 0, 0)>
module attributes {stable_mosaic.version = 14 : i64} {
  func.func @_sc_edges(%arg0: i32, %arg1: i32, %arg2: memref<10000x128xf32, #tpu.memory_space<hbm>>, %arg3: memref<10000x256xf32, #tpu.memory_space<hbm>>, %arg4: memref<320000x128xf32, #tpu.memory_space<hbm>>, %arg5: memref<8000x2x40xi32, #tpu.memory_space<hbm>>, %arg6: memref<10240x128xf32, #tpu.memory_space<hbm>>, %arg7: memref<2x10240x128xf32, #tpu.memory_space<hbm>>, %arg8: memref<2x2x40xi32, #tpu.memory_space<vmem>>, %arg9: memref<2x40x128xf32, #tpu.memory_space<vmem>>, %arg10: memref<2x40x256xf32, #tpu.memory_space<vmem>>, %arg11: memref<2x40x128xf32, #tpu.memory_space<vmem>>, %arg12: memref<10240x128xf32, #tpu.memory_space<vmem_shared>>, %arg13: memref<!tpu.dma_semaphore, #tpu.memory_space<semaphore_mem>>, %arg14: memref<!tpu.dma_semaphore, #tpu.memory_space<semaphore_mem>>) attributes {dimension_semantics = [#tpu.dimension_semantics<core_parallel>, #tpu.dimension_semantics<subcore_parallel>], iteration_bounds = array<i64: 2, 16>, scalar_prefetch = 0 : i64, scratch_operands = 7 : i64, tpu.core_type = #tpu.core_type<sc_vector_subcore>, window_params = [{transform_indices = #map}, {transform_indices = #map}, {transform_indices = #map}, {transform_indices = #map1}, {transform_indices = #map}, {transform_indices = #map1}]} {
    %mul3A = arith.constant 640 : i32
    %mul3A_0 = arith.muli %arg1, %mul3A : i32
    "tpu.region"() ({
      %run_scoped3A_113 = tpu.sem_alloc : memref<!tpu.dma_semaphore, #tpu.memory_space<semaphore_mem>>
      %dma_start3A_114 = arith.constant 0 : i32
      %dma_start3A_115 = tpu.memref_slice %arg12[%mul3A_0, %dma_start3A_114] : memref<10240x128xf32, #tpu.memory_space<vmem_shared>> -> memref<640x128xf32, #tpu.memory_space<vmem_shared>>
      %dma_start3A_116 = arith.constant 0 : i32
      %dma_start3A_117 = tpu.memref_slice %arg6[%mul3A_0, %dma_start3A_116] : memref<10240x128xf32, #tpu.memory_space<hbm>> -> memref<640x128xf32, #tpu.memory_space<hbm>>
      tpu.enqueue_dma source(%dma_start3A_117 : memref<640x128xf32, #tpu.memory_space<hbm>>) target(%dma_start3A_115 : memref<640x128xf32, #tpu.memory_space<vmem_shared>>) target_semaphore(%run_scoped3A_113 : memref<!tpu.dma_semaphore, #tpu.memory_space<semaphore_mem>>)
      %dma_wait3A = arith.constant 0 : i32
      %dma_wait3A_118 = tpu.memref_slice %arg12[%mul3A_0, %dma_wait3A] : memref<10240x128xf32, #tpu.memory_space<vmem_shared>> -> memref<640x128xf32, #tpu.memory_space<vmem_shared>>
      %dma_wait3A_119 = arith.constant 0 : i32
      %dma_wait3A_120 = tpu.memref_slice %arg6[%mul3A_0, %dma_wait3A_119] : memref<10240x128xf32, #tpu.memory_space<hbm>> -> memref<640x128xf32, #tpu.memory_space<hbm>>
      tpu.wait_dma2 semaphore(%run_scoped3A_113 : memref<!tpu.dma_semaphore, #tpu.memory_space<semaphore_mem>>) src(%dma_wait3A_120 : memref<640x128xf32, #tpu.memory_space<hbm>>) dst(%dma_wait3A_118 : memref<640x128xf32, #tpu.memory_space<vmem_shared>>)
      tpu.yield
    }) : () -> ()
    %mul3A_1 = arith.constant 160000 : i32
    %mul3A_2 = arith.muli %arg0, %mul3A_1 : i32
    %mul3A_3 = arith.constant 10000 : i32
    %mul3A_4 = arith.muli %arg1, %mul3A_3 : i32
    %add3A = arith.addi %mul3A_2, %mul3A_4 : i32
    %jit3A = arith.constant 40 : i32
    %div3A = arith.divsi %add3A, %jit3A : i32
    %sign3A = arith.constant 0 : i32
    %sign3A_5 = arith.cmpi sgt, %add3A, %sign3A : i32
    %sign3A_6 = arith.extui %sign3A_5 : i1 to i32
    %sign3A_7 = arith.constant 0 : i32
    %sign3A_8 = arith.cmpi slt, %add3A, %sign3A_7 : i32
    %sign3A_9 = arith.extui %sign3A_8 : i1 to i32
    %sign3A_10 = arith.subi %sign3A_6, %sign3A_9 : i32
    %sign3A_11 = arith.constant 0 : i32
    %sign3A_12 = arith.cmpi sgt, %jit3A, %sign3A_11 : i32
    %sign3A_13 = arith.extui %sign3A_12 : i1 to i32
    %sign3A_14 = arith.constant 0 : i32
    %sign3A_15 = arith.cmpi slt, %jit3A, %sign3A_14 : i32
    %sign3A_16 = arith.extui %sign3A_15 : i1 to i32
    %sign3A_17 = arith.subi %sign3A_13, %sign3A_16 : i32
    %ne3A = arith.cmpi ne, %sign3A_10, %sign3A_17 : i32
    %rem3A = arith.remsi %add3A, %jit3A : i32
    %ne3A_18 = arith.constant 0 : i32
    %ne3A_19 = arith.cmpi ne, %rem3A, %ne3A_18 : i32
    %and3A = arith.andi %ne3A, %ne3A_19 : i1
    %sub3A = arith.constant 1 : i32
    %sub3A_20 = arith.subi %div3A, %sub3A : i32
    %select_n3A = arith.select %and3A, %sub3A_20, %div3A : i32
    %add3A_21 = arith.constant 0 : i32
    %add3A_22 = arith.addi %select_n3A, %add3A_21 : i32
    %run_scoped3A = arith.constant 0 : i32
    "tpu.region"() ({
      %run_scoped3A_113 = tpu.sem_alloc : memref<!tpu.dma_semaphore, #tpu.memory_space<semaphore_mem>>
      %dma_start3A_114 = arith.constant 0 : i32
      %dma_start3A_115 = arith.constant 0 : i32
      %dma_start3A_116 = tpu.memref_slice %arg8[%run_scoped3A, %dma_start3A_114, %dma_start3A_115] : memref<2x2x40xi32, #tpu.memory_space<vmem>> -> memref<1x2x40xi32, #tpu.memory_space<vmem>>
      %dma_start3A_117 = tpu.memref_squeeze %dma_start3A_116 : memref<1x2x40xi32, #tpu.memory_space<vmem>> -> memref<2x40xi32, #tpu.memory_space<vmem>>
      %dma_start3A_118 = arith.constant 0 : i32
      %dma_start3A_119 = arith.constant 0 : i32
      %dma_start3A_120 = tpu.memref_slice %arg5[%add3A_22, %dma_start3A_118, %dma_start3A_119] : memref<8000x2x40xi32, #tpu.memory_space<hbm>> -> memref<1x2x40xi32, #tpu.memory_space<hbm>>
      %dma_start3A_121 = tpu.memref_squeeze %dma_start3A_120 : memref<1x2x40xi32, #tpu.memory_space<hbm>> -> memref<2x40xi32, #tpu.memory_space<hbm>>
      %dma_start3A_122 = arith.constant 0 : i32
      %dma_start3A_123 = arith.constant 0 : i32
      %dma_start3A_124 = tpu.memref_slice %arg8[%run_scoped3A, %dma_start3A_122, %dma_start3A_123] : memref<2x2x40xi32, #tpu.memory_space<vmem>> -> memref<1x2x40xi32, #tpu.memory_space<vmem>>
      %dma_start3A_125 = tpu.memref_squeeze %dma_start3A_124 : memref<1x2x40xi32, #tpu.memory_space<vmem>> -> memref<2x40xi32, #tpu.memory_space<vmem>>
      %dma_start3A_126 = arith.constant 0 : i32
      %dma_start3A_127 = arith.constant 0 : i32
      %dma_start3A_128 = tpu.memref_slice %arg5[%add3A_22, %dma_start3A_126, %dma_start3A_127] : memref<8000x2x40xi32, #tpu.memory_space<hbm>> -> memref<1x2x40xi32, #tpu.memory_space<hbm>>
      %dma_start3A_129 = tpu.memref_squeeze %dma_start3A_128 : memref<1x2x40xi32, #tpu.memory_space<hbm>> -> memref<2x40xi32, #tpu.memory_space<hbm>>
      tpu.enqueue_dma source(%dma_start3A_129 : memref<2x40xi32, #tpu.memory_space<hbm>>) target(%dma_start3A_125 : memref<2x40xi32, #tpu.memory_space<vmem>>) target_semaphore(%run_scoped3A_113 : memref<!tpu.dma_semaphore, #tpu.memory_space<semaphore_mem>>)
      %dma_wait3A = arith.constant 0 : i32
      %dma_wait3A_130 = arith.constant 0 : i32
      %dma_wait3A_131 = tpu.memref_slice %arg8[%run_scoped3A, %dma_wait3A, %dma_wait3A_130] : memref<2x2x40xi32, #tpu.memory_space<vmem>> -> memref<1x2x40xi32, #tpu.memory_space<vmem>>
      %dma_wait3A_132 = tpu.memref_squeeze %dma_wait3A_131 : memref<1x2x40xi32, #tpu.memory_space<vmem>> -> memref<2x40xi32, #tpu.memory_space<vmem>>
      %dma_wait3A_133 = arith.constant 0 : i32
      %dma_wait3A_134 = arith.constant 0 : i32
      %dma_wait3A_135 = tpu.memref_slice %arg5[%add3A_22, %dma_wait3A_133, %dma_wait3A_134] : memref<8000x2x40xi32, #tpu.memory_space<hbm>> -> memref<1x2x40xi32, #tpu.memory_space<hbm>>
      %dma_wait3A_136 = tpu.memref_squeeze %dma_wait3A_135 : memref<1x2x40xi32, #tpu.memory_space<hbm>> -> memref<2x40xi32, #tpu.memory_space<hbm>>
      %dma_wait3A_137 = arith.constant 0 : i32
      %dma_wait3A_138 = arith.constant 0 : i32
      %dma_wait3A_139 = tpu.memref_slice %arg8[%run_scoped3A, %dma_wait3A_137, %dma_wait3A_138] : memref<2x2x40xi32, #tpu.memory_space<vmem>> -> memref<1x2x40xi32, #tpu.memory_space<vmem>>
      %dma_wait3A_140 = tpu.memref_squeeze %dma_wait3A_139 : memref<1x2x40xi32, #tpu.memory_space<vmem>> -> memref<2x40xi32, #tpu.memory_space<vmem>>
      %dma_wait3A_141 = arith.constant 0 : i32
      %dma_wait3A_142 = arith.constant 0 : i32
      %dma_wait3A_143 = tpu.memref_slice %arg5[%add3A_22, %dma_wait3A_141, %dma_wait3A_142] : memref<8000x2x40xi32, #tpu.memory_space<hbm>> -> memref<1x2x40xi32, #tpu.memory_space<hbm>>
      %dma_wait3A_144 = tpu.memref_squeeze %dma_wait3A_143 : memref<1x2x40xi32, #tpu.memory_space<hbm>> -> memref<2x40xi32, #tpu.memory_space<hbm>>
      tpu.wait_dma2 semaphore(%run_scoped3A_113 : memref<!tpu.dma_semaphore, #tpu.memory_space<semaphore_mem>>) src(%dma_wait3A_144 : memref<2x40xi32, #tpu.memory_space<hbm>>) dst(%dma_wait3A_140 : memref<2x40xi32, #tpu.memory_space<vmem>>)
      tpu.yield
    }) : () -> ()
    %dma_start3A = arith.constant 0 : i32
    %dma_start3A_23 = arith.constant 0 : i32
    %dma_start3A_24 = arith.constant 0 : i32
    %dma_start3A_25 = arith.constant 0 : i32
    %dma_start3A_26 = arith.constant 0 : i32
    %dma_start3A_27 = tpu.memref_slice %arg9[%dma_start3A_24, %dma_start3A_25, %dma_start3A_26] : memref<2x40x128xf32, #tpu.memory_space<vmem>> -> memref<1x40x128xf32, #tpu.memory_space<vmem>>
    %dma_start3A_28 = tpu.memref_squeeze %dma_start3A_27 : memref<1x40x128xf32, #tpu.memory_space<vmem>> -> memref<40x128xf32, #tpu.memory_space<vmem>>
    %dma_start3A_29 = arith.constant 0 : i32
    %dma_start3A_30 = tpu.memref_slice %arg8[%dma_start3A, %dma_start3A_23, %dma_start3A_29] : memref<2x2x40xi32, #tpu.memory_space<vmem>> -> memref<1x1x40xi32, #tpu.memory_space<vmem>>
    %dma_start3A_31 = tpu.memref_squeeze %dma_start3A_30 : memref<1x1x40xi32, #tpu.memory_space<vmem>> -> memref<40xi32, #tpu.memory_space<vmem>>
    %dma_start3A_32 = arith.constant 0 : i32
    %dma_start3A_33 = arith.constant 0 : i32
    %dma_start3A_34 = tpu.memref_slice %arg2[%dma_start3A_32, %dma_start3A_33] : memref<10000x128xf32, #tpu.memory_space<hbm>> -> memref<10000x128xf32, #tpu.memory_space<hbm>>
    tpu.enqueue_indirect_dma source(%dma_start3A_34 : memref<10000x128xf32, #tpu.memory_space<hbm>>) target(%dma_start3A_28 : memref<40x128xf32, #tpu.memory_space<vmem>>) offsets(%dma_start3A_31 : memref<40xi32, #tpu.memory_space<vmem>>) semaphore(%arg13 : memref<!tpu.dma_semaphore, #tpu.memory_space<semaphore_mem>>)
    %dma_start3A_35 = arith.constant 0 : i32
    %dma_start3A_36 = arith.constant 1 : i32
    %dma_start3A_37 = arith.constant 0 : i32
    %dma_start3A_38 = arith.constant 0 : i32
    %dma_start3A_39 = arith.constant 0 : i32
    %dma_start3A_40 = tpu.memref_slice %arg10[%dma_start3A_37, %dma_start3A_38, %dma_start3A_39] : memref<2x40x256xf32, #tpu.memory_space<vmem>> -> memref<1x40x256xf32, #tpu.memory_space<vmem>>
    %dma_start3A_41 = tpu.memref_squeeze %dma_start3A_40 : memref<1x40x256xf32, #tpu.memory_space<vmem>> -> memref<40x256xf32, #tpu.memory_space<vmem>>
    %dma_start3A_42 = arith.constant 0 : i32
    %dma_start3A_43 = tpu.memref_slice %arg8[%dma_start3A_35, %dma_start3A_36, %dma_start3A_42] : memref<2x2x40xi32, #tpu.memory_space<vmem>> -> memref<1x1x40xi32, #tpu.memory_space<vmem>>
    %dma_start3A_44 = tpu.memref_squeeze %dma_start3A_43 : memref<1x1x40xi32, #tpu.memory_space<vmem>> -> memref<40xi32, #tpu.memory_space<vmem>>
    %dma_start3A_45 = arith.constant 0 : i32
    %dma_start3A_46 = arith.constant 0 : i32
    %dma_start3A_47 = tpu.memref_slice %arg3[%dma_start3A_45, %dma_start3A_46] : memref<10000x256xf32, #tpu.memory_space<hbm>> -> memref<10000x256xf32, #tpu.memory_space<hbm>>
    tpu.enqueue_indirect_dma source(%dma_start3A_47 : memref<10000x256xf32, #tpu.memory_space<hbm>>) target(%dma_start3A_41 : memref<40x256xf32, #tpu.memory_space<vmem>>) offsets(%dma_start3A_44 : memref<40xi32, #tpu.memory_space<vmem>>) semaphore(%arg13 : memref<!tpu.dma_semaphore, #tpu.memory_space<semaphore_mem>>)
    %add3A_48 = arith.constant 0 : i32
    %add3A_49 = arith.addi %add3A, %add3A_48 : i32
    %dma_start3A_50 = arith.constant 0 : i32
    %dma_start3A_51 = arith.constant 0 : i32
    %dma_start3A_52 = arith.constant 0 : i32
    %dma_start3A_53 = tpu.memref_slice %arg11[%dma_start3A_50, %dma_start3A_51, %dma_start3A_52] : memref<2x40x128xf32, #tpu.memory_space<vmem>> -> memref<1x40x128xf32, #tpu.memory_space<vmem>>
    %dma_start3A_54 = tpu.memref_squeeze %dma_start3A_53 : memref<1x40x128xf32, #tpu.memory_space<vmem>> -> memref<40x128xf32, #tpu.memory_space<vmem>>
    %dma_start3A_55 = arith.constant 0 : i32
    %dma_start3A_56 = tpu.memref_slice %arg4[%add3A_49, %dma_start3A_55] : memref<320000x128xf32, #tpu.memory_space<hbm>> -> memref<40x128xf32, #tpu.memory_space<hbm>>
    %dma_start3A_57 = arith.constant 0 : i32
    %dma_start3A_58 = arith.constant 0 : i32
    %dma_start3A_59 = tpu.memref_slice %arg11[%dma_start3A_50, %dma_start3A_57, %dma_start3A_58] : memref<2x40x128xf32, #tpu.memory_space<vmem>> -> memref<1x40x128xf32, #tpu.memory_space<vmem>>
    %dma_start3A_60 = tpu.memref_squeeze %dma_start3A_59 : memref<1x40x128xf32, #tpu.memory_space<vmem>> -> memref<40x128xf32, #tpu.memory_space<vmem>>
    %dma_start3A_61 = arith.constant 0 : i32
    %dma_start3A_62 = tpu.memref_slice %arg4[%add3A_49, %dma_start3A_61] : memref<320000x128xf32, #tpu.memory_space<hbm>> -> memref<40x128xf32, #tpu.memory_space<hbm>>
    tpu.enqueue_dma source(%dma_start3A_62 : memref<40x128xf32, #tpu.memory_space<hbm>>) target(%dma_start3A_60 : memref<40x128xf32, #tpu.memory_space<vmem>>) target_semaphore(%arg13 : memref<!tpu.dma_semaphore, #tpu.memory_space<semaphore_mem>>)
    %add3A_63 = arith.constant 1 : i32
    %add3A_64 = arith.addi %select_n3A, %add3A_63 : i32
    %run_scoped3A_65 = arith.constant 1 : i32
    "tpu.region"() ({
      %run_scoped3A_113 = tpu.sem_alloc : memref<!tpu.dma_semaphore, #tpu.memory_space<semaphore_mem>>
      %dma_start3A_114 = arith.constant 0 : i32
      %dma_start3A_115 = arith.constant 0 : i32
      %dma_start3A_116 = tpu.memref_slice %arg8[%run_scoped3A_65, %dma_start3A_114, %dma_start3A_115] : memref<2x2x40xi32, #tpu.memory_space<vmem>> -> memref<1x2x40xi32, #tpu.memory_space<vmem>>
      %dma_start3A_117 = tpu.memref_squeeze %dma_start3A_116 : memref<1x2x40xi32, #tpu.memory_space<vmem>> -> memref<2x40xi32, #tpu.memory_space<vmem>>
      %dma_start3A_118 = arith.constant 0 : i32
      %dma_start3A_119 = arith.constant 0 : i32
      %dma_start3A_120 = tpu.memref_slice %arg5[%add3A_64, %dma_start3A_118, %dma_start3A_119] : memref<8000x2x40xi32, #tpu.memory_space<hbm>> -> memref<1x2x40xi32, #tpu.memory_space<hbm>>
      %dma_start3A_121 = tpu.memref_squeeze %dma_start3A_120 : memref<1x2x40xi32, #tpu.memory_space<hbm>> -> memref<2x40xi32, #tpu.memory_space<hbm>>
      %dma_start3A_122 = arith.constant 0 : i32
      %dma_start3A_123 = arith.constant 0 : i32
      %dma_start3A_124 = tpu.memref_slice %arg8[%run_scoped3A_65, %dma_start3A_122, %dma_start3A_123] : memref<2x2x40xi32, #tpu.memory_space<vmem>> -> memref<1x2x40xi32, #tpu.memory_space<vmem>>
      %dma_start3A_125 = tpu.memref_squeeze %dma_start3A_124 : memref<1x2x40xi32, #tpu.memory_space<vmem>> -> memref<2x40xi32, #tpu.memory_space<vmem>>
      %dma_start3A_126 = arith.constant 0 : i32
      %dma_start3A_127 = arith.constant 0 : i32
      %dma_start3A_128 = tpu.memref_slice %arg5[%add3A_64, %dma_start3A_126, %dma_start3A_127] : memref<8000x2x40xi32, #tpu.memory_space<hbm>> -> memref<1x2x40xi32, #tpu.memory_space<hbm>>
      %dma_start3A_129 = tpu.memref_squeeze %dma_start3A_128 : memref<1x2x40xi32, #tpu.memory_space<hbm>> -> memref<2x40xi32, #tpu.memory_space<hbm>>
      tpu.enqueue_dma source(%dma_start3A_129 : memref<2x40xi32, #tpu.memory_space<hbm>>) target(%dma_start3A_125 : memref<2x40xi32, #tpu.memory_space<vmem>>) target_semaphore(%run_scoped3A_113 : memref<!tpu.dma_semaphore, #tpu.memory_space<semaphore_mem>>)
      %dma_wait3A = arith.constant 0 : i32
      %dma_wait3A_130 = arith.constant 0 : i32
      %dma_wait3A_131 = tpu.memref_slice %arg8[%run_scoped3A_65, %dma_wait3A, %dma_wait3A_130] : memref<2x2x40xi32, #tpu.memory_space<vmem>> -> memref<1x2x40xi32, #tpu.memory_space<vmem>>
      %dma_wait3A_132 = tpu.memref_squeeze %dma_wait3A_131 : memref<1x2x40xi32, #tpu.memory_space<vmem>> -> memref<2x40xi32, #tpu.memory_space<vmem>>
      %dma_wait3A_133 = arith.constant 0 : i32
      %dma_wait3A_134 = arith.constant 0 : i32
      %dma_wait3A_135 = tpu.memref_slice %arg5[%add3A_64, %dma_wait3A_133, %dma_wait3A_134] : memref<8000x2x40xi32, #tpu.memory_space<hbm>> -> memref<1x2x40xi32, #tpu.memory_space<hbm>>
      %dma_wait3A_136 = tpu.memref_squeeze %dma_wait3A_135 : memref<1x2x40xi32, #tpu.memory_space<hbm>> -> memref<2x40xi32, #tpu.memory_space<hbm>>
      %dma_wait3A_137 = arith.constant 0 : i32
      %dma_wait3A_138 = arith.constant 0 : i32
      %dma_wait3A_139 = tpu.memref_slice %arg8[%run_scoped3A_65, %dma_wait3A_137, %dma_wait3A_138] : memref<2x2x40xi32, #tpu.memory_space<vmem>> -> memref<1x2x40xi32, #tpu.memory_space<vmem>>
      %dma_wait3A_140 = tpu.memref_squeeze %dma_wait3A_139 : memref<1x2x40xi32, #tpu.memory_space<vmem>> -> memref<2x40xi32, #tpu.memory_space<vmem>>
      %dma_wait3A_141 = arith.constant 0 : i32
      %dma_wait3A_142 = arith.constant 0 : i32
      %dma_wait3A_143 = tpu.memref_slice %arg5[%add3A_64, %dma_wait3A_141, %dma_wait3A_142] : memref<8000x2x40xi32, #tpu.memory_space<hbm>> -> memref<1x2x40xi32, #tpu.memory_space<hbm>>
      %dma_wait3A_144 = tpu.memref_squeeze %dma_wait3A_143 : memref<1x2x40xi32, #tpu.memory_space<hbm>> -> memref<2x40xi32, #tpu.memory_space<hbm>>
      tpu.wait_dma2 semaphore(%run_scoped3A_113 : memref<!tpu.dma_semaphore, #tpu.memory_space<semaphore_mem>>) src(%dma_wait3A_144 : memref<2x40xi32, #tpu.memory_space<hbm>>) dst(%dma_wait3A_140 : memref<2x40xi32, #tpu.memory_space<vmem>>)
      tpu.yield
    }) : () -> ()
    %dma_start3A_66 = arith.constant 1 : i32
    %dma_start3A_67 = arith.constant 0 : i32
    %dma_start3A_68 = arith.constant 1 : i32
    %dma_start3A_69 = arith.constant 0 : i32
    %dma_start3A_70 = arith.constant 0 : i32
    %dma_start3A_71 = tpu.memref_slice %arg9[%dma_start3A_68, %dma_start3A_69, %dma_start3A_70] : memref<2x40x128xf32, #tpu.memory_space<vmem>> -> memref<1x40x128xf32, #tpu.memory_space<vmem>>
    %dma_start3A_72 = tpu.memref_squeeze %dma_start3A_71 : memref<1x40x128xf32, #tpu.memory_space<vmem>> -> memref<40x128xf32, #tpu.memory_space<vmem>>
    %dma_start3A_73 = arith.constant 0 : i32
    %dma_start3A_74 = tpu.memref_slice %arg8[%dma_start3A_66, %dma_start3A_67, %dma_start3A_73] : memref<2x2x40xi32, #tpu.memory_space<vmem>> -> memref<1x1x40xi32, #tpu.memory_space<vmem>>
    %dma_start3A_75 = tpu.memref_squeeze %dma_start3A_74 : memref<1x1x40xi32, #tpu.memory_space<vmem>> -> memref<40xi32, #tpu.memory_space<vmem>>
    %dma_start3A_76 = arith.constant 0 : i32
    %dma_start3A_77 = arith.constant 0 : i32
    %dma_start3A_78 = tpu.memref_slice %arg2[%dma_start3A_76, %dma_start3A_77] : memref<10000x128xf32, #tpu.memory_space<hbm>> -> memref<10000x128xf32, #tpu.memory_space<hbm>>
    tpu.enqueue_indirect_dma source(%dma_start3A_78 : memref<10000x128xf32, #tpu.memory_space<hbm>>) target(%dma_start3A_72 : memref<40x128xf32, #tpu.memory_space<vmem>>) offsets(%dma_start3A_75 : memref<40xi32, #tpu.memory_space<vmem>>) semaphore(%arg14 : memref<!tpu.dma_semaphore, #tpu.memory_space<semaphore_mem>>)
    %dma_start3A_79 = arith.constant 1 : i32
    %dma_start3A_80 = arith.constant 1 : i32
    %dma_start3A_81 = arith.constant 1 : i32
    %dma_start3A_82 = arith.constant 0 : i32
    %dma_start3A_83 = arith.constant 0 : i32
    %dma_start3A_84 = tpu.memref_slice %arg10[%dma_start3A_81, %dma_start3A_82, %dma_start3A_83] : memref<2x40x256xf32, #tpu.memory_space<vmem>> -> memref<1x40x256xf32, #tpu.memory_space<vmem>>
    %dma_start3A_85 = tpu.memref_squeeze %dma_start3A_84 : memref<1x40x256xf32, #tpu.memory_space<vmem>> -> memref<40x256xf32, #tpu.memory_space<vmem>>
    %dma_start3A_86 = arith.constant 0 : i32
    %dma_start3A_87 = tpu.memref_slice %arg8[%dma_start3A_79, %dma_start3A_80, %dma_start3A_86] : memref<2x2x40xi32, #tpu.memory_space<vmem>> -> memref<1x1x40xi32, #tpu.memory_space<vmem>>
    %dma_start3A_88 = tpu.memref_squeeze %dma_start3A_87 : memref<1x1x40xi32, #tpu.memory_space<vmem>> -> memref<40xi32, #tpu.memory_space<vmem>>
    %dma_start3A_89 = arith.constant 0 : i32
    %dma_start3A_90 = arith.constant 0 : i32
    %dma_start3A_91 = tpu.memref_slice %arg3[%dma_start3A_89, %dma_start3A_90] : memref<10000x256xf32, #tpu.memory_space<hbm>> -> memref<10000x256xf32, #tpu.memory_space<hbm>>
    tpu.enqueue_indirect_dma source(%dma_start3A_91 : memref<10000x256xf32, #tpu.memory_space<hbm>>) target(%dma_start3A_85 : memref<40x256xf32, #tpu.memory_space<vmem>>) offsets(%dma_start3A_88 : memref<40xi32, #tpu.memory_space<vmem>>) semaphore(%arg14 : memref<!tpu.dma_semaphore, #tpu.memory_space<semaphore_mem>>)
    %add3A_92 = arith.constant 40 : i32
    %add3A_93 = arith.addi %add3A, %add3A_92 : i32
    %dma_start3A_94 = arith.constant 1 : i32
    %dma_start3A_95 = arith.constant 0 : i32
    %dma_start3A_96 = arith.constant 0 : i32
    %dma_start3A_97 = tpu.memref_slice %arg11[%dma_start3A_94, %dma_start3A_95, %dma_start3A_96] : memref<2x40x128xf32, #tpu.memory_space<vmem>> -> memref<1x40x128xf32, #tpu.memory_space<vmem>>
    %dma_start3A_98 = tpu.memref_squeeze %dma_start3A_97 : memref<1x40x128xf32, #tpu.memory_space<vmem>> -> memref<40x128xf32, #tpu.memory_space<vmem>>
    %dma_start3A_99 = arith.constant 0 : i32
    %dma_start3A_100 = tpu.memref_slice %arg4[%add3A_93, %dma_start3A_99] : memref<320000x128xf32, #tpu.memory_space<hbm>> -> memref<40x128xf32, #tpu.memory_space<hbm>>
    %dma_start3A_101 = arith.constant 0 : i32
    %dma_start3A_102 = arith.constant 0 : i32
    %dma_start3A_103 = tpu.memref_slice %arg11[%dma_start3A_94, %dma_start3A_101, %dma_start3A_102] : memref<2x40x128xf32, #tpu.memory_space<vmem>> -> memref<1x40x128xf32, #tpu.memory_space<vmem>>
    %dma_start3A_104 = tpu.memref_squeeze %dma_start3A_103 : memref<1x40x128xf32, #tpu.memory_space<vmem>> -> memref<40x128xf32, #tpu.memory_space<vmem>>
    %dma_start3A_105 = arith.constant 0 : i32
    %dma_start3A_106 = tpu.memref_slice %arg4[%add3A_93, %dma_start3A_105] : memref<320000x128xf32, #tpu.memory_space<hbm>> -> memref<40x128xf32, #tpu.memory_space<hbm>>
    tpu.enqueue_dma source(%dma_start3A_106 : memref<40x128xf32, #tpu.memory_space<hbm>>) target(%dma_start3A_104 : memref<40x128xf32, #tpu.memory_space<vmem>>) target_semaphore(%arg14 : memref<!tpu.dma_semaphore, #tpu.memory_space<semaphore_mem>>)
    %barrier3A = arith.constant 0 : index
    tpu.barrier barrier_id(%barrier3A)
    %scan3A = arith.constant 0 : i32
    %scan3A_107 = arith.constant 0 : i32
    %scan3A_108 = arith.constant 125 : i32
    %scan3A_109 = arith.addi %scan3A_107, %scan3A_108 : i32
    %scan3A_110 = arith.constant 1 : i32
    scf.for %scan3A_113 = %scan3A_107 to %scan3A_109 step %scan3A_110  : i32 {
      %mul3A_114 = arith.constant 2 : i32
      %mul3A_115 = arith.muli %scan3A_113, %mul3A_114 : i32
      %add3A_116 = arith.constant 0 : i32
      %add3A_117 = arith.addi %mul3A_115, %add3A_116 : i32
      %mul3A_118 = arith.constant 40 : i32
      %mul3A_119 = arith.muli %add3A_117, %mul3A_118 : i32
      %add3A_120 = arith.addi %add3A, %mul3A_119 : i32
      %dma_wait3A = arith.constant 0 : i32
      %dma_wait3A_121 = arith.constant 0 : i32
      %dma_wait3A_122 = arith.constant 0 : i32
      %dma_wait3A_123 = arith.constant 0 : i32
      %dma_wait3A_124 = arith.constant 0 : i32
      %dma_wait3A_125 = tpu.memref_slice %arg9[%dma_wait3A_122, %dma_wait3A_123, %dma_wait3A_124] : memref<2x40x128xf32, #tpu.memory_space<vmem>> -> memref<1x40x128xf32, #tpu.memory_space<vmem>>
      %dma_wait3A_126 = tpu.memref_squeeze %dma_wait3A_125 : memref<1x40x128xf32, #tpu.memory_space<vmem>> -> memref<40x128xf32, #tpu.memory_space<vmem>>
      %dma_wait3A_127 = arith.constant 0 : i32
      %dma_wait3A_128 = tpu.memref_slice %arg8[%dma_wait3A, %dma_wait3A_121, %dma_wait3A_127] : memref<2x2x40xi32, #tpu.memory_space<vmem>> -> memref<1x1x40xi32, #tpu.memory_space<vmem>>
      %dma_wait3A_129 = tpu.memref_squeeze %dma_wait3A_128 : memref<1x1x40xi32, #tpu.memory_space<vmem>> -> memref<40xi32, #tpu.memory_space<vmem>>
      %dma_wait3A_130 = arith.constant 0 : i32
      %dma_wait3A_131 = arith.constant 0 : i32
      %dma_wait3A_132 = tpu.memref_slice %arg2[%dma_wait3A_130, %dma_wait3A_131] : memref<10000x128xf32, #tpu.memory_space<hbm>> -> memref<10000x128xf32, #tpu.memory_space<hbm>>
      tpu.wait_indirect_dma semaphore(%arg13 : memref<!tpu.dma_semaphore, #tpu.memory_space<semaphore_mem>>) src(%dma_wait3A_132 : memref<10000x128xf32, #tpu.memory_space<hbm>>) dst(%dma_wait3A_126 : memref<40x128xf32, #tpu.memory_space<vmem>>)
      %dma_wait3A_133 = arith.constant 0 : i32
      %dma_wait3A_134 = arith.constant 1 : i32
      %dma_wait3A_135 = arith.constant 0 : i32
      %dma_wait3A_136 = arith.constant 0 : i32
      %dma_wait3A_137 = arith.constant 0 : i32
      %dma_wait3A_138 = tpu.memref_slice %arg10[%dma_wait3A_135, %dma_wait3A_136, %dma_wait3A_137] : memref<2x40x256xf32, #tpu.memory_space<vmem>> -> memref<1x40x256xf32, #tpu.memory_space<vmem>>
      %dma_wait3A_139 = tpu.memref_squeeze %dma_wait3A_138 : memref<1x40x256xf32, #tpu.memory_space<vmem>> -> memref<40x256xf32, #tpu.memory_space<vmem>>
      %dma_wait3A_140 = arith.constant 0 : i32
      %dma_wait3A_141 = tpu.memref_slice %arg8[%dma_wait3A_133, %dma_wait3A_134, %dma_wait3A_140] : memref<2x2x40xi32, #tpu.memory_space<vmem>> -> memref<1x1x40xi32, #tpu.memory_space<vmem>>
      %dma_wait3A_142 = tpu.memref_squeeze %dma_wait3A_141 : memref<1x1x40xi32, #tpu.memory_space<vmem>> -> memref<40xi32, #tpu.memory_space<vmem>>
      %dma_wait3A_143 = arith.constant 0 : i32
      %dma_wait3A_144 = arith.constant 0 : i32
      %dma_wait3A_145 = tpu.memref_slice %arg3[%dma_wait3A_143, %dma_wait3A_144] : memref<10000x256xf32, #tpu.memory_space<hbm>> -> memref<10000x256xf32, #tpu.memory_space<hbm>>
      tpu.wait_indirect_dma semaphore(%arg13 : memref<!tpu.dma_semaphore, #tpu.memory_space<semaphore_mem>>) src(%dma_wait3A_145 : memref<10000x256xf32, #tpu.memory_space<hbm>>) dst(%dma_wait3A_139 : memref<40x256xf32, #tpu.memory_space<vmem>>)
      %dma_wait3A_146 = arith.constant 0 : i32
      %dma_wait3A_147 = arith.constant 0 : i32
      %dma_wait3A_148 = arith.constant 0 : i32
      %dma_wait3A_149 = tpu.memref_slice %arg11[%dma_wait3A_146, %dma_wait3A_147, %dma_wait3A_148] : memref<2x40x128xf32, #tpu.memory_space<vmem>> -> memref<1x40x128xf32, #tpu.memory_space<vmem>>
      %dma_wait3A_150 = tpu.memref_squeeze %dma_wait3A_149 : memref<1x40x128xf32, #tpu.memory_space<vmem>> -> memref<40x128xf32, #tpu.memory_space<vmem>>
      %dma_wait3A_151 = arith.constant 0 : i32
      %dma_wait3A_152 = tpu.memref_slice %arg4[%add3A_120, %dma_wait3A_151] : memref<320000x128xf32, #tpu.memory_space<hbm>> -> memref<40x128xf32, #tpu.memory_space<hbm>>
      %dma_wait3A_153 = arith.constant 0 : i32
      %dma_wait3A_154 = arith.constant 0 : i32
      %dma_wait3A_155 = tpu.memref_slice %arg11[%dma_wait3A_146, %dma_wait3A_153, %dma_wait3A_154] : memref<2x40x128xf32, #tpu.memory_space<vmem>> -> memref<1x40x128xf32, #tpu.memory_space<vmem>>
      %dma_wait3A_156 = tpu.memref_squeeze %dma_wait3A_155 : memref<1x40x128xf32, #tpu.memory_space<vmem>> -> memref<40x128xf32, #tpu.memory_space<vmem>>
      %dma_wait3A_157 = arith.constant 0 : i32
      %dma_wait3A_158 = tpu.memref_slice %arg4[%add3A_120, %dma_wait3A_157] : memref<320000x128xf32, #tpu.memory_space<hbm>> -> memref<40x128xf32, #tpu.memory_space<hbm>>
      tpu.wait_dma2 semaphore(%arg13 : memref<!tpu.dma_semaphore, #tpu.memory_space<semaphore_mem>>) src(%dma_wait3A_158 : memref<40x128xf32, #tpu.memory_space<hbm>>) dst(%dma_wait3A_156 : memref<40x128xf32, #tpu.memory_space<vmem>>)
      %parallel_loop3A = arith.constant 0 : i32
      %parallel_loop3A_159 = arith.constant 40 : i32
      %parallel_loop3A_160 = arith.constant 1 : i32
      scf.for %parallel_loop3A_227 = %parallel_loop3A to %parallel_loop3A_159 step %parallel_loop3A_160  : i32 {
        %parallel_loop3A_228 = arith.constant 0 : i32
        %parallel_loop3A_229 = arith.index_cast %parallel_loop3A_228 : i32 to index
        %parallel_loop3A_230 = arith.index_cast %parallel_loop3A_227 : i32 to index
        %parallel_loop3A_231 = arith.constant 0 : index
        %parallel_loop3A_232 = tpu.vector_load %arg9[%parallel_loop3A_229, %parallel_loop3A_230, %parallel_loop3A_231] {strides = array<i32>} : memref<2x40x128xf32, #tpu.memory_space<vmem>>, vector<1x1x16xf32>,
        %parallel_loop3A_233 = vector.shape_cast %parallel_loop3A_232 : vector<1x1x16xf32> to vector<16xf32>
        %parallel_loop3A_234 = arith.constant 0 : i32
        %parallel_loop3A_235 = arith.index_cast %parallel_loop3A_234 : i32 to index
        %parallel_loop3A_236 = arith.index_cast %parallel_loop3A_227 : i32 to index
        %parallel_loop3A_237 = arith.constant 0 : index
        %parallel_loop3A_238 = tpu.vector_load %arg10[%parallel_loop3A_235, %parallel_loop3A_236, %parallel_loop3A_237] {strides = array<i32>} : memref<2x40x256xf32, #tpu.memory_space<vmem>>, vector<1x1x16xf32>,
        %parallel_loop3A_239 = vector.shape_cast %parallel_loop3A_238 : vector<1x1x16xf32> to vector<16xf32>
        %parallel_loop3A_240 = arith.addf %parallel_loop3A_233, %parallel_loop3A_239 : vector<16xf32>
        %parallel_loop3A_241 = arith.constant 0 : i32
        %parallel_loop3A_242 = arith.index_cast %parallel_loop3A_241 : i32 to index
        %parallel_loop3A_243 = arith.index_cast %parallel_loop3A_227 : i32 to index
        %parallel_loop3A_244 = arith.constant 0 : index
        %parallel_loop3A_245 = tpu.vector_load %arg11[%parallel_loop3A_242, %parallel_loop3A_243, %parallel_loop3A_244] {strides = array<i32>} : memref<2x40x128xf32, #tpu.memory_space<vmem>>, vector<1x1x16xf32>,
        %parallel_loop3A_246 = vector.shape_cast %parallel_loop3A_245 : vector<1x1x16xf32> to vector<16xf32>
        %parallel_loop3A_247 = arith.addf %parallel_loop3A_240, %parallel_loop3A_246 : vector<16xf32>
        %parallel_loop3A_248 = arith.constant 2.000000e-01 : f32
        %parallel_loop3A_249 = vector.broadcast %parallel_loop3A_248 : f32 to vector<16xf32>
        %parallel_loop3A_250 = arith.mulf %parallel_loop3A_247, %parallel_loop3A_249 : vector<16xf32>
        %parallel_loop3A_251 = arith.maximumf %parallel_loop3A_247, %parallel_loop3A_250 : vector<16xf32>
        %parallel_loop3A_252 = arith.constant 0 : i32
        %parallel_loop3A_253 = arith.index_cast %parallel_loop3A_252 : i32 to index
        %parallel_loop3A_254 = arith.index_cast %parallel_loop3A_227 : i32 to index
        %parallel_loop3A_255 = arith.constant 128 : index
        %parallel_loop3A_256 = tpu.vector_load %arg10[%parallel_loop3A_253, %parallel_loop3A_254, %parallel_loop3A_255] {strides = array<i32>} : memref<2x40x256xf32, #tpu.memory_space<vmem>>, vector<1x1x16xf32>,
        %parallel_loop3A_257 = vector.shape_cast %parallel_loop3A_256 : vector<1x1x16xf32> to vector<16xf32>
        %parallel_loop3A_258 = arith.mulf %parallel_loop3A_257, %parallel_loop3A_251 : vector<16xf32>
        %parallel_loop3A_259 = arith.constant 0 : i32
        %parallel_loop3A_260 = arith.index_cast %parallel_loop3A_259 : i32 to index
        %parallel_loop3A_261 = arith.index_cast %parallel_loop3A_227 : i32 to index
        %parallel_loop3A_262 = arith.constant 0 : index
        %parallel_loop3A_263 = tpu.vector_load %arg9[%parallel_loop3A_260, %parallel_loop3A_261, %parallel_loop3A_262] {strides = array<i32>} : memref<2x40x128xf32, #tpu.memory_space<vmem>>, vector<1x1x16xf32>,
        %parallel_loop3A_264 = vector.shape_cast %parallel_loop3A_263 : vector<1x1x16xf32> to vector<16xf32>
        %parallel_loop3A_265 = vector.shape_cast %parallel_loop3A_258 : vector<16xf32> to vector<1x1x16xf32>
        tpu.vector_store %arg9[%parallel_loop3A_260, %parallel_loop3A_261, %parallel_loop3A_262], %parallel_loop3A_265 {strides = array<i32>} : memref<2x40x128xf32, #tpu.memory_space<vmem>>, vector<1x1x16xf32>,
        %parallel_loop3A_266 = arith.constant 0 : i32
        %parallel_loop3A_267 = arith.index_cast %parallel_loop3A_266 : i32 to index
        %parallel_loop3A_268 = arith.index_cast %parallel_loop3A_227 : i32 to index
        %parallel_loop3A_269 = arith.constant 16 : index
        %parallel_loop3A_270 = tpu.vector_load %arg9[%parallel_loop3A_267, %parallel_loop3A_268, %parallel_loop3A_269] {strides = array<i32>} : memref<2x40x128xf32, #tpu.memory_space<vmem>>, vector<1x1x16xf32>,
        %parallel_loop3A_271 = vector.shape_cast %parallel_loop3A_270 : vector<1x1x16xf32> to vector<16xf32>
        %parallel_loop3A_272 = arith.constant 0 : i32
        %parallel_loop3A_273 = arith.index_cast %parallel_loop3A_272 : i32 to index
        %parallel_loop3A_274 = arith.index_cast %parallel_loop3A_227 : i32 to index
        %parallel_loop3A_275 = arith.constant 16 : index
        %parallel_loop3A_276 = tpu.vector_load %arg10[%parallel_loop3A_273, %parallel_loop3A_274, %parallel_loop3A_275] {strides = array<i32>} : memref<2x40x256xf32, #tpu.memory_space<vmem>>, vector<1x1x16xf32>,
        %parallel_loop3A_277 = vector.shape_cast %parallel_loop3A_276 : vector<1x1x16xf32> to vector<16xf32>
        %parallel_loop3A_278 = arith.addf %parallel_loop3A_271, %parallel_loop3A_277 : vector<16xf32>
        %parallel_loop3A_279 = arith.constant 0 : i32
        %parallel_loop3A_280 = arith.index_cast %parallel_loop3A_279 : i32 to index
        %parallel_loop3A_281 = arith.index_cast %parallel_loop3A_227 : i32 to index
        %parallel_loop3A_282 = arith.constant 16 : index
        %parallel_loop3A_283 = tpu.vector_load %arg11[%parallel_loop3A_280, %parallel_loop3A_281, %parallel_loop3A_282] {strides = array<i32>} : memref<2x40x128xf32, #tpu.memory_space<vmem>>, vector<1x1x16xf32>,
        %parallel_loop3A_284 = vector.shape_cast %parallel_loop3A_283 : vector<1x1x16xf32> to vector<16xf32>
        %parallel_loop3A_285 = arith.addf %parallel_loop3A_278, %parallel_loop3A_284 : vector<16xf32>
        %parallel_loop3A_286 = arith.constant 2.000000e-01 : f32
        %parallel_loop3A_287 = vector.broadcast %parallel_loop3A_286 : f32 to vector<16xf32>
        %parallel_loop3A_288 = arith.mulf %parallel_loop3A_285, %parallel_loop3A_287 : vector<16xf32>
        %parallel_loop3A_289 = arith.maximumf %parallel_loop3A_285, %parallel_loop3A_288 : vector<16xf32>
        %parallel_loop3A_290 = arith.constant 0 : i32
        %parallel_loop3A_291 = arith.index_cast %parallel_loop3A_290 : i32 to index
        %parallel_loop3A_292 = arith.index_cast %parallel_loop3A_227 : i32 to index
        %parallel_loop3A_293 = arith.constant 144 : index
        %parallel_loop3A_294 = tpu.vector_load %arg10[%parallel_loop3A_291, %parallel_loop3A_292, %parallel_loop3A_293] {strides = array<i32>} : memref<2x40x256xf32, #tpu.memory_space<vmem>>, vector<1x1x16xf32>,
        %parallel_loop3A_295 = vector.shape_cast %parallel_loop3A_294 : vector<1x1x16xf32> to vector<16xf32>
        %parallel_loop3A_296 = arith.mulf %parallel_loop3A_295, %parallel_loop3A_289 : vector<16xf32>
        %parallel_loop3A_297 = arith.constant 0 : i32
        %parallel_loop3A_298 = arith.index_cast %parallel_loop3A_297 : i32 to index
        %parallel_loop3A_299 = arith.index_cast %parallel_loop3A_227 : i32 to index
        %parallel_loop3A_300 = arith.constant 16 : index
        %parallel_loop3A_301 = tpu.vector_load %arg9[%parallel_loop3A_298, %parallel_loop3A_299, %parallel_loop3A_300] {strides = array<i32>} : memref<2x40x128xf32, #tpu.memory_space<vmem>>, vector<1x1x16xf32>,
        %parallel_loop3A_302 = vector.shape_cast %parallel_loop3A_301 : vector<1x1x16xf32> to vector<16xf32>
        %parallel_loop3A_303 = vector.shape_cast %parallel_loop3A_296 : vector<16xf32> to vector<1x1x16xf32>
        tpu.vector_store %arg9[%parallel_loop3A_298, %parallel_loop3A_299, %parallel_loop3A_300], %parallel_loop3A_303 {strides = array<i32>} : memref<2x40x128xf32, #tpu.memory_space<vmem>>, vector<1x1x16xf32>,
        %parallel_loop3A_304 = arith.constant 0 : i32
        %parallel_loop3A_305 = arith.index_cast %parallel_loop3A_304 : i32 to index
        %parallel_loop3A_306 = arith.index_cast %parallel_loop3A_227 : i32 to index
        %parallel_loop3A_307 = arith.constant 32 : index
        %parallel_loop3A_308 = tpu.vector_load %arg9[%parallel_loop3A_305, %parallel_loop3A_306, %parallel_loop3A_307] {strides = array<i32>} : memref<2x40x128xf32, #tpu.memory_space<vmem>>, vector<1x1x16xf32>,
        %parallel_loop3A_309 = vector.shape_cast %parallel_loop3A_308 : vector<1x1x16xf32> to vector<16xf32>
        %parallel_loop3A_310 = arith.constant 0 : i32
        %parallel_loop3A_311 = arith.index_cast %parallel_loop3A_310 : i32 to index
        %parallel_loop3A_312 = arith.index_cast %parallel_loop3A_227 : i32 to index
        %parallel_loop3A_313 = arith.constant 32 : index
        %parallel_loop3A_314 = tpu.vector_load %arg10[%parallel_loop3A_311, %parallel_loop3A_312, %parallel_loop3A_313] {strides = array<i32>} : memref<2x40x256xf32, #tpu.memory_space<vmem>>, vector<1x1x16xf32>,
        %parallel_loop3A_315 = vector.shape_cast %parallel_loop3A_314 : vector<1x1x16xf32> to vector<16xf32>
        %parallel_loop3A_316 = arith.addf %parallel_loop3A_309, %parallel_loop3A_315 : vector<16xf32>
        %parallel_loop3A_317 = arith.constant 0 : i32
        %parallel_loop3A_318 = arith.index_cast %parallel_loop3A_317 : i32 to index
        %parallel_loop3A_319 = arith.index_cast %parallel_loop3A_227 : i32 to index
        %parallel_loop3A_320 = arith.constant 32 : index
        %parallel_loop3A_321 = tpu.vector_load %arg11[%parallel_loop3A_318, %parallel_loop3A_319, %parallel_loop3A_320] {strides = array<i32>} : memref<2x40x128xf32, #tpu.memory_space<vmem>>, vector<1x1x16xf32>,
        %parallel_loop3A_322 = vector.shape_cast %parallel_loop3A_321 : vector<1x1x16xf32> to vector<16xf32>
        %parallel_loop3A_323 = arith.addf %parallel_loop3A_316, %parallel_loop3A_322 : vector<16xf32>
        %parallel_loop3A_324 = arith.constant 2.000000e-01 : f32
        %parallel_loop3A_325 = vector.broadcast %parallel_loop3A_324 : f32 to vector<16xf32>
        %parallel_loop3A_326 = arith.mulf %parallel_loop3A_323, %parallel_loop3A_325 : vector<16xf32>
        %parallel_loop3A_327 = arith.maximumf %parallel_loop3A_323, %parallel_loop3A_326 : vector<16xf32>
        %parallel_loop3A_328 = arith.constant 0 : i32
        %parallel_loop3A_329 = arith.index_cast %parallel_loop3A_328 : i32 to index
        %parallel_loop3A_330 = arith.index_cast %parallel_loop3A_227 : i32 to index
        %parallel_loop3A_331 = arith.constant 160 : index
        %parallel_loop3A_332 = tpu.vector_load %arg10[%parallel_loop3A_329, %parallel_loop3A_330, %parallel_loop3A_331] {strides = array<i32>} : memref<2x40x256xf32, #tpu.memory_space<vmem>>, vector<1x1x16xf32>,
        %parallel_loop3A_333 = vector.shape_cast %parallel_loop3A_332 : vector<1x1x16xf32> to vector<16xf32>
        %parallel_loop3A_334 = arith.mulf %parallel_loop3A_333, %parallel_loop3A_327 : vector<16xf32>
        %parallel_loop3A_335 = arith.constant 0 : i32
        %parallel_loop3A_336 = arith.index_cast %parallel_loop3A_335 : i32 to index
        %parallel_loop3A_337 = arith.index_cast %parallel_loop3A_227 : i32 to index
        %parallel_loop3A_338 = arith.constant 32 : index
        %parallel_loop3A_339 = tpu.vector_load %arg9[%parallel_loop3A_336, %parallel_loop3A_337, %parallel_loop3A_338] {strides = array<i32>} : memref<2x40x128xf32, #tpu.memory_space<vmem>>, vector<1x1x16xf32>,
        %parallel_loop3A_340 = vector.shape_cast %parallel_loop3A_339 : vector<1x1x16xf32> to vector<16xf32>
        %parallel_loop3A_341 = vector.shape_cast %parallel_loop3A_334 : vector<16xf32> to vector<1x1x16xf32>
        tpu.vector_store %arg9[%parallel_loop3A_336, %parallel_loop3A_337, %parallel_loop3A_338], %parallel_loop3A_341 {strides = array<i32>} : memref<2x40x128xf32, #tpu.memory_space<vmem>>, vector<1x1x16xf32>,
        %parallel_loop3A_342 = arith.constant 0 : i32
        %parallel_loop3A_343 = arith.index_cast %parallel_loop3A_342 : i32 to index
        %parallel_loop3A_344 = arith.index_cast %parallel_loop3A_227 : i32 to index
        %parallel_loop3A_345 = arith.constant 48 : index
        %parallel_loop3A_346 = tpu.vector_load %arg9[%parallel_loop3A_343, %parallel_loop3A_344, %parallel_loop3A_345] {strides = array<i32>} : memref<2x40x128xf32, #tpu.memory_space<vmem>>, vector<1x1x16xf32>,
        %parallel_loop3A_347 = vector.shape_cast %parallel_loop3A_346 : vector<1x1x16xf32> to vector<16xf32>
        %parallel_loop3A_348 = arith.constant 0 : i32
        %parallel_loop3A_349 = arith.index_cast %parallel_loop3A_348 : i32 to index
        %parallel_loop3A_350 = arith.index_cast %parallel_loop3A_227 : i32 to index
        %parallel_loop3A_351 = arith.constant 48 : index
        %parallel_loop3A_352 = tpu.vector_load %arg10[%parallel_loop3A_349, %parallel_loop3A_350, %parallel_loop3A_351] {strides = array<i32>} : memref<2x40x256xf32, #tpu.memory_space<vmem>>, vector<1x1x16xf32>,
        %parallel_loop3A_353 = vector.shape_cast %parallel_loop3A_352 : vector<1x1x16xf32> to vector<16xf32>
        %parallel_loop3A_354 = arith.addf %parallel_loop3A_347, %parallel_loop3A_353 : vector<16xf32>
        %parallel_loop3A_355 = arith.constant 0 : i32
        %parallel_loop3A_356 = arith.index_cast %parallel_loop3A_355 : i32 to index
        %parallel_loop3A_357 = arith.index_cast %parallel_loop3A_227 : i32 to index
        %parallel_loop3A_358 = arith.constant 48 : index
        %parallel_loop3A_359 = tpu.vector_load %arg11[%parallel_loop3A_356, %parallel_loop3A_357, %parallel_loop3A_358] {strides = array<i32>} : memref<2x40x128xf32, #tpu.memory_space<vmem>>, vector<1x1x16xf32>,
        %parallel_loop3A_360 = vector.shape_cast %parallel_loop3A_359 : vector<1x1x16xf32> to vector<16xf32>
        %parallel_loop3A_361 = arith.addf %parallel_loop3A_354, %parallel_loop3A_360 : vector<16xf32>
        %parallel_loop3A_362 = arith.constant 2.000000e-01 : f32
        %parallel_loop3A_363 = vector.broadcast %parallel_loop3A_362 : f32 to vector<16xf32>
        %parallel_loop3A_364 = arith.mulf %parallel_loop3A_361, %parallel_loop3A_363 : vector<16xf32>
        %parallel_loop3A_365 = arith.maximumf %parallel_loop3A_361, %parallel_loop3A_364 : vector<16xf32>
        %parallel_loop3A_366 = arith.constant 0 : i32
        %parallel_loop3A_367 = arith.index_cast %parallel_loop3A_366 : i32 to index
        %parallel_loop3A_368 = arith.index_cast %parallel_loop3A_227 : i32 to index
        %parallel_loop3A_369 = arith.constant 176 : index
        %parallel_loop3A_370 = tpu.vector_load %arg10[%parallel_loop3A_367, %parallel_loop3A_368, %parallel_loop3A_369] {strides = array<i32>} : memref<2x40x256xf32, #tpu.memory_space<vmem>>, vector<1x1x16xf32>,
        %parallel_loop3A_371 = vector.shape_cast %parallel_loop3A_370 : vector<1x1x16xf32> to vector<16xf32>
        %parallel_loop3A_372 = arith.mulf %parallel_loop3A_371, %parallel_loop3A_365 : vector<16xf32>
        %parallel_loop3A_373 = arith.constant 0 : i32
        %parallel_loop3A_374 = arith.index_cast %parallel_loop3A_373 : i32 to index
        %parallel_loop3A_375 = arith.index_cast %parallel_loop3A_227 : i32 to index
        %parallel_loop3A_376 = arith.constant 48 : index
        %parallel_loop3A_377 = tpu.vector_load %arg9[%parallel_loop3A_374, %parallel_loop3A_375, %parallel_loop3A_376] {strides = array<i32>} : memref<2x40x128xf32, #tpu.memory_space<vmem>>, vector<1x1x16xf32>,
        %parallel_loop3A_378 = vector.shape_cast %parallel_loop3A_377 : vector<1x1x16xf32> to vector<16xf32>
        %parallel_loop3A_379 = vector.shape_cast %parallel_loop3A_372 : vector<16xf32> to vector<1x1x16xf32>
        tpu.vector_store %arg9[%parallel_loop3A_374, %parallel_loop3A_375, %parallel_loop3A_376], %parallel_loop3A_379 {strides = array<i32>} : memref<2x40x128xf32, #tpu.memory_space<vmem>>, vector<1x1x16xf32>,
        %parallel_loop3A_380 = arith.constant 0 : i32
        %parallel_loop3A_381 = arith.index_cast %parallel_loop3A_380 : i32 to index
        %parallel_loop3A_382 = arith.index_cast %parallel_loop3A_227 : i32 to index
        %parallel_loop3A_383 = arith.constant 64 : index
        %parallel_loop3A_384 = tpu.vector_load %arg9[%parallel_loop3A_381, %parallel_loop3A_382, %parallel_loop3A_383] {strides = array<i32>} : memref<2x40x128xf32, #tpu.memory_space<vmem>>, vector<1x1x16xf32>,
        %parallel_loop3A_385 = vector.shape_cast %parallel_loop3A_384 : vector<1x1x16xf32> to vector<16xf32>
        %parallel_loop3A_386 = arith.constant 0 : i32
        %parallel_loop3A_387 = arith.index_cast %parallel_loop3A_386 : i32 to index
        %parallel_loop3A_388 = arith.index_cast %parallel_loop3A_227 : i32 to index
        %parallel_loop3A_389 = arith.constant 64 : index
        %parallel_loop3A_390 = tpu.vector_load %arg10[%parallel_loop3A_387, %parallel_loop3A_388, %parallel_loop3A_389] {strides = array<i32>} : memref<2x40x256xf32, #tpu.memory_space<vmem>>, vector<1x1x16xf32>,
        %parallel_loop3A_391 = vector.shape_cast %parallel_loop3A_390 : vector<1x1x16xf32> to vector<16xf32>
        %parallel_loop3A_392 = arith.addf %parallel_loop3A_385, %parallel_loop3A_391 : vector<16xf32>
        %parallel_loop3A_393 = arith.constant 0 : i32
        %parallel_loop3A_394 = arith.index_cast %parallel_loop3A_393 : i32 to index
        %parallel_loop3A_395 = arith.index_cast %parallel_loop3A_227 : i32 to index
        %parallel_loop3A_396 = arith.constant 64 : index
        %parallel_loop3A_397 = tpu.vector_load %arg11[%parallel_loop3A_394, %parallel_loop3A_395, %parallel_loop3A_396] {strides = array<i32>} : memref<2x40x128xf32, #tpu.memory_space<vmem>>, vector<1x1x16xf32>,
        %parallel_loop3A_398 = vector.shape_cast %parallel_loop3A_397 : vector<1x1x16xf32> to vector<16xf32>
        %parallel_loop3A_399 = arith.addf %parallel_loop3A_392, %parallel_loop3A_398 : vector<16xf32>
        %parallel_loop3A_400 = arith.constant 2.000000e-01 : f32
        %parallel_loop3A_401 = vector.broadcast %parallel_loop3A_400 : f32 to vector<16xf32>
        %parallel_loop3A_402 = arith.mulf %parallel_loop3A_399, %parallel_loop3A_401 : vector<16xf32>
        %parallel_loop3A_403 = arith.maximumf %parallel_loop3A_399, %parallel_loop3A_402 : vector<16xf32>
        %parallel_loop3A_404 = arith.constant 0 : i32
        %parallel_loop3A_405 = arith.index_cast %parallel_loop3A_404 : i32 to index
        %parallel_loop3A_406 = arith.index_cast %parallel_loop3A_227 : i32 to index
        %parallel_loop3A_407 = arith.constant 192 : index
        %parallel_loop3A_408 = tpu.vector_load %arg10[%parallel_loop3A_405, %parallel_loop3A_406, %parallel_loop3A_407] {strides = array<i32>} : memref<2x40x256xf32, #tpu.memory_space<vmem>>, vector<1x1x16xf32>,
        %parallel_loop3A_409 = vector.shape_cast %parallel_loop3A_408 : vector<1x1x16xf32> to vector<16xf32>
        %parallel_loop3A_410 = arith.mulf %parallel_loop3A_409, %parallel_loop3A_403 : vector<16xf32>
        %parallel_loop3A_411 = arith.constant 0 : i32
        %parallel_loop3A_412 = arith.index_cast %parallel_loop3A_411 : i32 to index
        %parallel_loop3A_413 = arith.index_cast %parallel_loop3A_227 : i32 to index
        %parallel_loop3A_414 = arith.constant 64 : index
        %parallel_loop3A_415 = tpu.vector_load %arg9[%parallel_loop3A_412, %parallel_loop3A_413, %parallel_loop3A_414] {strides = array<i32>} : memref<2x40x128xf32, #tpu.memory_space<vmem>>, vector<1x1x16xf32>,
        %parallel_loop3A_416 = vector.shape_cast %parallel_loop3A_415 : vector<1x1x16xf32> to vector<16xf32>
        %parallel_loop3A_417 = vector.shape_cast %parallel_loop3A_410 : vector<16xf32> to vector<1x1x16xf32>
        tpu.vector_store %arg9[%parallel_loop3A_412, %parallel_loop3A_413, %parallel_loop3A_414], %parallel_loop3A_417 {strides = array<i32>} : memref<2x40x128xf32, #tpu.memory_space<vmem>>, vector<1x1x16xf32>,
        %parallel_loop3A_418 = arith.constant 0 : i32
        %parallel_loop3A_419 = arith.index_cast %parallel_loop3A_418 : i32 to index
        %parallel_loop3A_420 = arith.index_cast %parallel_loop3A_227 : i32 to index
        %parallel_loop3A_421 = arith.constant 80 : index
        %parallel_loop3A_422 = tpu.vector_load %arg9[%parallel_loop3A_419, %parallel_loop3A_420, %parallel_loop3A_421] {strides = array<i32>} : memref<2x40x128xf32, #tpu.memory_space<vmem>>, vector<1x1x16xf32>,
        %parallel_loop3A_423 = vector.shape_cast %parallel_loop3A_422 : vector<1x1x16xf32> to vector<16xf32>
        %parallel_loop3A_424 = arith.constant 0 : i32
        %parallel_loop3A_425 = arith.index_cast %parallel_loop3A_424 : i32 to index
        %parallel_loop3A_426 = arith.index_cast %parallel_loop3A_227 : i32 to index
        %parallel_loop3A_427 = arith.constant 80 : index
        %parallel_loop3A_428 = tpu.vector_load %arg10[%parallel_loop3A_425, %parallel_loop3A_426, %parallel_loop3A_427] {strides = array<i32>} : memref<2x40x256xf32, #tpu.memory_space<vmem>>, vector<1x1x16xf32>,
        %parallel_loop3A_429 = vector.shape_cast %parallel_loop3A_428 : vector<1x1x16xf32> to vector<16xf32>
        %parallel_loop3A_430 = arith.addf %parallel_loop3A_423, %parallel_loop3A_429 : vector<16xf32>
        %parallel_loop3A_431 = arith.constant 0 : i32
        %parallel_loop3A_432 = arith.index_cast %parallel_loop3A_431 : i32 to index
        %parallel_loop3A_433 = arith.index_cast %parallel_loop3A_227 : i32 to index
        %parallel_loop3A_434 = arith.constant 80 : index
        %parallel_loop3A_435 = tpu.vector_load %arg11[%parallel_loop3A_432, %parallel_loop3A_433, %parallel_loop3A_434] {strides = array<i32>} : memref<2x40x128xf32, #tpu.memory_space<vmem>>, vector<1x1x16xf32>,
        %parallel_loop3A_436 = vector.shape_cast %parallel_loop3A_435 : vector<1x1x16xf32> to vector<16xf32>
        %parallel_loop3A_437 = arith.addf %parallel_loop3A_430, %parallel_loop3A_436 : vector<16xf32>
        %parallel_loop3A_438 = arith.constant 2.000000e-01 : f32
        %parallel_loop3A_439 = vector.broadcast %parallel_loop3A_438 : f32 to vector<16xf32>
        %parallel_loop3A_440 = arith.mulf %parallel_loop3A_437, %parallel_loop3A_439 : vector<16xf32>
        %parallel_loop3A_441 = arith.maximumf %parallel_loop3A_437, %parallel_loop3A_440 : vector<16xf32>
        %parallel_loop3A_442 = arith.constant 0 : i32
        %parallel_loop3A_443 = arith.index_cast %parallel_loop3A_442 : i32 to index
        %parallel_loop3A_444 = arith.index_cast %parallel_loop3A_227 : i32 to index
        %parallel_loop3A_445 = arith.constant 208 : index
        %parallel_loop3A_446 = tpu.vector_load %arg10[%parallel_loop3A_443, %parallel_loop3A_444, %parallel_loop3A_445] {strides = array<i32>} : memref<2x40x256xf32, #tpu.memory_space<vmem>>, vector<1x1x16xf32>,
        %parallel_loop3A_447 = vector.shape_cast %parallel_loop3A_446 : vector<1x1x16xf32> to vector<16xf32>
        %parallel_loop3A_448 = arith.mulf %parallel_loop3A_447, %parallel_loop3A_441 : vector<16xf32>
        %parallel_loop3A_449 = arith.constant 0 : i32
        %parallel_loop3A_450 = arith.index_cast %parallel_loop3A_449 : i32 to index
        %parallel_loop3A_451 = arith.index_cast %parallel_loop3A_227 : i32 to index
        %parallel_loop3A_452 = arith.constant 80 : index
        %parallel_loop3A_453 = tpu.vector_load %arg9[%parallel_loop3A_450, %parallel_loop3A_451, %parallel_loop3A_452] {strides = array<i32>} : memref<2x40x128xf32, #tpu.memory_space<vmem>>, vector<1x1x16xf32>,
        %parallel_loop3A_454 = vector.shape_cast %parallel_loop3A_453 : vector<1x1x16xf32> to vector<16xf32>
        %parallel_loop3A_455 = vector.shape_cast %parallel_loop3A_448 : vector<16xf32> to vector<1x1x16xf32>
        tpu.vector_store %arg9[%parallel_loop3A_450, %parallel_loop3A_451, %parallel_loop3A_452], %parallel_loop3A_455 {strides = array<i32>} : memref<2x40x128xf32, #tpu.memory_space<vmem>>, vector<1x1x16xf32>,
        %parallel_loop3A_456 = arith.constant 0 : i32
        %parallel_loop3A_457 = arith.index_cast %parallel_loop3A_456 : i32 to index
        %parallel_loop3A_458 = arith.index_cast %parallel_loop3A_227 : i32 to index
        %parallel_loop3A_459 = arith.constant 96 : index
        %parallel_loop3A_460 = tpu.vector_load %arg9[%parallel_loop3A_457, %parallel_loop3A_458, %parallel_loop3A_459] {strides = array<i32>} : memref<2x40x128xf32, #tpu.memory_space<vmem>>, vector<1x1x16xf32>,
        %parallel_loop3A_461 = vector.shape_cast %parallel_loop3A_460 : vector<1x1x16xf32> to vector<16xf32>
        %parallel_loop3A_462 = arith.constant 0 : i32
        %parallel_loop3A_463 = arith.index_cast %parallel_loop3A_462 : i32 to index
        %parallel_loop3A_464 = arith.index_cast %parallel_loop3A_227 : i32 to index
        %parallel_loop3A_465 = arith.constant 96 : index
        %parallel_loop3A_466 = tpu.vector_load %arg10[%parallel_loop3A_463, %parallel_loop3A_464, %parallel_loop3A_465] {strides = array<i32>} : memref<2x40x256xf32, #tpu.memory_space<vmem>>, vector<1x1x16xf32>,
        %parallel_loop3A_467 = vector.shape_cast %parallel_loop3A_466 : vector<1x1x16xf32> to vector<16xf32>
        %parallel_loop3A_468 = arith.addf %parallel_loop3A_461, %parallel_loop3A_467 : vector<16xf32>
        %parallel_loop3A_469 = arith.constant 0 : i32
        %parallel_loop3A_470 = arith.index_cast %parallel_loop3A_469 : i32 to index
        %parallel_loop3A_471 = arith.index_cast %parallel_loop3A_227 : i32 to index
        %parallel_loop3A_472 = arith.constant 96 : index
        %parallel_loop3A_473 = tpu.vector_load %arg11[%parallel_loop3A_470, %parallel_loop3A_471, %parallel_loop3A_472] {strides = array<i32>} : memref<2x40x128xf32, #tpu.memory_space<vmem>>, vector<1x1x16xf32>,
        %parallel_loop3A_474 = vector.shape_cast %parallel_loop3A_473 : vector<1x1x16xf32> to vector<16xf32>
        %parallel_loop3A_475 = arith.addf %parallel_loop3A_468, %parallel_loop3A_474 : vector<16xf32>
        %parallel_loop3A_476 = arith.constant 2.000000e-01 : f32
        %parallel_loop3A_477 = vector.broadcast %parallel_loop3A_476 : f32 to vector<16xf32>
        %parallel_loop3A_478 = arith.mulf %parallel_loop3A_475, %parallel_loop3A_477 : vector<16xf32>
        %parallel_loop3A_479 = arith.maximumf %parallel_loop3A_475, %parallel_loop3A_478 : vector<16xf32>
        %parallel_loop3A_480 = arith.constant 0 : i32
        %parallel_loop3A_481 = arith.index_cast %parallel_loop3A_480 : i32 to index
        %parallel_loop3A_482 = arith.index_cast %parallel_loop3A_227 : i32 to index
        %parallel_loop3A_483 = arith.constant 224 : index
        %parallel_loop3A_484 = tpu.vector_load %arg10[%parallel_loop3A_481, %parallel_loop3A_482, %parallel_loop3A_483] {strides = array<i32>} : memref<2x40x256xf32, #tpu.memory_space<vmem>>, vector<1x1x16xf32>,
        %parallel_loop3A_485 = vector.shape_cast %parallel_loop3A_484 : vector<1x1x16xf32> to vector<16xf32>
        %parallel_loop3A_486 = arith.mulf %parallel_loop3A_485, %parallel_loop3A_479 : vector<16xf32>
        %parallel_loop3A_487 = arith.constant 0 : i32
        %parallel_loop3A_488 = arith.index_cast %parallel_loop3A_487 : i32 to index
        %parallel_loop3A_489 = arith.index_cast %parallel_loop3A_227 : i32 to index
        %parallel_loop3A_490 = arith.constant 96 : index
        %parallel_loop3A_491 = tpu.vector_load %arg9[%parallel_loop3A_488, %parallel_loop3A_489, %parallel_loop3A_490] {strides = array<i32>} : memref<2x40x128xf32, #tpu.memory_space<vmem>>, vector<1x1x16xf32>,
        %parallel_loop3A_492 = vector.shape_cast %parallel_loop3A_491 : vector<1x1x16xf32> to vector<16xf32>
        %parallel_loop3A_493 = vector.shape_cast %parallel_loop3A_486 : vector<16xf32> to vector<1x1x16xf32>
        tpu.vector_store %arg9[%parallel_loop3A_488, %parallel_loop3A_489, %parallel_loop3A_490], %parallel_loop3A_493 {strides = array<i32>} : memref<2x40x128xf32, #tpu.memory_space<vmem>>, vector<1x1x16xf32>,
        %parallel_loop3A_494 = arith.constant 0 : i32
        %parallel_loop3A_495 = arith.index_cast %parallel_loop3A_494 : i32 to index
        %parallel_loop3A_496 = arith.index_cast %parallel_loop3A_227 : i32 to index
        %parallel_loop3A_497 = arith.constant 112 : index
        %parallel_loop3A_498 = tpu.vector_load %arg9[%parallel_loop3A_495, %parallel_loop3A_496, %parallel_loop3A_497] {strides = array<i32>} : memref<2x40x128xf32, #tpu.memory_space<vmem>>, vector<1x1x16xf32>,
        %parallel_loop3A_499 = vector.shape_cast %parallel_loop3A_498 : vector<1x1x16xf32> to vector<16xf32>
        %parallel_loop3A_500 = arith.constant 0 : i32
        %parallel_loop3A_501 = arith.index_cast %parallel_loop3A_500 : i32 to index
        %parallel_loop3A_502 = arith.index_cast %parallel_loop3A_227 : i32 to index
        %parallel_loop3A_503 = arith.constant 112 : index
        %parallel_loop3A_504 = tpu.vector_load %arg10[%parallel_loop3A_501, %parallel_loop3A_502, %parallel_loop3A_503] {strides = array<i32>} : memref<2x40x256xf32, #tpu.memory_space<vmem>>, vector<1x1x16xf32>,
        %parallel_loop3A_505 = vector.shape_cast %parallel_loop3A_504 : vector<1x1x16xf32> to vector<16xf32>
        %parallel_loop3A_506 = arith.addf %parallel_loop3A_499, %parallel_loop3A_505 : vector<16xf32>
        %parallel_loop3A_507 = arith.constant 0 : i32
        %parallel_loop3A_508 = arith.index_cast %parallel_loop3A_507 : i32 to index
        %parallel_loop3A_509 = arith.index_cast %parallel_loop3A_227 : i32 to index
        %parallel_loop3A_510 = arith.constant 112 : index
        %parallel_loop3A_511 = tpu.vector_load %arg11[%parallel_loop3A_508, %parallel_loop3A_509, %parallel_loop3A_510] {strides = array<i32>} : memref<2x40x128xf32, #tpu.memory_space<vmem>>, vector<1x1x16xf32>,
        %parallel_loop3A_512 = vector.shape_cast %parallel_loop3A_511 : vector<1x1x16xf32> to vector<16xf32>
        %parallel_loop3A_513 = arith.addf %parallel_loop3A_506, %parallel_loop3A_512 : vector<16xf32>
        %parallel_loop3A_514 = arith.constant 2.000000e-01 : f32
        %parallel_loop3A_515 = vector.broadcast %parallel_loop3A_514 : f32 to vector<16xf32>
        %parallel_loop3A_516 = arith.mulf %parallel_loop3A_513, %parallel_loop3A_515 : vector<16xf32>
        %parallel_loop3A_517 = arith.maximumf %parallel_loop3A_513, %parallel_loop3A_516 : vector<16xf32>
        %parallel_loop3A_518 = arith.constant 0 : i32
        %parallel_loop3A_519 = arith.index_cast %parallel_loop3A_518 : i32 to index
        %parallel_loop3A_520 = arith.index_cast %parallel_loop3A_227 : i32 to index
        %parallel_loop3A_521 = arith.constant 240 : index
        %parallel_loop3A_522 = tpu.vector_load %arg10[%parallel_loop3A_519, %parallel_loop3A_520, %parallel_loop3A_521] {strides = array<i32>} : memref<2x40x256xf32, #tpu.memory_space<vmem>>, vector<1x1x16xf32>,
        %parallel_loop3A_523 = vector.shape_cast %parallel_loop3A_522 : vector<1x1x16xf32> to vector<16xf32>
        %parallel_loop3A_524 = arith.mulf %parallel_loop3A_523, %parallel_loop3A_517 : vector<16xf32>
        %parallel_loop3A_525 = arith.constant 0 : i32
        %parallel_loop3A_526 = arith.index_cast %parallel_loop3A_525 : i32 to index
        %parallel_loop3A_527 = arith.index_cast %parallel_loop3A_227 : i32 to index
        %parallel_loop3A_528 = arith.constant 112 : index
        %parallel_loop3A_529 = tpu.vector_load %arg9[%parallel_loop3A_526, %parallel_loop3A_527, %parallel_loop3A_528] {strides = array<i32>} : memref<2x40x128xf32, #tpu.memory_space<vmem>>, vector<1x1x16xf32>,
        %parallel_loop3A_530 = vector.shape_cast %parallel_loop3A_529 : vector<1x1x16xf32> to vector<16xf32>
        %parallel_loop3A_531 = vector.shape_cast %parallel_loop3A_524 : vector<16xf32> to vector<1x1x16xf32>
        tpu.vector_store %arg9[%parallel_loop3A_526, %parallel_loop3A_527, %parallel_loop3A_528], %parallel_loop3A_531 {strides = array<i32>} : memref<2x40x128xf32, #tpu.memory_space<vmem>>, vector<1x1x16xf32>,
      } {sc.loop_unroll_factor = 8 : i64, sc.parallel_access}
      %run_scoped3A_161 = arith.constant 0 : i32
      %run_scoped3A_162 = arith.constant 0 : i32
      %run_scoped3A_163 = arith.constant 0 : i32
      "tpu.region"() ({
        %run_scoped3A_227 = tpu.sem_alloc : memref<!tpu.dma_semaphore, #tpu.memory_space<semaphore_mem>>
        %dma_start3A_228 = arith.constant 0 : i32
        %dma_start3A_229 = arith.constant 0 : i32
        %dma_start3A_230 = tpu.memref_slice %arg9[%run_scoped3A_161, %dma_start3A_228, %dma_start3A_229] : memref<2x40x128xf32, #tpu.memory_space<vmem>> -> memref<1x40x128xf32, #tpu.memory_space<vmem>>
        %dma_start3A_231 = tpu.memref_squeeze %dma_start3A_230 : memref<1x40x128xf32, #tpu.memory_space<vmem>> -> memref<40x128xf32, #tpu.memory_space<vmem>>
        %dma_start3A_232 = arith.constant 0 : i32
        %dma_start3A_233 = tpu.memref_slice %arg8[%run_scoped3A_162, %run_scoped3A_163, %dma_start3A_232] : memref<2x2x40xi32, #tpu.memory_space<vmem>> -> memref<1x1x40xi32, #tpu.memory_space<vmem>>
        %dma_start3A_234 = tpu.memref_squeeze %dma_start3A_233 : memref<1x1x40xi32, #tpu.memory_space<vmem>> -> memref<40xi32, #tpu.memory_space<vmem>>
        %dma_start3A_235 = arith.constant 0 : i32
        %dma_start3A_236 = arith.constant 0 : i32
        %dma_start3A_237 = tpu.memref_slice %arg12[%dma_start3A_235, %dma_start3A_236] : memref<10240x128xf32, #tpu.memory_space<vmem_shared>> -> memref<10240x128xf32, #tpu.memory_space<vmem_shared>>
        tpu.enqueue_indirect_dma source(%dma_start3A_231 : memref<40x128xf32, #tpu.memory_space<vmem>>) target(%dma_start3A_237 : memref<10240x128xf32, #tpu.memory_space<vmem_shared>>) offsets(%dma_start3A_234 : memref<40xi32, #tpu.memory_space<vmem>>) semaphore(%run_scoped3A_227 : memref<!tpu.dma_semaphore, #tpu.memory_space<semaphore_mem>>) {add = true}
        %dma_wait3A_238 = arith.constant 0 : i32
        %dma_wait3A_239 = arith.constant 0 : i32
        %dma_wait3A_240 = tpu.memref_slice %arg9[%run_scoped3A_161, %dma_wait3A_238, %dma_wait3A_239] : memref<2x40x128xf32, #tpu.memory_space<vmem>> -> memref<1x40x128xf32, #tpu.memory_space<vmem>>
        %dma_wait3A_241 = tpu.memref_squeeze %dma_wait3A_240 : memref<1x40x128xf32, #tpu.memory_space<vmem>> -> memref<40x128xf32, #tpu.memory_space<vmem>>
        %dma_wait3A_242 = arith.constant 0 : i32
        %dma_wait3A_243 = tpu.memref_slice %arg8[%run_scoped3A_162, %run_scoped3A_163, %dma_wait3A_242] : memref<2x2x40xi32, #tpu.memory_space<vmem>> -> memref<1x1x40xi32, #tpu.memory_space<vmem>>
        %dma_wait3A_244 = tpu.memref_squeeze %dma_wait3A_243 : memref<1x1x40xi32, #tpu.memory_space<vmem>> -> memref<40xi32, #tpu.memory_space<vmem>>
        %dma_wait3A_245 = arith.constant 0 : i32
        %dma_wait3A_246 = arith.constant 0 : i32
        %dma_wait3A_247 = tpu.memref_slice %arg12[%dma_wait3A_245, %dma_wait3A_246] : memref<10240x128xf32, #tpu.memory_space<vmem_shared>> -> memref<10240x128xf32, #tpu.memory_space<vmem_shared>>
        tpu.wait_indirect_dma semaphore(%run_scoped3A_227 : memref<!tpu.dma_semaphore, #tpu.memory_space<semaphore_mem>>) src(%dma_wait3A_241 : memref<40x128xf32, #tpu.memory_space<vmem>>) dst(%dma_wait3A_247 : memref<10240x128xf32, #tpu.memory_space<vmem_shared>>)
        tpu.yield
      }) : () -> ()
      %add3A_164 = arith.constant 2 : i32
      %add3A_165 = arith.addi %add3A_117, %add3A_164 : i32
      %lt3A = arith.constant 250 : i32
      %lt3A_166 = arith.cmpi slt, %add3A_165, %lt3A : i32
      %convert_element_type3A = arith.extui %lt3A_166 : i1 to i32
      %cond3A = arith.constant 0 : i32
      %cond3A_167 = arith.cmpi ne, %convert_element_type3A, %cond3A : i32
      scf.if %cond3A_167 {
        %add3A_227 = arith.constant 2 : i32
        %add3A_228 = arith.addi %add3A_117, %add3A_227 : i32
        %add3A_229 = arith.addi %select_n3A, %add3A_228 : i32
        %run_scoped3A_230 = arith.constant 0 : i32
        "tpu.region"() ({
          %run_scoped3A_273 = tpu.sem_alloc : memref<!tpu.dma_semaphore, #tpu.memory_space<semaphore_mem>>
          %dma_start3A_274 = arith.constant 0 : i32
          %dma_start3A_275 = arith.constant 0 : i32
          %dma_start3A_276 = tpu.memref_slice %arg8[%run_scoped3A_230, %dma_start3A_274, %dma_start3A_275] : memref<2x2x40xi32, #tpu.memory_space<vmem>> -> memref<1x2x40xi32, #tpu.memory_space<vmem>>
          %dma_start3A_277 = tpu.memref_squeeze %dma_start3A_276 : memref<1x2x40xi32, #tpu.memory_space<vmem>> -> memref<2x40xi32, #tpu.memory_space<vmem>>
          %dma_start3A_278 = arith.constant 0 : i32
          %dma_start3A_279 = arith.constant 0 : i32
          %dma_start3A_280 = tpu.memref_slice %arg5[%add3A_229, %dma_start3A_278, %dma_start3A_279] : memref<8000x2x40xi32, #tpu.memory_space<hbm>> -> memref<1x2x40xi32, #tpu.memory_space<hbm>>
          %dma_start3A_281 = tpu.memref_squeeze %dma_start3A_280 : memref<1x2x40xi32, #tpu.memory_space<hbm>> -> memref<2x40xi32, #tpu.memory_space<hbm>>
          %dma_start3A_282 = arith.constant 0 : i32
          %dma_start3A_283 = arith.constant 0 : i32
          %dma_start3A_284 = tpu.memref_slice %arg8[%run_scoped3A_230, %dma_start3A_282, %dma_start3A_283] : memref<2x2x40xi32, #tpu.memory_space<vmem>> -> memref<1x2x40xi32, #tpu.memory_space<vmem>>
          %dma_start3A_285 = tpu.memref_squeeze %dma_start3A_284 : memref<1x2x40xi32, #tpu.memory_space<vmem>> -> memref<2x40xi32, #tpu.memory_space<vmem>>
          %dma_start3A_286 = arith.constant 0 : i32
          %dma_start3A_287 = arith.constant 0 : i32
          %dma_start3A_288 = tpu.memref_slice %arg5[%add3A_229, %dma_start3A_286, %dma_start3A_287] : memref<8000x2x40xi32, #tpu.memory_space<hbm>> -> memref<1x2x40xi32, #tpu.memory_space<hbm>>
          %dma_start3A_289 = tpu.memref_squeeze %dma_start3A_288 : memref<1x2x40xi32, #tpu.memory_space<hbm>> -> memref<2x40xi32, #tpu.memory_space<hbm>>
          tpu.enqueue_dma source(%dma_start3A_289 : memref<2x40xi32, #tpu.memory_space<hbm>>) target(%dma_start3A_285 : memref<2x40xi32, #tpu.memory_space<vmem>>) target_semaphore(%run_scoped3A_273 : memref<!tpu.dma_semaphore, #tpu.memory_space<semaphore_mem>>)
          %dma_wait3A_290 = arith.constant 0 : i32
          %dma_wait3A_291 = arith.constant 0 : i32
          %dma_wait3A_292 = tpu.memref_slice %arg8[%run_scoped3A_230, %dma_wait3A_290, %dma_wait3A_291] : memref<2x2x40xi32, #tpu.memory_space<vmem>> -> memref<1x2x40xi32, #tpu.memory_space<vmem>>
          %dma_wait3A_293 = tpu.memref_squeeze %dma_wait3A_292 : memref<1x2x40xi32, #tpu.memory_space<vmem>> -> memref<2x40xi32, #tpu.memory_space<vmem>>
          %dma_wait3A_294 = arith.constant 0 : i32
          %dma_wait3A_295 = arith.constant 0 : i32
          %dma_wait3A_296 = tpu.memref_slice %arg5[%add3A_229, %dma_wait3A_294, %dma_wait3A_295] : memref<8000x2x40xi32, #tpu.memory_space<hbm>> -> memref<1x2x40xi32, #tpu.memory_space<hbm>>
          %dma_wait3A_297 = tpu.memref_squeeze %dma_wait3A_296 : memref<1x2x40xi32, #tpu.memory_space<hbm>> -> memref<2x40xi32, #tpu.memory_space<hbm>>
          %dma_wait3A_298 = arith.constant 0 : i32
          %dma_wait3A_299 = arith.constant 0 : i32
          %dma_wait3A_300 = tpu.memref_slice %arg8[%run_scoped3A_230, %dma_wait3A_298, %dma_wait3A_299] : memref<2x2x40xi32, #tpu.memory_space<vmem>> -> memref<1x2x40xi32, #tpu.memory_space<vmem>>
          %dma_wait3A_301 = tpu.memref_squeeze %dma_wait3A_300 : memref<1x2x40xi32, #tpu.memory_space<vmem>> -> memref<2x40xi32, #tpu.memory_space<vmem>>
          %dma_wait3A_302 = arith.constant 0 : i32
          %dma_wait3A_303 = arith.constant 0 : i32
          %dma_wait3A_304 = tpu.memref_slice %arg5[%add3A_229, %dma_wait3A_302, %dma_wait3A_303] : memref<8000x2x40xi32, #tpu.memory_space<hbm>> -> memref<1x2x40xi32, #tpu.memory_space<hbm>>
          %dma_wait3A_305 = tpu.memref_squeeze %dma_wait3A_304 : memref<1x2x40xi32, #tpu.memory_space<hbm>> -> memref<2x40xi32, #tpu.memory_space<hbm>>
          tpu.wait_dma2 semaphore(%run_scoped3A_273 : memref<!tpu.dma_semaphore, #tpu.memory_space<semaphore_mem>>) src(%dma_wait3A_305 : memref<2x40xi32, #tpu.memory_space<hbm>>) dst(%dma_wait3A_301 : memref<2x40xi32, #tpu.memory_space<vmem>>)
          tpu.yield
        }) : () -> ()
        %dma_start3A_231 = arith.constant 0 : i32
        %dma_start3A_232 = arith.constant 0 : i32
        %dma_start3A_233 = arith.constant 0 : i32
        %dma_start3A_234 = arith.constant 0 : i32
        %dma_start3A_235 = arith.constant 0 : i32
        %dma_start3A_236 = tpu.memref_slice %arg9[%dma_start3A_233, %dma_start3A_234, %dma_start3A_235] : memref<2x40x128xf32, #tpu.memory_space<vmem>> -> memref<1x40x128xf32, #tpu.memory_space<vmem>>
        %dma_start3A_237 = tpu.memref_squeeze %dma_start3A_236 : memref<1x40x128xf32, #tpu.memory_space<vmem>> -> memref<40x128xf32, #tpu.memory_space<vmem>>
        %dma_start3A_238 = arith.constant 0 : i32
        %dma_start3A_239 = tpu.memref_slice %arg8[%dma_start3A_231, %dma_start3A_232, %dma_start3A_238] : memref<2x2x40xi32, #tpu.memory_space<vmem>> -> memref<1x1x40xi32, #tpu.memory_space<vmem>>
        %dma_start3A_240 = tpu.memref_squeeze %dma_start3A_239 : memref<1x1x40xi32, #tpu.memory_space<vmem>> -> memref<40xi32, #tpu.memory_space<vmem>>
        %dma_start3A_241 = arith.constant 0 : i32
        %dma_start3A_242 = arith.constant 0 : i32
        %dma_start3A_243 = tpu.memref_slice %arg2[%dma_start3A_241, %dma_start3A_242] : memref<10000x128xf32, #tpu.memory_space<hbm>> -> memref<10000x128xf32, #tpu.memory_space<hbm>>
        tpu.enqueue_indirect_dma source(%dma_start3A_243 : memref<10000x128xf32, #tpu.memory_space<hbm>>) target(%dma_start3A_237 : memref<40x128xf32, #tpu.memory_space<vmem>>) offsets(%dma_start3A_240 : memref<40xi32, #tpu.memory_space<vmem>>) semaphore(%arg13 : memref<!tpu.dma_semaphore, #tpu.memory_space<semaphore_mem>>)
        %dma_start3A_244 = arith.constant 0 : i32
        %dma_start3A_245 = arith.constant 1 : i32
        %dma_start3A_246 = arith.constant 0 : i32
        %dma_start3A_247 = arith.constant 0 : i32
        %dma_start3A_248 = arith.constant 0 : i32
        %dma_start3A_249 = tpu.memref_slice %arg10[%dma_start3A_246, %dma_start3A_247, %dma_start3A_248] : memref<2x40x256xf32, #tpu.memory_space<vmem>> -> memref<1x40x256xf32, #tpu.memory_space<vmem>>
        %dma_start3A_250 = tpu.memref_squeeze %dma_start3A_249 : memref<1x40x256xf32, #tpu.memory_space<vmem>> -> memref<40x256xf32, #tpu.memory_space<vmem>>
        %dma_start3A_251 = arith.constant 0 : i32
        %dma_start3A_252 = tpu.memref_slice %arg8[%dma_start3A_244, %dma_start3A_245, %dma_start3A_251] : memref<2x2x40xi32, #tpu.memory_space<vmem>> -> memref<1x1x40xi32, #tpu.memory_space<vmem>>
        %dma_start3A_253 = tpu.memref_squeeze %dma_start3A_252 : memref<1x1x40xi32, #tpu.memory_space<vmem>> -> memref<40xi32, #tpu.memory_space<vmem>>
        %dma_start3A_254 = arith.constant 0 : i32
        %dma_start3A_255 = arith.constant 0 : i32
        %dma_start3A_256 = tpu.memref_slice %arg3[%dma_start3A_254, %dma_start3A_255] : memref<10000x256xf32, #tpu.memory_space<hbm>> -> memref<10000x256xf32, #tpu.memory_space<hbm>>
        tpu.enqueue_indirect_dma source(%dma_start3A_256 : memref<10000x256xf32, #tpu.memory_space<hbm>>) target(%dma_start3A_250 : memref<40x256xf32, #tpu.memory_space<vmem>>) offsets(%dma_start3A_253 : memref<40xi32, #tpu.memory_space<vmem>>) semaphore(%arg13 : memref<!tpu.dma_semaphore, #tpu.memory_space<semaphore_mem>>)
        %mul3A_257 = arith.constant 40 : i32
        %mul3A_258 = arith.muli %add3A_228, %mul3A_257 : i32
        %add3A_259 = arith.addi %add3A, %mul3A_258 : i32
        %dma_start3A_260 = arith.constant 0 : i32
        %dma_start3A_261 = arith.constant 0 : i32
        %dma_start3A_262 = arith.constant 0 : i32
        %dma_start3A_263 = tpu.memref_slice %arg11[%dma_start3A_260, %dma_start3A_261, %dma_start3A_262] : memref<2x40x128xf32, #tpu.memory_space<vmem>> -> memref<1x40x128xf32, #tpu.memory_space<vmem>>
        %dma_start3A_264 = tpu.memref_squeeze %dma_start3A_263 : memref<1x40x128xf32, #tpu.memory_space<vmem>> -> memref<40x128xf32, #tpu.memory_space<vmem>>
        %dma_start3A_265 = arith.constant 0 : i32
        %dma_start3A_266 = tpu.memref_slice %arg4[%add3A_259, %dma_start3A_265] : memref<320000x128xf32, #tpu.memory_space<hbm>> -> memref<40x128xf32, #tpu.memory_space<hbm>>
        %dma_start3A_267 = arith.constant 0 : i32
        %dma_start3A_268 = arith.constant 0 : i32
        %dma_start3A_269 = tpu.memref_slice %arg11[%dma_start3A_260, %dma_start3A_267, %dma_start3A_268] : memref<2x40x128xf32, #tpu.memory_space<vmem>> -> memref<1x40x128xf32, #tpu.memory_space<vmem>>
        %dma_start3A_270 = tpu.memref_squeeze %dma_start3A_269 : memref<1x40x128xf32, #tpu.memory_space<vmem>> -> memref<40x128xf32, #tpu.memory_space<vmem>>
        %dma_start3A_271 = arith.constant 0 : i32
        %dma_start3A_272 = tpu.memref_slice %arg4[%add3A_259, %dma_start3A_271] : memref<320000x128xf32, #tpu.memory_space<hbm>> -> memref<40x128xf32, #tpu.memory_space<hbm>>
        tpu.enqueue_dma source(%dma_start3A_272 : memref<40x128xf32, #tpu.memory_space<hbm>>) target(%dma_start3A_270 : memref<40x128xf32, #tpu.memory_space<vmem>>) target_semaphore(%arg13 : memref<!tpu.dma_semaphore, #tpu.memory_space<semaphore_mem>>)
      } else {
      }
      %mul3A_168 = arith.constant 2 : i32
      %mul3A_169 = arith.muli %scan3A_113, %mul3A_168 : i32
      %add3A_170 = arith.constant 1 : i32
      %add3A_171 = arith.addi %mul3A_169, %add3A_170 : i32
      %mul3A_172 = arith.constant 40 : i32
      %mul3A_173 = arith.muli %add3A_171, %mul3A_172 : i32
      %add3A_174 = arith.addi %add3A, %mul3A_173 : i32
      %dma_wait3A_175 = arith.constant 1 : i32
      %dma_wait3A_176 = arith.constant 0 : i32
      %dma_wait3A_177 = arith.constant 1 : i32
      %dma_wait3A_178 = arith.constant 0 : i32
      %dma_wait3A_179 = arith.constant 0 : i32
      %dma_wait3A_180 = tpu.memref_slice %arg9[%dma_wait3A_177, %dma_wait3A_178, %dma_wait3A_179] : memref<2x40x128xf32, #tpu.memory_space<vmem>> -> memref<1x40x128xf32, #tpu.memory_space<vmem>>
      %dma_wait3A_181 = tpu.memref_squeeze %dma_wait3A_180 : memref<1x40x128xf32, #tpu.memory_space<vmem>> -> memref<40x128xf32, #tpu.memory_space<vmem>>
      %dma_wait3A_182 = arith.constant 0 : i32
      %dma_wait3A_183 = tpu.memref_slice %arg8[%dma_wait3A_175, %dma_wait3A_176, %dma_wait3A_182] : memref<2x2x40xi32, #tpu.memory_space<vmem>> -> memref<1x1x40xi32, #tpu.memory_space<vmem>>
      %dma_wait3A_184 = tpu.memref_squeeze %dma_wait3A_183 : memref<1x1x40xi32, #tpu.memory_space<vmem>> -> memref<40xi32, #tpu.memory_space<vmem>>
      %dma_wait3A_185 = arith.constant 0 : i32
      %dma_wait3A_186 = arith.constant 0 : i32
      %dma_wait3A_187 = tpu.memref_slice %arg2[%dma_wait3A_185, %dma_wait3A_186] : memref<10000x128xf32, #tpu.memory_space<hbm>> -> memref<10000x128xf32, #tpu.memory_space<hbm>>
      tpu.wait_indirect_dma semaphore(%arg14 : memref<!tpu.dma_semaphore, #tpu.memory_space<semaphore_mem>>) src(%dma_wait3A_187 : memref<10000x128xf32, #tpu.memory_space<hbm>>) dst(%dma_wait3A_181 : memref<40x128xf32, #tpu.memory_space<vmem>>)
      %dma_wait3A_188 = arith.constant 1 : i32
      %dma_wait3A_189 = arith.constant 1 : i32
      %dma_wait3A_190 = arith.constant 1 : i32
      %dma_wait3A_191 = arith.constant 0 : i32
      %dma_wait3A_192 = arith.constant 0 : i32
      %dma_wait3A_193 = tpu.memref_slice %arg10[%dma_wait3A_190, %dma_wait3A_191, %dma_wait3A_192] : memref<2x40x256xf32, #tpu.memory_space<vmem>> -> memref<1x40x256xf32, #tpu.memory_space<vmem>>
      %dma_wait3A_194 = tpu.memref_squeeze %dma_wait3A_193 : memref<1x40x256xf32, #tpu.memory_space<vmem>> -> memref<40x256xf32, #tpu.memory_space<vmem>>
      %dma_wait3A_195 = arith.constant 0 : i32
      %dma_wait3A_196 = tpu.memref_slice %arg8[%dma_wait3A_188, %dma_wait3A_189, %dma_wait3A_195] : memref<2x2x40xi32, #tpu.memory_space<vmem>> -> memref<1x1x40xi32, #tpu.memory_space<vmem>>
      %dma_wait3A_197 = tpu.memref_squeeze %dma_wait3A_196 : memref<1x1x40xi32, #tpu.memory_space<vmem>> -> memref<40xi32, #tpu.memory_space<vmem>>
      %dma_wait3A_198 = arith.constant 0 : i32
      %dma_wait3A_199 = arith.constant 0 : i32
      %dma_wait3A_200 = tpu.memref_slice %arg3[%dma_wait3A_198, %dma_wait3A_199] : memref<10000x256xf32, #tpu.memory_space<hbm>> -> memref<10000x256xf32, #tpu.memory_space<hbm>>
      tpu.wait_indirect_dma semaphore(%arg14 : memref<!tpu.dma_semaphore, #tpu.memory_space<semaphore_mem>>) src(%dma_wait3A_200 : memref<10000x256xf32, #tpu.memory_space<hbm>>) dst(%dma_wait3A_194 : memref<40x256xf32, #tpu.memory_space<vmem>>)
      %dma_wait3A_201 = arith.constant 1 : i32
      %dma_wait3A_202 = arith.constant 0 : i32
      %dma_wait3A_203 = arith.constant 0 : i32
      %dma_wait3A_204 = tpu.memref_slice %arg11[%dma_wait3A_201, %dma_wait3A_202, %dma_wait3A_203] : memref<2x40x128xf32, #tpu.memory_space<vmem>> -> memref<1x40x128xf32, #tpu.memory_space<vmem>>
      %dma_wait3A_205 = tpu.memref_squeeze %dma_wait3A_204 : memref<1x40x128xf32, #tpu.memory_space<vmem>> -> memref<40x128xf32, #tpu.memory_space<vmem>>
      %dma_wait3A_206 = arith.constant 0 : i32
      %dma_wait3A_207 = tpu.memref_slice %arg4[%add3A_174, %dma_wait3A_206] : memref<320000x128xf32, #tpu.memory_space<hbm>> -> memref<40x128xf32, #tpu.memory_space<hbm>>
      %dma_wait3A_208 = arith.constant 0 : i32
      %dma_wait3A_209 = arith.constant 0 : i32
      %dma_wait3A_210 = tpu.memref_slice %arg11[%dma_wait3A_201, %dma_wait3A_208, %dma_wait3A_209] : memref<2x40x128xf32, #tpu.memory_space<vmem>> -> memref<1x40x128xf32, #tpu.memory_space<vmem>>
      %dma_wait3A_211 = tpu.memref_squeeze %dma_wait3A_210 : memref<1x40x128xf32, #tpu.memory_space<vmem>> -> memref<40x128xf32, #tpu.memory_space<vmem>>
      %dma_wait3A_212 = arith.constant 0 : i32
      %dma_wait3A_213 = tpu.memref_slice %arg4[%add3A_174, %dma_wait3A_212] : memref<320000x128xf32, #tpu.memory_space<hbm>> -> memref<40x128xf32, #tpu.memory_space<hbm>>
      tpu.wait_dma2 semaphore(%arg14 : memref<!tpu.dma_semaphore, #tpu.memory_space<semaphore_mem>>) src(%dma_wait3A_213 : memref<40x128xf32, #tpu.memory_space<hbm>>) dst(%dma_wait3A_211 : memref<40x128xf32, #tpu.memory_space<vmem>>)
      %parallel_loop3A_214 = arith.constant 0 : i32
      %parallel_loop3A_215 = arith.constant 40 : i32
      %parallel_loop3A_216 = arith.constant 1 : i32
      scf.for %parallel_loop3A_227 = %parallel_loop3A_214 to %parallel_loop3A_215 step %parallel_loop3A_216  : i32 {
        %parallel_loop3A_228 = arith.constant 1 : i32
        %parallel_loop3A_229 = arith.index_cast %parallel_loop3A_228 : i32 to index
        %parallel_loop3A_230 = arith.index_cast %parallel_loop3A_227 : i32 to index
        %parallel_loop3A_231 = arith.constant 0 : index
        %parallel_loop3A_232 = tpu.vector_load %arg9[%parallel_loop3A_229, %parallel_loop3A_230, %parallel_loop3A_231] {strides = array<i32>} : memref<2x40x128xf32, #tpu.memory_space<vmem>>, vector<1x1x16xf32>,
        %parallel_loop3A_233 = vector.shape_cast %parallel_loop3A_232 : vector<1x1x16xf32> to vector<16xf32>
        %parallel_loop3A_234 = arith.constant 1 : i32
        %parallel_loop3A_235 = arith.index_cast %parallel_loop3A_234 : i32 to index
        %parallel_loop3A_236 = arith.index_cast %parallel_loop3A_227 : i32 to index
        %parallel_loop3A_237 = arith.constant 0 : index
        %parallel_loop3A_238 = tpu.vector_load %arg10[%parallel_loop3A_235, %parallel_loop3A_236, %parallel_loop3A_237] {strides = array<i32>} : memref<2x40x256xf32, #tpu.memory_space<vmem>>, vector<1x1x16xf32>,
        %parallel_loop3A_239 = vector.shape_cast %parallel_loop3A_238 : vector<1x1x16xf32> to vector<16xf32>
        %parallel_loop3A_240 = arith.addf %parallel_loop3A_233, %parallel_loop3A_239 : vector<16xf32>
        %parallel_loop3A_241 = arith.constant 1 : i32
        %parallel_loop3A_242 = arith.index_cast %parallel_loop3A_241 : i32 to index
        %parallel_loop3A_243 = arith.index_cast %parallel_loop3A_227 : i32 to index
        %parallel_loop3A_244 = arith.constant 0 : index
        %parallel_loop3A_245 = tpu.vector_load %arg11[%parallel_loop3A_242, %parallel_loop3A_243, %parallel_loop3A_244] {strides = array<i32>} : memref<2x40x128xf32, #tpu.memory_space<vmem>>, vector<1x1x16xf32>,
        %parallel_loop3A_246 = vector.shape_cast %parallel_loop3A_245 : vector<1x1x16xf32> to vector<16xf32>
        %parallel_loop3A_247 = arith.addf %parallel_loop3A_240, %parallel_loop3A_246 : vector<16xf32>
        %parallel_loop3A_248 = arith.constant 2.000000e-01 : f32
        %parallel_loop3A_249 = vector.broadcast %parallel_loop3A_248 : f32 to vector<16xf32>
        %parallel_loop3A_250 = arith.mulf %parallel_loop3A_247, %parallel_loop3A_249 : vector<16xf32>
        %parallel_loop3A_251 = arith.maximumf %parallel_loop3A_247, %parallel_loop3A_250 : vector<16xf32>
        %parallel_loop3A_252 = arith.constant 1 : i32
        %parallel_loop3A_253 = arith.index_cast %parallel_loop3A_252 : i32 to index
        %parallel_loop3A_254 = arith.index_cast %parallel_loop3A_227 : i32 to index
        %parallel_loop3A_255 = arith.constant 128 : index
        %parallel_loop3A_256 = tpu.vector_load %arg10[%parallel_loop3A_253, %parallel_loop3A_254, %parallel_loop3A_255] {strides = array<i32>} : memref<2x40x256xf32, #tpu.memory_space<vmem>>, vector<1x1x16xf32>,
        %parallel_loop3A_257 = vector.shape_cast %parallel_loop3A_256 : vector<1x1x16xf32> to vector<16xf32>
        %parallel_loop3A_258 = arith.mulf %parallel_loop3A_257, %parallel_loop3A_251 : vector<16xf32>
        %parallel_loop3A_259 = arith.constant 1 : i32
        %parallel_loop3A_260 = arith.index_cast %parallel_loop3A_259 : i32 to index
        %parallel_loop3A_261 = arith.index_cast %parallel_loop3A_227 : i32 to index
        %parallel_loop3A_262 = arith.constant 0 : index
        %parallel_loop3A_263 = tpu.vector_load %arg9[%parallel_loop3A_260, %parallel_loop3A_261, %parallel_loop3A_262] {strides = array<i32>} : memref<2x40x128xf32, #tpu.memory_space<vmem>>, vector<1x1x16xf32>,
        %parallel_loop3A_264 = vector.shape_cast %parallel_loop3A_263 : vector<1x1x16xf32> to vector<16xf32>
        %parallel_loop3A_265 = vector.shape_cast %parallel_loop3A_258 : vector<16xf32> to vector<1x1x16xf32>
        tpu.vector_store %arg9[%parallel_loop3A_260, %parallel_loop3A_261, %parallel_loop3A_262], %parallel_loop3A_265 {strides = array<i32>} : memref<2x40x128xf32, #tpu.memory_space<vmem>>, vector<1x1x16xf32>,
        %parallel_loop3A_266 = arith.constant 1 : i32
        %parallel_loop3A_267 = arith.index_cast %parallel_loop3A_266 : i32 to index
        %parallel_loop3A_268 = arith.index_cast %parallel_loop3A_227 : i32 to index
        %parallel_loop3A_269 = arith.constant 16 : index
        %parallel_loop3A_270 = tpu.vector_load %arg9[%parallel_loop3A_267, %parallel_loop3A_268, %parallel_loop3A_269] {strides = array<i32>} : memref<2x40x128xf32, #tpu.memory_space<vmem>>, vector<1x1x16xf32>,
        %parallel_loop3A_271 = vector.shape_cast %parallel_loop3A_270 : vector<1x1x16xf32> to vector<16xf32>
        %parallel_loop3A_272 = arith.constant 1 : i32
        %parallel_loop3A_273 = arith.index_cast %parallel_loop3A_272 : i32 to index
        %parallel_loop3A_274 = arith.index_cast %parallel_loop3A_227 : i32 to index
        %parallel_loop3A_275 = arith.constant 16 : index
        %parallel_loop3A_276 = tpu.vector_load %arg10[%parallel_loop3A_273, %parallel_loop3A_274, %parallel_loop3A_275] {strides = array<i32>} : memref<2x40x256xf32, #tpu.memory_space<vmem>>, vector<1x1x16xf32>,
        %parallel_loop3A_277 = vector.shape_cast %parallel_loop3A_276 : vector<1x1x16xf32> to vector<16xf32>
        %parallel_loop3A_278 = arith.addf %parallel_loop3A_271, %parallel_loop3A_277 : vector<16xf32>
        %parallel_loop3A_279 = arith.constant 1 : i32
        %parallel_loop3A_280 = arith.index_cast %parallel_loop3A_279 : i32 to index
        %parallel_loop3A_281 = arith.index_cast %parallel_loop3A_227 : i32 to index
        %parallel_loop3A_282 = arith.constant 16 : index
        %parallel_loop3A_283 = tpu.vector_load %arg11[%parallel_loop3A_280, %parallel_loop3A_281, %parallel_loop3A_282] {strides = array<i32>} : memref<2x40x128xf32, #tpu.memory_space<vmem>>, vector<1x1x16xf32>,
        %parallel_loop3A_284 = vector.shape_cast %parallel_loop3A_283 : vector<1x1x16xf32> to vector<16xf32>
        %parallel_loop3A_285 = arith.addf %parallel_loop3A_278, %parallel_loop3A_284 : vector<16xf32>
        %parallel_loop3A_286 = arith.constant 2.000000e-01 : f32
        %parallel_loop3A_287 = vector.broadcast %parallel_loop3A_286 : f32 to vector<16xf32>
        %parallel_loop3A_288 = arith.mulf %parallel_loop3A_285, %parallel_loop3A_287 : vector<16xf32>
        %parallel_loop3A_289 = arith.maximumf %parallel_loop3A_285, %parallel_loop3A_288 : vector<16xf32>
        %parallel_loop3A_290 = arith.constant 1 : i32
        %parallel_loop3A_291 = arith.index_cast %parallel_loop3A_290 : i32 to index
        %parallel_loop3A_292 = arith.index_cast %parallel_loop3A_227 : i32 to index
        %parallel_loop3A_293 = arith.constant 144 : index
        %parallel_loop3A_294 = tpu.vector_load %arg10[%parallel_loop3A_291, %parallel_loop3A_292, %parallel_loop3A_293] {strides = array<i32>} : memref<2x40x256xf32, #tpu.memory_space<vmem>>, vector<1x1x16xf32>,
        %parallel_loop3A_295 = vector.shape_cast %parallel_loop3A_294 : vector<1x1x16xf32> to vector<16xf32>
        %parallel_loop3A_296 = arith.mulf %parallel_loop3A_295, %parallel_loop3A_289 : vector<16xf32>
        %parallel_loop3A_297 = arith.constant 1 : i32
        %parallel_loop3A_298 = arith.index_cast %parallel_loop3A_297 : i32 to index
        %parallel_loop3A_299 = arith.index_cast %parallel_loop3A_227 : i32 to index
        %parallel_loop3A_300 = arith.constant 16 : index
        %parallel_loop3A_301 = tpu.vector_load %arg9[%parallel_loop3A_298, %parallel_loop3A_299, %parallel_loop3A_300] {strides = array<i32>} : memref<2x40x128xf32, #tpu.memory_space<vmem>>, vector<1x1x16xf32>,
        %parallel_loop3A_302 = vector.shape_cast %parallel_loop3A_301 : vector<1x1x16xf32> to vector<16xf32>
        %parallel_loop3A_303 = vector.shape_cast %parallel_loop3A_296 : vector<16xf32> to vector<1x1x16xf32>
        tpu.vector_store %arg9[%parallel_loop3A_298, %parallel_loop3A_299, %parallel_loop3A_300], %parallel_loop3A_303 {strides = array<i32>} : memref<2x40x128xf32, #tpu.memory_space<vmem>>, vector<1x1x16xf32>,
        %parallel_loop3A_304 = arith.constant 1 : i32
        %parallel_loop3A_305 = arith.index_cast %parallel_loop3A_304 : i32 to index
        %parallel_loop3A_306 = arith.index_cast %parallel_loop3A_227 : i32 to index
        %parallel_loop3A_307 = arith.constant 32 : index
        %parallel_loop3A_308 = tpu.vector_load %arg9[%parallel_loop3A_305, %parallel_loop3A_306, %parallel_loop3A_307] {strides = array<i32>} : memref<2x40x128xf32, #tpu.memory_space<vmem>>, vector<1x1x16xf32>,
        %parallel_loop3A_309 = vector.shape_cast %parallel_loop3A_308 : vector<1x1x16xf32> to vector<16xf32>
        %parallel_loop3A_310 = arith.constant 1 : i32
        %parallel_loop3A_311 = arith.index_cast %parallel_loop3A_310 : i32 to index
        %parallel_loop3A_312 = arith.index_cast %parallel_loop3A_227 : i32 to index
        %parallel_loop3A_313 = arith.constant 32 : index
        %parallel_loop3A_314 = tpu.vector_load %arg10[%parallel_loop3A_311, %parallel_loop3A_312, %parallel_loop3A_313] {strides = array<i32>} : memref<2x40x256xf32, #tpu.memory_space<vmem>>, vector<1x1x16xf32>,
        %parallel_loop3A_315 = vector.shape_cast %parallel_loop3A_314 : vector<1x1x16xf32> to vector<16xf32>
        %parallel_loop3A_316 = arith.addf %parallel_loop3A_309, %parallel_loop3A_315 : vector<16xf32>
        %parallel_loop3A_317 = arith.constant 1 : i32
        %parallel_loop3A_318 = arith.index_cast %parallel_loop3A_317 : i32 to index
        %parallel_loop3A_319 = arith.index_cast %parallel_loop3A_227 : i32 to index
        %parallel_loop3A_320 = arith.constant 32 : index
        %parallel_loop3A_321 = tpu.vector_load %arg11[%parallel_loop3A_318, %parallel_loop3A_319, %parallel_loop3A_320] {strides = array<i32>} : memref<2x40x128xf32, #tpu.memory_space<vmem>>, vector<1x1x16xf32>,
        %parallel_loop3A_322 = vector.shape_cast %parallel_loop3A_321 : vector<1x1x16xf32> to vector<16xf32>
        %parallel_loop3A_323 = arith.addf %parallel_loop3A_316, %parallel_loop3A_322 : vector<16xf32>
        %parallel_loop3A_324 = arith.constant 2.000000e-01 : f32
        %parallel_loop3A_325 = vector.broadcast %parallel_loop3A_324 : f32 to vector<16xf32>
        %parallel_loop3A_326 = arith.mulf %parallel_loop3A_323, %parallel_loop3A_325 : vector<16xf32>
        %parallel_loop3A_327 = arith.maximumf %parallel_loop3A_323, %parallel_loop3A_326 : vector<16xf32>
        %parallel_loop3A_328 = arith.constant 1 : i32
        %parallel_loop3A_329 = arith.index_cast %parallel_loop3A_328 : i32 to index
        %parallel_loop3A_330 = arith.index_cast %parallel_loop3A_227 : i32 to index
        %parallel_loop3A_331 = arith.constant 160 : index
        %parallel_loop3A_332 = tpu.vector_load %arg10[%parallel_loop3A_329, %parallel_loop3A_330, %parallel_loop3A_331] {strides = array<i32>} : memref<2x40x256xf32, #tpu.memory_space<vmem>>, vector<1x1x16xf32>,
        %parallel_loop3A_333 = vector.shape_cast %parallel_loop3A_332 : vector<1x1x16xf32> to vector<16xf32>
        %parallel_loop3A_334 = arith.mulf %parallel_loop3A_333, %parallel_loop3A_327 : vector<16xf32>
        %parallel_loop3A_335 = arith.constant 1 : i32
        %parallel_loop3A_336 = arith.index_cast %parallel_loop3A_335 : i32 to index
        %parallel_loop3A_337 = arith.index_cast %parallel_loop3A_227 : i32 to index
        %parallel_loop3A_338 = arith.constant 32 : index
        %parallel_loop3A_339 = tpu.vector_load %arg9[%parallel_loop3A_336, %parallel_loop3A_337, %parallel_loop3A_338] {strides = array<i32>} : memref<2x40x128xf32, #tpu.memory_space<vmem>>, vector<1x1x16xf32>,
        %parallel_loop3A_340 = vector.shape_cast %parallel_loop3A_339 : vector<1x1x16xf32> to vector<16xf32>
        %parallel_loop3A_341 = vector.shape_cast %parallel_loop3A_334 : vector<16xf32> to vector<1x1x16xf32>
        tpu.vector_store %arg9[%parallel_loop3A_336, %parallel_loop3A_337, %parallel_loop3A_338], %parallel_loop3A_341 {strides = array<i32>} : memref<2x40x128xf32, #tpu.memory_space<vmem>>, vector<1x1x16xf32>,
        %parallel_loop3A_342 = arith.constant 1 : i32
        %parallel_loop3A_343 = arith.index_cast %parallel_loop3A_342 : i32 to index
        %parallel_loop3A_344 = arith.index_cast %parallel_loop3A_227 : i32 to index
        %parallel_loop3A_345 = arith.constant 48 : index
        %parallel_loop3A_346 = tpu.vector_load %arg9[%parallel_loop3A_343, %parallel_loop3A_344, %parallel_loop3A_345] {strides = array<i32>} : memref<2x40x128xf32, #tpu.memory_space<vmem>>, vector<1x1x16xf32>,
        %parallel_loop3A_347 = vector.shape_cast %parallel_loop3A_346 : vector<1x1x16xf32> to vector<16xf32>
        %parallel_loop3A_348 = arith.constant 1 : i32
        %parallel_loop3A_349 = arith.index_cast %parallel_loop3A_348 : i32 to index
        %parallel_loop3A_350 = arith.index_cast %parallel_loop3A_227 : i32 to index
        %parallel_loop3A_351 = arith.constant 48 : index
        %parallel_loop3A_352 = tpu.vector_load %arg10[%parallel_loop3A_349, %parallel_loop3A_350, %parallel_loop3A_351] {strides = array<i32>} : memref<2x40x256xf32, #tpu.memory_space<vmem>>, vector<1x1x16xf32>,
        %parallel_loop3A_353 = vector.shape_cast %parallel_loop3A_352 : vector<1x1x16xf32> to vector<16xf32>
        %parallel_loop3A_354 = arith.addf %parallel_loop3A_347, %parallel_loop3A_353 : vector<16xf32>
        %parallel_loop3A_355 = arith.constant 1 : i32
        %parallel_loop3A_356 = arith.index_cast %parallel_loop3A_355 : i32 to index
        %parallel_loop3A_357 = arith.index_cast %parallel_loop3A_227 : i32 to index
        %parallel_loop3A_358 = arith.constant 48 : index
        %parallel_loop3A_359 = tpu.vector_load %arg11[%parallel_loop3A_356, %parallel_loop3A_357, %parallel_loop3A_358] {strides = array<i32>} : memref<2x40x128xf32, #tpu.memory_space<vmem>>, vector<1x1x16xf32>,
        %parallel_loop3A_360 = vector.shape_cast %parallel_loop3A_359 : vector<1x1x16xf32> to vector<16xf32>
        %parallel_loop3A_361 = arith.addf %parallel_loop3A_354, %parallel_loop3A_360 : vector<16xf32>
        %parallel_loop3A_362 = arith.constant 2.000000e-01 : f32
        %parallel_loop3A_363 = vector.broadcast %parallel_loop3A_362 : f32 to vector<16xf32>
        %parallel_loop3A_364 = arith.mulf %parallel_loop3A_361, %parallel_loop3A_363 : vector<16xf32>
        %parallel_loop3A_365 = arith.maximumf %parallel_loop3A_361, %parallel_loop3A_364 : vector<16xf32>
        %parallel_loop3A_366 = arith.constant 1 : i32
        %parallel_loop3A_367 = arith.index_cast %parallel_loop3A_366 : i32 to index
        %parallel_loop3A_368 = arith.index_cast %parallel_loop3A_227 : i32 to index
        %parallel_loop3A_369 = arith.constant 176 : index
        %parallel_loop3A_370 = tpu.vector_load %arg10[%parallel_loop3A_367, %parallel_loop3A_368, %parallel_loop3A_369] {strides = array<i32>} : memref<2x40x256xf32, #tpu.memory_space<vmem>>, vector<1x1x16xf32>,
        %parallel_loop3A_371 = vector.shape_cast %parallel_loop3A_370 : vector<1x1x16xf32> to vector<16xf32>
        %parallel_loop3A_372 = arith.mulf %parallel_loop3A_371, %parallel_loop3A_365 : vector<16xf32>
        %parallel_loop3A_373 = arith.constant 1 : i32
        %parallel_loop3A_374 = arith.index_cast %parallel_loop3A_373 : i32 to index
        %parallel_loop3A_375 = arith.index_cast %parallel_loop3A_227 : i32 to index
        %parallel_loop3A_376 = arith.constant 48 : index
        %parallel_loop3A_377 = tpu.vector_load %arg9[%parallel_loop3A_374, %parallel_loop3A_375, %parallel_loop3A_376] {strides = array<i32>} : memref<2x40x128xf32, #tpu.memory_space<vmem>>, vector<1x1x16xf32>,
        %parallel_loop3A_378 = vector.shape_cast %parallel_loop3A_377 : vector<1x1x16xf32> to vector<16xf32>
        %parallel_loop3A_379 = vector.shape_cast %parallel_loop3A_372 : vector<16xf32> to vector<1x1x16xf32>
        tpu.vector_store %arg9[%parallel_loop3A_374, %parallel_loop3A_375, %parallel_loop3A_376], %parallel_loop3A_379 {strides = array<i32>} : memref<2x40x128xf32, #tpu.memory_space<vmem>>, vector<1x1x16xf32>,
        %parallel_loop3A_380 = arith.constant 1 : i32
        %parallel_loop3A_381 = arith.index_cast %parallel_loop3A_380 : i32 to index
        %parallel_loop3A_382 = arith.index_cast %parallel_loop3A_227 : i32 to index
        %parallel_loop3A_383 = arith.constant 64 : index
        %parallel_loop3A_384 = tpu.vector_load %arg9[%parallel_loop3A_381, %parallel_loop3A_382, %parallel_loop3A_383] {strides = array<i32>} : memref<2x40x128xf32, #tpu.memory_space<vmem>>, vector<1x1x16xf32>,
        %parallel_loop3A_385 = vector.shape_cast %parallel_loop3A_384 : vector<1x1x16xf32> to vector<16xf32>
        %parallel_loop3A_386 = arith.constant 1 : i32
        %parallel_loop3A_387 = arith.index_cast %parallel_loop3A_386 : i32 to index
        %parallel_loop3A_388 = arith.index_cast %parallel_loop3A_227 : i32 to index
        %parallel_loop3A_389 = arith.constant 64 : index
        %parallel_loop3A_390 = tpu.vector_load %arg10[%parallel_loop3A_387, %parallel_loop3A_388, %parallel_loop3A_389] {strides = array<i32>} : memref<2x40x256xf32, #tpu.memory_space<vmem>>, vector<1x1x16xf32>,
        %parallel_loop3A_391 = vector.shape_cast %parallel_loop3A_390 : vector<1x1x16xf32> to vector<16xf32>
        %parallel_loop3A_392 = arith.addf %parallel_loop3A_385, %parallel_loop3A_391 : vector<16xf32>
        %parallel_loop3A_393 = arith.constant 1 : i32
        %parallel_loop3A_394 = arith.index_cast %parallel_loop3A_393 : i32 to index
        %parallel_loop3A_395 = arith.index_cast %parallel_loop3A_227 : i32 to index
        %parallel_loop3A_396 = arith.constant 64 : index
        %parallel_loop3A_397 = tpu.vector_load %arg11[%parallel_loop3A_394, %parallel_loop3A_395, %parallel_loop3A_396] {strides = array<i32>} : memref<2x40x128xf32, #tpu.memory_space<vmem>>, vector<1x1x16xf32>,
        %parallel_loop3A_398 = vector.shape_cast %parallel_loop3A_397 : vector<1x1x16xf32> to vector<16xf32>
        %parallel_loop3A_399 = arith.addf %parallel_loop3A_392, %parallel_loop3A_398 : vector<16xf32>
        %parallel_loop3A_400 = arith.constant 2.000000e-01 : f32
        %parallel_loop3A_401 = vector.broadcast %parallel_loop3A_400 : f32 to vector<16xf32>
        %parallel_loop3A_402 = arith.mulf %parallel_loop3A_399, %parallel_loop3A_401 : vector<16xf32>
        %parallel_loop3A_403 = arith.maximumf %parallel_loop3A_399, %parallel_loop3A_402 : vector<16xf32>
        %parallel_loop3A_404 = arith.constant 1 : i32
        %parallel_loop3A_405 = arith.index_cast %parallel_loop3A_404 : i32 to index
        %parallel_loop3A_406 = arith.index_cast %parallel_loop3A_227 : i32 to index
        %parallel_loop3A_407 = arith.constant 192 : index
        %parallel_loop3A_408 = tpu.vector_load %arg10[%parallel_loop3A_405, %parallel_loop3A_406, %parallel_loop3A_407] {strides = array<i32>} : memref<2x40x256xf32, #tpu.memory_space<vmem>>, vector<1x1x16xf32>,
        %parallel_loop3A_409 = vector.shape_cast %parallel_loop3A_408 : vector<1x1x16xf32> to vector<16xf32>
        %parallel_loop3A_410 = arith.mulf %parallel_loop3A_409, %parallel_loop3A_403 : vector<16xf32>
        %parallel_loop3A_411 = arith.constant 1 : i32
        %parallel_loop3A_412 = arith.index_cast %parallel_loop3A_411 : i32 to index
        %parallel_loop3A_413 = arith.index_cast %parallel_loop3A_227 : i32 to index
        %parallel_loop3A_414 = arith.constant 64 : index
        %parallel_loop3A_415 = tpu.vector_load %arg9[%parallel_loop3A_412, %parallel_loop3A_413, %parallel_loop3A_414] {strides = array<i32>} : memref<2x40x128xf32, #tpu.memory_space<vmem>>, vector<1x1x16xf32>,
        %parallel_loop3A_416 = vector.shape_cast %parallel_loop3A_415 : vector<1x1x16xf32> to vector<16xf32>
        %parallel_loop3A_417 = vector.shape_cast %parallel_loop3A_410 : vector<16xf32> to vector<1x1x16xf32>
        tpu.vector_store %arg9[%parallel_loop3A_412, %parallel_loop3A_413, %parallel_loop3A_414], %parallel_loop3A_417 {strides = array<i32>} : memref<2x40x128xf32, #tpu.memory_space<vmem>>, vector<1x1x16xf32>,
        %parallel_loop3A_418 = arith.constant 1 : i32
        %parallel_loop3A_419 = arith.index_cast %parallel_loop3A_418 : i32 to index
        %parallel_loop3A_420 = arith.index_cast %parallel_loop3A_227 : i32 to index
        %parallel_loop3A_421 = arith.constant 80 : index
        %parallel_loop3A_422 = tpu.vector_load %arg9[%parallel_loop3A_419, %parallel_loop3A_420, %parallel_loop3A_421] {strides = array<i32>} : memref<2x40x128xf32, #tpu.memory_space<vmem>>, vector<1x1x16xf32>,
        %parallel_loop3A_423 = vector.shape_cast %parallel_loop3A_422 : vector<1x1x16xf32> to vector<16xf32>
        %parallel_loop3A_424 = arith.constant 1 : i32
        %parallel_loop3A_425 = arith.index_cast %parallel_loop3A_424 : i32 to index
        %parallel_loop3A_426 = arith.index_cast %parallel_loop3A_227 : i32 to index
        %parallel_loop3A_427 = arith.constant 80 : index
        %parallel_loop3A_428 = tpu.vector_load %arg10[%parallel_loop3A_425, %parallel_loop3A_426, %parallel_loop3A_427] {strides = array<i32>} : memref<2x40x256xf32, #tpu.memory_space<vmem>>, vector<1x1x16xf32>,
        %parallel_loop3A_429 = vector.shape_cast %parallel_loop3A_428 : vector<1x1x16xf32> to vector<16xf32>
        %parallel_loop3A_430 = arith.addf %parallel_loop3A_423, %parallel_loop3A_429 : vector<16xf32>
        %parallel_loop3A_431 = arith.constant 1 : i32
        %parallel_loop3A_432 = arith.index_cast %parallel_loop3A_431 : i32 to index
        %parallel_loop3A_433 = arith.index_cast %parallel_loop3A_227 : i32 to index
        %parallel_loop3A_434 = arith.constant 80 : index
        %parallel_loop3A_435 = tpu.vector_load %arg11[%parallel_loop3A_432, %parallel_loop3A_433, %parallel_loop3A_434] {strides = array<i32>} : memref<2x40x128xf32, #tpu.memory_space<vmem>>, vector<1x1x16xf32>,
        %parallel_loop3A_436 = vector.shape_cast %parallel_loop3A_435 : vector<1x1x16xf32> to vector<16xf32>
        %parallel_loop3A_437 = arith.addf %parallel_loop3A_430, %parallel_loop3A_436 : vector<16xf32>
        %parallel_loop3A_438 = arith.constant 2.000000e-01 : f32
        %parallel_loop3A_439 = vector.broadcast %parallel_loop3A_438 : f32 to vector<16xf32>
        %parallel_loop3A_440 = arith.mulf %parallel_loop3A_437, %parallel_loop3A_439 : vector<16xf32>
        %parallel_loop3A_441 = arith.maximumf %parallel_loop3A_437, %parallel_loop3A_440 : vector<16xf32>
        %parallel_loop3A_442 = arith.constant 1 : i32
        %parallel_loop3A_443 = arith.index_cast %parallel_loop3A_442 : i32 to index
        %parallel_loop3A_444 = arith.index_cast %parallel_loop3A_227 : i32 to index
        %parallel_loop3A_445 = arith.constant 208 : index
        %parallel_loop3A_446 = tpu.vector_load %arg10[%parallel_loop3A_443, %parallel_loop3A_444, %parallel_loop3A_445] {strides = array<i32>} : memref<2x40x256xf32, #tpu.memory_space<vmem>>, vector<1x1x16xf32>,
        %parallel_loop3A_447 = vector.shape_cast %parallel_loop3A_446 : vector<1x1x16xf32> to vector<16xf32>
        %parallel_loop3A_448 = arith.mulf %parallel_loop3A_447, %parallel_loop3A_441 : vector<16xf32>
        %parallel_loop3A_449 = arith.constant 1 : i32
        %parallel_loop3A_450 = arith.index_cast %parallel_loop3A_449 : i32 to index
        %parallel_loop3A_451 = arith.index_cast %parallel_loop3A_227 : i32 to index
        %parallel_loop3A_452 = arith.constant 80 : index
        %parallel_loop3A_453 = tpu.vector_load %arg9[%parallel_loop3A_450, %parallel_loop3A_451, %parallel_loop3A_452] {strides = array<i32>} : memref<2x40x128xf32, #tpu.memory_space<vmem>>, vector<1x1x16xf32>,
        %parallel_loop3A_454 = vector.shape_cast %parallel_loop3A_453 : vector<1x1x16xf32> to vector<16xf32>
        %parallel_loop3A_455 = vector.shape_cast %parallel_loop3A_448 : vector<16xf32> to vector<1x1x16xf32>
        tpu.vector_store %arg9[%parallel_loop3A_450, %parallel_loop3A_451, %parallel_loop3A_452], %parallel_loop3A_455 {strides = array<i32>} : memref<2x40x128xf32, #tpu.memory_space<vmem>>, vector<1x1x16xf32>,
        %parallel_loop3A_456 = arith.constant 1 : i32
        %parallel_loop3A_457 = arith.index_cast %parallel_loop3A_456 : i32 to index
        %parallel_loop3A_458 = arith.index_cast %parallel_loop3A_227 : i32 to index
        %parallel_loop3A_459 = arith.constant 96 : index
        %parallel_loop3A_460 = tpu.vector_load %arg9[%parallel_loop3A_457, %parallel_loop3A_458, %parallel_loop3A_459] {strides = array<i32>} : memref<2x40x128xf32, #tpu.memory_space<vmem>>, vector<1x1x16xf32>,
        %parallel_loop3A_461 = vector.shape_cast %parallel_loop3A_460 : vector<1x1x16xf32> to vector<16xf32>
        %parallel_loop3A_462 = arith.constant 1 : i32
        %parallel_loop3A_463 = arith.index_cast %parallel_loop3A_462 : i32 to index
        %parallel_loop3A_464 = arith.index_cast %parallel_loop3A_227 : i32 to index
        %parallel_loop3A_465 = arith.constant 96 : index
        %parallel_loop3A_466 = tpu.vector_load %arg10[%parallel_loop3A_463, %parallel_loop3A_464, %parallel_loop3A_465] {strides = array<i32>} : memref<2x40x256xf32, #tpu.memory_space<vmem>>, vector<1x1x16xf32>,
        %parallel_loop3A_467 = vector.shape_cast %parallel_loop3A_466 : vector<1x1x16xf32> to vector<16xf32>
        %parallel_loop3A_468 = arith.addf %parallel_loop3A_461, %parallel_loop3A_467 : vector<16xf32>
        %parallel_loop3A_469 = arith.constant 1 : i32
        %parallel_loop3A_470 = arith.index_cast %parallel_loop3A_469 : i32 to index
        %parallel_loop3A_471 = arith.index_cast %parallel_loop3A_227 : i32 to index
        %parallel_loop3A_472 = arith.constant 96 : index
        %parallel_loop3A_473 = tpu.vector_load %arg11[%parallel_loop3A_470, %parallel_loop3A_471, %parallel_loop3A_472] {strides = array<i32>} : memref<2x40x128xf32, #tpu.memory_space<vmem>>, vector<1x1x16xf32>,
        %parallel_loop3A_474 = vector.shape_cast %parallel_loop3A_473 : vector<1x1x16xf32> to vector<16xf32>
        %parallel_loop3A_475 = arith.addf %parallel_loop3A_468, %parallel_loop3A_474 : vector<16xf32>
        %parallel_loop3A_476 = arith.constant 2.000000e-01 : f32
        %parallel_loop3A_477 = vector.broadcast %parallel_loop3A_476 : f32 to vector<16xf32>
        %parallel_loop3A_478 = arith.mulf %parallel_loop3A_475, %parallel_loop3A_477 : vector<16xf32>
        %parallel_loop3A_479 = arith.maximumf %parallel_loop3A_475, %parallel_loop3A_478 : vector<16xf32>
        %parallel_loop3A_480 = arith.constant 1 : i32
        %parallel_loop3A_481 = arith.index_cast %parallel_loop3A_480 : i32 to index
        %parallel_loop3A_482 = arith.index_cast %parallel_loop3A_227 : i32 to index
        %parallel_loop3A_483 = arith.constant 224 : index
        %parallel_loop3A_484 = tpu.vector_load %arg10[%parallel_loop3A_481, %parallel_loop3A_482, %parallel_loop3A_483] {strides = array<i32>} : memref<2x40x256xf32, #tpu.memory_space<vmem>>, vector<1x1x16xf32>,
        %parallel_loop3A_485 = vector.shape_cast %parallel_loop3A_484 : vector<1x1x16xf32> to vector<16xf32>
        %parallel_loop3A_486 = arith.mulf %parallel_loop3A_485, %parallel_loop3A_479 : vector<16xf32>
        %parallel_loop3A_487 = arith.constant 1 : i32
        %parallel_loop3A_488 = arith.index_cast %parallel_loop3A_487 : i32 to index
        %parallel_loop3A_489 = arith.index_cast %parallel_loop3A_227 : i32 to index
        %parallel_loop3A_490 = arith.constant 96 : index
        %parallel_loop3A_491 = tpu.vector_load %arg9[%parallel_loop3A_488, %parallel_loop3A_489, %parallel_loop3A_490] {strides = array<i32>} : memref<2x40x128xf32, #tpu.memory_space<vmem>>, vector<1x1x16xf32>,
        %parallel_loop3A_492 = vector.shape_cast %parallel_loop3A_491 : vector<1x1x16xf32> to vector<16xf32>
        %parallel_loop3A_493 = vector.shape_cast %parallel_loop3A_486 : vector<16xf32> to vector<1x1x16xf32>
        tpu.vector_store %arg9[%parallel_loop3A_488, %parallel_loop3A_489, %parallel_loop3A_490], %parallel_loop3A_493 {strides = array<i32>} : memref<2x40x128xf32, #tpu.memory_space<vmem>>, vector<1x1x16xf32>,
        %parallel_loop3A_494 = arith.constant 1 : i32
        %parallel_loop3A_495 = arith.index_cast %parallel_loop3A_494 : i32 to index
        %parallel_loop3A_496 = arith.index_cast %parallel_loop3A_227 : i32 to index
        %parallel_loop3A_497 = arith.constant 112 : index
        %parallel_loop3A_498 = tpu.vector_load %arg9[%parallel_loop3A_495, %parallel_loop3A_496, %parallel_loop3A_497] {strides = array<i32>} : memref<2x40x128xf32, #tpu.memory_space<vmem>>, vector<1x1x16xf32>,
        %parallel_loop3A_499 = vector.shape_cast %parallel_loop3A_498 : vector<1x1x16xf32> to vector<16xf32>
        %parallel_loop3A_500 = arith.constant 1 : i32
        %parallel_loop3A_501 = arith.index_cast %parallel_loop3A_500 : i32 to index
        %parallel_loop3A_502 = arith.index_cast %parallel_loop3A_227 : i32 to index
        %parallel_loop3A_503 = arith.constant 112 : index
        %parallel_loop3A_504 = tpu.vector_load %arg10[%parallel_loop3A_501, %parallel_loop3A_502, %parallel_loop3A_503] {strides = array<i32>} : memref<2x40x256xf32, #tpu.memory_space<vmem>>, vector<1x1x16xf32>,
        %parallel_loop3A_505 = vector.shape_cast %parallel_loop3A_504 : vector<1x1x16xf32> to vector<16xf32>
        %parallel_loop3A_506 = arith.addf %parallel_loop3A_499, %parallel_loop3A_505 : vector<16xf32>
        %parallel_loop3A_507 = arith.constant 1 : i32
        %parallel_loop3A_508 = arith.index_cast %parallel_loop3A_507 : i32 to index
        %parallel_loop3A_509 = arith.index_cast %parallel_loop3A_227 : i32 to index
        %parallel_loop3A_510 = arith.constant 112 : index
        %parallel_loop3A_511 = tpu.vector_load %arg11[%parallel_loop3A_508, %parallel_loop3A_509, %parallel_loop3A_510] {strides = array<i32>} : memref<2x40x128xf32, #tpu.memory_space<vmem>>, vector<1x1x16xf32>,
        %parallel_loop3A_512 = vector.shape_cast %parallel_loop3A_511 : vector<1x1x16xf32> to vector<16xf32>
        %parallel_loop3A_513 = arith.addf %parallel_loop3A_506, %parallel_loop3A_512 : vector<16xf32>
        %parallel_loop3A_514 = arith.constant 2.000000e-01 : f32
        %parallel_loop3A_515 = vector.broadcast %parallel_loop3A_514 : f32 to vector<16xf32>
        %parallel_loop3A_516 = arith.mulf %parallel_loop3A_513, %parallel_loop3A_515 : vector<16xf32>
        %parallel_loop3A_517 = arith.maximumf %parallel_loop3A_513, %parallel_loop3A_516 : vector<16xf32>
        %parallel_loop3A_518 = arith.constant 1 : i32
        %parallel_loop3A_519 = arith.index_cast %parallel_loop3A_518 : i32 to index
        %parallel_loop3A_520 = arith.index_cast %parallel_loop3A_227 : i32 to index
        %parallel_loop3A_521 = arith.constant 240 : index
        %parallel_loop3A_522 = tpu.vector_load %arg10[%parallel_loop3A_519, %parallel_loop3A_520, %parallel_loop3A_521] {strides = array<i32>} : memref<2x40x256xf32, #tpu.memory_space<vmem>>, vector<1x1x16xf32>,
        %parallel_loop3A_523 = vector.shape_cast %parallel_loop3A_522 : vector<1x1x16xf32> to vector<16xf32>
        %parallel_loop3A_524 = arith.mulf %parallel_loop3A_523, %parallel_loop3A_517 : vector<16xf32>
        %parallel_loop3A_525 = arith.constant 1 : i32
        %parallel_loop3A_526 = arith.index_cast %parallel_loop3A_525 : i32 to index
        %parallel_loop3A_527 = arith.index_cast %parallel_loop3A_227 : i32 to index
        %parallel_loop3A_528 = arith.constant 112 : index
        %parallel_loop3A_529 = tpu.vector_load %arg9[%parallel_loop3A_526, %parallel_loop3A_527, %parallel_loop3A_528] {strides = array<i32>} : memref<2x40x128xf32, #tpu.memory_space<vmem>>, vector<1x1x16xf32>,
        %parallel_loop3A_530 = vector.shape_cast %parallel_loop3A_529 : vector<1x1x16xf32> to vector<16xf32>
        %parallel_loop3A_531 = vector.shape_cast %parallel_loop3A_524 : vector<16xf32> to vector<1x1x16xf32>
        tpu.vector_store %arg9[%parallel_loop3A_526, %parallel_loop3A_527, %parallel_loop3A_528], %parallel_loop3A_531 {strides = array<i32>} : memref<2x40x128xf32, #tpu.memory_space<vmem>>, vector<1x1x16xf32>,
      } {sc.loop_unroll_factor = 8 : i64, sc.parallel_access}
      %run_scoped3A_217 = arith.constant 1 : i32
      %run_scoped3A_218 = arith.constant 1 : i32
      %run_scoped3A_219 = arith.constant 0 : i32
      "tpu.region"() ({
        %run_scoped3A_227 = tpu.sem_alloc : memref<!tpu.dma_semaphore, #tpu.memory_space<semaphore_mem>>
        %dma_start3A_228 = arith.constant 0 : i32
        %dma_start3A_229 = arith.constant 0 : i32
        %dma_start3A_230 = tpu.memref_slice %arg9[%run_scoped3A_217, %dma_start3A_228, %dma_start3A_229] : memref<2x40x128xf32, #tpu.memory_space<vmem>> -> memref<1x40x128xf32, #tpu.memory_space<vmem>>
        %dma_start3A_231 = tpu.memref_squeeze %dma_start3A_230 : memref<1x40x128xf32, #tpu.memory_space<vmem>> -> memref<40x128xf32, #tpu.memory_space<vmem>>
        %dma_start3A_232 = arith.constant 0 : i32
        %dma_start3A_233 = tpu.memref_slice %arg8[%run_scoped3A_218, %run_scoped3A_219, %dma_start3A_232] : memref<2x2x40xi32, #tpu.memory_space<vmem>> -> memref<1x1x40xi32, #tpu.memory_space<vmem>>
        %dma_start3A_234 = tpu.memref_squeeze %dma_start3A_233 : memref<1x1x40xi32, #tpu.memory_space<vmem>> -> memref<40xi32, #tpu.memory_space<vmem>>
        %dma_start3A_235 = arith.constant 0 : i32
        %dma_start3A_236 = arith.constant 0 : i32
        %dma_start3A_237 = tpu.memref_slice %arg12[%dma_start3A_235, %dma_start3A_236] : memref<10240x128xf32, #tpu.memory_space<vmem_shared>> -> memref<10240x128xf32, #tpu.memory_space<vmem_shared>>
        tpu.enqueue_indirect_dma source(%dma_start3A_231 : memref<40x128xf32, #tpu.memory_space<vmem>>) target(%dma_start3A_237 : memref<10240x128xf32, #tpu.memory_space<vmem_shared>>) offsets(%dma_start3A_234 : memref<40xi32, #tpu.memory_space<vmem>>) semaphore(%run_scoped3A_227 : memref<!tpu.dma_semaphore, #tpu.memory_space<semaphore_mem>>) {add = true}
        %dma_wait3A_238 = arith.constant 0 : i32
        %dma_wait3A_239 = arith.constant 0 : i32
        %dma_wait3A_240 = tpu.memref_slice %arg9[%run_scoped3A_217, %dma_wait3A_238, %dma_wait3A_239] : memref<2x40x128xf32, #tpu.memory_space<vmem>> -> memref<1x40x128xf32, #tpu.memory_space<vmem>>
        %dma_wait3A_241 = tpu.memref_squeeze %dma_wait3A_240 : memref<1x40x128xf32, #tpu.memory_space<vmem>> -> memref<40x128xf32, #tpu.memory_space<vmem>>
        %dma_wait3A_242 = arith.constant 0 : i32
        %dma_wait3A_243 = tpu.memref_slice %arg8[%run_scoped3A_218, %run_scoped3A_219, %dma_wait3A_242] : memref<2x2x40xi32, #tpu.memory_space<vmem>> -> memref<1x1x40xi32, #tpu.memory_space<vmem>>
        %dma_wait3A_244 = tpu.memref_squeeze %dma_wait3A_243 : memref<1x1x40xi32, #tpu.memory_space<vmem>> -> memref<40xi32, #tpu.memory_space<vmem>>
        %dma_wait3A_245 = arith.constant 0 : i32
        %dma_wait3A_246 = arith.constant 0 : i32
        %dma_wait3A_247 = tpu.memref_slice %arg12[%dma_wait3A_245, %dma_wait3A_246] : memref<10240x128xf32, #tpu.memory_space<vmem_shared>> -> memref<10240x128xf32, #tpu.memory_space<vmem_shared>>
        tpu.wait_indirect_dma semaphore(%run_scoped3A_227 : memref<!tpu.dma_semaphore, #tpu.memory_space<semaphore_mem>>) src(%dma_wait3A_241 : memref<40x128xf32, #tpu.memory_space<vmem>>) dst(%dma_wait3A_247 : memref<10240x128xf32, #tpu.memory_space<vmem_shared>>)
        tpu.yield
      }) : () -> ()
      %add3A_220 = arith.constant 2 : i32
      %add3A_221 = arith.addi %add3A_171, %add3A_220 : i32
      %lt3A_222 = arith.constant 250 : i32
      %lt3A_223 = arith.cmpi slt, %add3A_221, %lt3A_222 : i32
      %convert_element_type3A_224 = arith.extui %lt3A_223 : i1 to i32
      %cond3A_225 = arith.constant 0 : i32
      %cond3A_226 = arith.cmpi ne, %convert_element_type3A_224, %cond3A_225 : i32
      scf.if %cond3A_226 {
        %add3A_227 = arith.constant 2 : i32
        %add3A_228 = arith.addi %add3A_171, %add3A_227 : i32
        %add3A_229 = arith.addi %select_n3A, %add3A_228 : i32
        %run_scoped3A_230 = arith.constant 1 : i32
        "tpu.region"() ({
          %run_scoped3A_273 = tpu.sem_alloc : memref<!tpu.dma_semaphore, #tpu.memory_space<semaphore_mem>>
          %dma_start3A_274 = arith.constant 0 : i32
          %dma_start3A_275 = arith.constant 0 : i32
          %dma_start3A_276 = tpu.memref_slice %arg8[%run_scoped3A_230, %dma_start3A_274, %dma_start3A_275] : memref<2x2x40xi32, #tpu.memory_space<vmem>> -> memref<1x2x40xi32, #tpu.memory_space<vmem>>
          %dma_start3A_277 = tpu.memref_squeeze %dma_start3A_276 : memref<1x2x40xi32, #tpu.memory_space<vmem>> -> memref<2x40xi32, #tpu.memory_space<vmem>>
          %dma_start3A_278 = arith.constant 0 : i32
          %dma_start3A_279 = arith.constant 0 : i32
          %dma_start3A_280 = tpu.memref_slice %arg5[%add3A_229, %dma_start3A_278, %dma_start3A_279] : memref<8000x2x40xi32, #tpu.memory_space<hbm>> -> memref<1x2x40xi32, #tpu.memory_space<hbm>>
          %dma_start3A_281 = tpu.memref_squeeze %dma_start3A_280 : memref<1x2x40xi32, #tpu.memory_space<hbm>> -> memref<2x40xi32, #tpu.memory_space<hbm>>
          %dma_start3A_282 = arith.constant 0 : i32
          %dma_start3A_283 = arith.constant 0 : i32
          %dma_start3A_284 = tpu.memref_slice %arg8[%run_scoped3A_230, %dma_start3A_282, %dma_start3A_283] : memref<2x2x40xi32, #tpu.memory_space<vmem>> -> memref<1x2x40xi32, #tpu.memory_space<vmem>>
          %dma_start3A_285 = tpu.memref_squeeze %dma_start3A_284 : memref<1x2x40xi32, #tpu.memory_space<vmem>> -> memref<2x40xi32, #tpu.memory_space<vmem>>
          %dma_start3A_286 = arith.constant 0 : i32
          %dma_start3A_287 = arith.constant 0 : i32
          %dma_start3A_288 = tpu.memref_slice %arg5[%add3A_229, %dma_start3A_286, %dma_start3A_287] : memref<8000x2x40xi32, #tpu.memory_space<hbm>> -> memref<1x2x40xi32, #tpu.memory_space<hbm>>
          %dma_start3A_289 = tpu.memref_squeeze %dma_start3A_288 : memref<1x2x40xi32, #tpu.memory_space<hbm>> -> memref<2x40xi32, #tpu.memory_space<hbm>>
          tpu.enqueue_dma source(%dma_start3A_289 : memref<2x40xi32, #tpu.memory_space<hbm>>) target(%dma_start3A_285 : memref<2x40xi32, #tpu.memory_space<vmem>>) target_semaphore(%run_scoped3A_273 : memref<!tpu.dma_semaphore, #tpu.memory_space<semaphore_mem>>)
          %dma_wait3A_290 = arith.constant 0 : i32
          %dma_wait3A_291 = arith.constant 0 : i32
          %dma_wait3A_292 = tpu.memref_slice %arg8[%run_scoped3A_230, %dma_wait3A_290, %dma_wait3A_291] : memref<2x2x40xi32, #tpu.memory_space<vmem>> -> memref<1x2x40xi32, #tpu.memory_space<vmem>>
          %dma_wait3A_293 = tpu.memref_squeeze %dma_wait3A_292 : memref<1x2x40xi32, #tpu.memory_space<vmem>> -> memref<2x40xi32, #tpu.memory_space<vmem>>
          %dma_wait3A_294 = arith.constant 0 : i32
          %dma_wait3A_295 = arith.constant 0 : i32
          %dma_wait3A_296 = tpu.memref_slice %arg5[%add3A_229, %dma_wait3A_294, %dma_wait3A_295] : memref<8000x2x40xi32, #tpu.memory_space<hbm>> -> memref<1x2x40xi32, #tpu.memory_space<hbm>>
          %dma_wait3A_297 = tpu.memref_squeeze %dma_wait3A_296 : memref<1x2x40xi32, #tpu.memory_space<hbm>> -> memref<2x40xi32, #tpu.memory_space<hbm>>
          %dma_wait3A_298 = arith.constant 0 : i32
          %dma_wait3A_299 = arith.constant 0 : i32
          %dma_wait3A_300 = tpu.memref_slice %arg8[%run_scoped3A_230, %dma_wait3A_298, %dma_wait3A_299] : memref<2x2x40xi32, #tpu.memory_space<vmem>> -> memref<1x2x40xi32, #tpu.memory_space<vmem>>
          %dma_wait3A_301 = tpu.memref_squeeze %dma_wait3A_300 : memref<1x2x40xi32, #tpu.memory_space<vmem>> -> memref<2x40xi32, #tpu.memory_space<vmem>>
          %dma_wait3A_302 = arith.constant 0 : i32
          %dma_wait3A_303 = arith.constant 0 : i32
          %dma_wait3A_304 = tpu.memref_slice %arg5[%add3A_229, %dma_wait3A_302, %dma_wait3A_303] : memref<8000x2x40xi32, #tpu.memory_space<hbm>> -> memref<1x2x40xi32, #tpu.memory_space<hbm>>
          %dma_wait3A_305 = tpu.memref_squeeze %dma_wait3A_304 : memref<1x2x40xi32, #tpu.memory_space<hbm>> -> memref<2x40xi32, #tpu.memory_space<hbm>>
          tpu.wait_dma2 semaphore(%run_scoped3A_273 : memref<!tpu.dma_semaphore, #tpu.memory_space<semaphore_mem>>) src(%dma_wait3A_305 : memref<2x40xi32, #tpu.memory_space<hbm>>) dst(%dma_wait3A_301 : memref<2x40xi32, #tpu.memory_space<vmem>>)
          tpu.yield
        }) : () -> ()
        %dma_start3A_231 = arith.constant 1 : i32
        %dma_start3A_232 = arith.constant 0 : i32
        %dma_start3A_233 = arith.constant 1 : i32
        %dma_start3A_234 = arith.constant 0 : i32
        %dma_start3A_235 = arith.constant 0 : i32
        %dma_start3A_236 = tpu.memref_slice %arg9[%dma_start3A_233, %dma_start3A_234, %dma_start3A_235] : memref<2x40x128xf32, #tpu.memory_space<vmem>> -> memref<1x40x128xf32, #tpu.memory_space<vmem>>
        %dma_start3A_237 = tpu.memref_squeeze %dma_start3A_236 : memref<1x40x128xf32, #tpu.memory_space<vmem>> -> memref<40x128xf32, #tpu.memory_space<vmem>>
        %dma_start3A_238 = arith.constant 0 : i32
        %dma_start3A_239 = tpu.memref_slice %arg8[%dma_start3A_231, %dma_start3A_232, %dma_start3A_238] : memref<2x2x40xi32, #tpu.memory_space<vmem>> -> memref<1x1x40xi32, #tpu.memory_space<vmem>>
        %dma_start3A_240 = tpu.memref_squeeze %dma_start3A_239 : memref<1x1x40xi32, #tpu.memory_space<vmem>> -> memref<40xi32, #tpu.memory_space<vmem>>
        %dma_start3A_241 = arith.constant 0 : i32
        %dma_start3A_242 = arith.constant 0 : i32
        %dma_start3A_243 = tpu.memref_slice %arg2[%dma_start3A_241, %dma_start3A_242] : memref<10000x128xf32, #tpu.memory_space<hbm>> -> memref<10000x128xf32, #tpu.memory_space<hbm>>
        tpu.enqueue_indirect_dma source(%dma_start3A_243 : memref<10000x128xf32, #tpu.memory_space<hbm>>) target(%dma_start3A_237 : memref<40x128xf32, #tpu.memory_space<vmem>>) offsets(%dma_start3A_240 : memref<40xi32, #tpu.memory_space<vmem>>) semaphore(%arg14 : memref<!tpu.dma_semaphore, #tpu.memory_space<semaphore_mem>>)
        %dma_start3A_244 = arith.constant 1 : i32
        %dma_start3A_245 = arith.constant 1 : i32
        %dma_start3A_246 = arith.constant 1 : i32
        %dma_start3A_247 = arith.constant 0 : i32
        %dma_start3A_248 = arith.constant 0 : i32
        %dma_start3A_249 = tpu.memref_slice %arg10[%dma_start3A_246, %dma_start3A_247, %dma_start3A_248] : memref<2x40x256xf32, #tpu.memory_space<vmem>> -> memref<1x40x256xf32, #tpu.memory_space<vmem>>
        %dma_start3A_250 = tpu.memref_squeeze %dma_start3A_249 : memref<1x40x256xf32, #tpu.memory_space<vmem>> -> memref<40x256xf32, #tpu.memory_space<vmem>>
        %dma_start3A_251 = arith.constant 0 : i32
        %dma_start3A_252 = tpu.memref_slice %arg8[%dma_start3A_244, %dma_start3A_245, %dma_start3A_251] : memref<2x2x40xi32, #tpu.memory_space<vmem>> -> memref<1x1x40xi32, #tpu.memory_space<vmem>>
        %dma_start3A_253 = tpu.memref_squeeze %dma_start3A_252 : memref<1x1x40xi32, #tpu.memory_space<vmem>> -> memref<40xi32, #tpu.memory_space<vmem>>
        %dma_start3A_254 = arith.constant 0 : i32
        %dma_start3A_255 = arith.constant 0 : i32
        %dma_start3A_256 = tpu.memref_slice %arg3[%dma_start3A_254, %dma_start3A_255] : memref<10000x256xf32, #tpu.memory_space<hbm>> -> memref<10000x256xf32, #tpu.memory_space<hbm>>
        tpu.enqueue_indirect_dma source(%dma_start3A_256 : memref<10000x256xf32, #tpu.memory_space<hbm>>) target(%dma_start3A_250 : memref<40x256xf32, #tpu.memory_space<vmem>>) offsets(%dma_start3A_253 : memref<40xi32, #tpu.memory_space<vmem>>) semaphore(%arg14 : memref<!tpu.dma_semaphore, #tpu.memory_space<semaphore_mem>>)
        %mul3A_257 = arith.constant 40 : i32
        %mul3A_258 = arith.muli %add3A_228, %mul3A_257 : i32
        %add3A_259 = arith.addi %add3A, %mul3A_258 : i32
        %dma_start3A_260 = arith.constant 1 : i32
        %dma_start3A_261 = arith.constant 0 : i32
        %dma_start3A_262 = arith.constant 0 : i32
        %dma_start3A_263 = tpu.memref_slice %arg11[%dma_start3A_260, %dma_start3A_261, %dma_start3A_262] : memref<2x40x128xf32, #tpu.memory_space<vmem>> -> memref<1x40x128xf32, #tpu.memory_space<vmem>>
        %dma_start3A_264 = tpu.memref_squeeze %dma_start3A_263 : memref<1x40x128xf32, #tpu.memory_space<vmem>> -> memref<40x128xf32, #tpu.memory_space<vmem>>
        %dma_start3A_265 = arith.constant 0 : i32
        %dma_start3A_266 = tpu.memref_slice %arg4[%add3A_259, %dma_start3A_265] : memref<320000x128xf32, #tpu.memory_space<hbm>> -> memref<40x128xf32, #tpu.memory_space<hbm>>
        %dma_start3A_267 = arith.constant 0 : i32
        %dma_start3A_268 = arith.constant 0 : i32
        %dma_start3A_269 = tpu.memref_slice %arg11[%dma_start3A_260, %dma_start3A_267, %dma_start3A_268] : memref<2x40x128xf32, #tpu.memory_space<vmem>> -> memref<1x40x128xf32, #tpu.memory_space<vmem>>
        %dma_start3A_270 = tpu.memref_squeeze %dma_start3A_269 : memref<1x40x128xf32, #tpu.memory_space<vmem>> -> memref<40x128xf32, #tpu.memory_space<vmem>>
        %dma_start3A_271 = arith.constant 0 : i32
        %dma_start3A_272 = tpu.memref_slice %arg4[%add3A_259, %dma_start3A_271] : memref<320000x128xf32, #tpu.memory_space<hbm>> -> memref<40x128xf32, #tpu.memory_space<hbm>>
        tpu.enqueue_dma source(%dma_start3A_272 : memref<40x128xf32, #tpu.memory_space<hbm>>) target(%dma_start3A_270 : memref<40x128xf32, #tpu.memory_space<vmem>>) target_semaphore(%arg14 : memref<!tpu.dma_semaphore, #tpu.memory_space<semaphore_mem>>)
      } else {
      }
    }
    %scan3A_111 = arith.constant 125 : i32
    %barrier3A_112 = arith.constant 0 : index
    tpu.barrier barrier_id(%barrier3A_112)
    "tpu.region"() ({
      %run_scoped3A_113 = tpu.sem_alloc : memref<!tpu.dma_semaphore, #tpu.memory_space<semaphore_mem>>
      %dma_start3A_114 = arith.constant 0 : i32
      %dma_start3A_115 = tpu.memref_slice %arg7[%arg0, %mul3A_0, %dma_start3A_114] : memref<2x10240x128xf32, #tpu.memory_space<hbm>> -> memref<1x640x128xf32, #tpu.memory_space<hbm>>
      %dma_start3A_116 = tpu.memref_squeeze %dma_start3A_115 : memref<1x640x128xf32, #tpu.memory_space<hbm>> -> memref<640x128xf32, #tpu.memory_space<hbm>>
      %dma_start3A_117 = arith.constant 0 : i32
      %dma_start3A_118 = tpu.memref_slice %arg12[%mul3A_0, %dma_start3A_117] : memref<10240x128xf32, #tpu.memory_space<vmem_shared>> -> memref<640x128xf32, #tpu.memory_space<vmem_shared>>
      tpu.enqueue_dma source(%dma_start3A_118 : memref<640x128xf32, #tpu.memory_space<vmem_shared>>) target(%dma_start3A_116 : memref<640x128xf32, #tpu.memory_space<hbm>>) target_semaphore(%run_scoped3A_113 : memref<!tpu.dma_semaphore, #tpu.memory_space<semaphore_mem>>)
      %dma_wait3A = arith.constant 0 : i32
      %dma_wait3A_119 = tpu.memref_slice %arg7[%arg0, %mul3A_0, %dma_wait3A] : memref<2x10240x128xf32, #tpu.memory_space<hbm>> -> memref<1x640x128xf32, #tpu.memory_space<hbm>>
      %dma_wait3A_120 = tpu.memref_squeeze %dma_wait3A_119 : memref<1x640x128xf32, #tpu.memory_space<hbm>> -> memref<640x128xf32, #tpu.memory_space<hbm>>
      %dma_wait3A_121 = arith.constant 0 : i32
      %dma_wait3A_122 = tpu.memref_slice %arg12[%mul3A_0, %dma_wait3A_121] : memref<10240x128xf32, #tpu.memory_space<vmem_shared>> -> memref<640x128xf32, #tpu.memory_space<vmem_shared>>
      tpu.wait_dma2 semaphore(%run_scoped3A_113 : memref<!tpu.dma_semaphore, #tpu.memory_space<semaphore_mem>>) src(%dma_wait3A_122 : memref<640x128xf32, #tpu.memory_space<vmem_shared>>) dst(%dma_wait3A_120 : memref<640x128xf32, #tpu.memory_space<hbm>>)
      tpu.yield
    }) : () -> ()
    return
  }
}

module attributes {stable_mosaic.version = 14 : i64} {
  func.func @_tc_front_body(%arg0: i32, %arg1: memref<4000x16xf32, #tpu.memory_space<vmem>>, %arg2: memref<16x128xf32, #tpu.memory_space<vmem>>, %arg3: memref<1x128xf32, #tpu.memory_space<vmem>>, %arg4: memref<1000x128xf32, #tpu.memory_space<vmem>>, %arg5: memref<128x128xf32, #tpu.memory_space<vmem>>, %arg6: memref<1x128xf32, #tpu.memory_space<vmem>>, %arg7: memref<128x128xf32, #tpu.memory_space<vmem>>, %arg8: memref<128x128xf32, #tpu.memory_space<vmem>>, %arg9: memref<4000x128xf32, #tpu.memory_space<vmem>>, %arg10: memref<1000x128xf32, #tpu.memory_space<vmem>>, %arg11: memref<1000x256xf32, #tpu.memory_space<vmem>>) attributes {dimension_semantics = [#tpu.dimension_semantics<arbitrary>], iteration_bounds = array<i64: 80>, scalar_prefetch = 0 : i64, scratch_operands = 0 : i64, tpu.core_type = #tpu.core_type<tc>, window_params = [{transform_indices = @transform_0, window_bounds = array<i64: 4000, 16>}, {pipeline_mode = #tpu.pipeline_mode<synchronous>, transform_indices = @transform_1, window_bounds = array<i64: 16, 128>}, {pipeline_mode = #tpu.pipeline_mode<synchronous>, transform_indices = @transform_2, window_bounds = array<i64: 1, 128>}, {transform_indices = @transform_3, window_bounds = array<i64: 1000, 128>}, {pipeline_mode = #tpu.pipeline_mode<synchronous>, transform_indices = @transform_4, window_bounds = array<i64: 128, 128>}, {pipeline_mode = #tpu.pipeline_mode<synchronous>, transform_indices = @transform_5, window_bounds = array<i64: 1, 128>}, {pipeline_mode = #tpu.pipeline_mode<synchronous>, transform_indices = @transform_6, window_bounds = array<i64: 128, 128>}, {pipeline_mode = #tpu.pipeline_mode<synchronous>, transform_indices = @transform_7, window_bounds = array<i64: 128, 128>}, {transform_indices = @transform_8, window_bounds = array<i64: 4000, 128>}, {transform_indices = @transform_9, window_bounds = array<i64: 1000, 128>}, {transform_indices = @transform_10, window_bounds = array<i64: 1000, 256>}]} {
    %get3A = arith.constant 0 : index
    %get3A_0 = arith.constant 0 : index
    %get3A_1 = vector.load %arg1[%get3A, %get3A_0] : memref<4000x16xf32, #tpu.memory_space<vmem>>, vector<4000x16xf32>
    %get3A_2 = arith.constant 0 : index
    %get3A_3 = arith.constant 0 : index
    %get3A_4 = vector.load %arg2[%get3A_2, %get3A_3] : memref<16x128xf32, #tpu.memory_space<vmem>>, vector<16x128xf32>
    %dot_general3A = arith.constant dense<0.000000e+00> : vector<4000x128xf32>
    %dot_general3A_5 = tpu.matmul %get3A_1, %get3A_4, %dot_general3A {dimension_numbers = #tpu.dot_dimension_numbers<[1], [0], [0], [1], [0, 0, 1, 1], [], []>, transpose_lhs_hint = false} : vector<4000x16xf32>, vector<16x128xf32>, vector<4000x128xf32> -> vector<4000x128xf32>
    %get3A_6 = arith.constant 0 : index
    %get3A_7 = arith.constant 0 : index
    %get3A_8 = vector.load %arg3[%get3A_6, %get3A_7] : memref<1x128xf32, #tpu.memory_space<vmem>>, vector<1x128xf32>
    %add3A = vector.broadcast %get3A_8 : vector<1x128xf32> to vector<4000x128xf32>
    %add3A_9 = arith.addf %dot_general3A_5, %add3A : vector<4000x128xf32>
    %swap3A = arith.constant 0 : index
    %swap3A_10 = arith.constant 0 : index
    %swap3A_11 = vector.load %arg9[%swap3A, %swap3A_10] : memref<4000x128xf32, #tpu.memory_space<vmem>>, vector<4000x128xf32>
    tpu.vector_store %arg9[%swap3A, %swap3A_10], %add3A_9 {strides = array<i32>} : memref<4000x128xf32, #tpu.memory_space<vmem>>, vector<4000x128xf32>,
    %lt3A = arith.constant 10 : i32
    %lt3A_12 = arith.cmpi slt, %arg0, %lt3A : i32
    %convert_element_type3A = arith.extui %lt3A_12 : i1 to i32
    %cond3A = arith.constant 0 : i32
    %cond3A_13 = arith.cmpi ne, %convert_element_type3A, %cond3A : i32
    scf.if %cond3A_13 {
      %get3A_14 = arith.constant 0 : index
      %get3A_15 = arith.constant 0 : index
      %get3A_16 = vector.load %arg4[%get3A_14, %get3A_15] : memref<1000x128xf32, #tpu.memory_space<vmem>>, vector<1000x128xf32>
      %get3A_17 = arith.constant 0 : index
      %get3A_18 = arith.constant 0 : index
      %get3A_19 = vector.load %arg5[%get3A_17, %get3A_18] : memref<128x128xf32, #tpu.memory_space<vmem>>, vector<128x128xf32>
      %dot_general3A_20 = arith.constant dense<0.000000e+00> : vector<1000x128xf32>
      %dot_general3A_21 = tpu.matmul %get3A_16, %get3A_19, %dot_general3A_20 {dimension_numbers = #tpu.dot_dimension_numbers<[1], [0], [0], [1], [0, 0, 1, 1], [], []>, transpose_lhs_hint = false} : vector<1000x128xf32>, vector<128x128xf32>, vector<1000x128xf32> -> vector<1000x128xf32>
      %get3A_22 = arith.constant 0 : index
      %get3A_23 = arith.constant 0 : index
      %get3A_24 = vector.load %arg6[%get3A_22, %get3A_23] : memref<1x128xf32, #tpu.memory_space<vmem>>, vector<1x128xf32>
      %add3A_25 = vector.broadcast %get3A_24 : vector<1x128xf32> to vector<1000x128xf32>
      %add3A_26 = arith.addf %dot_general3A_21, %add3A_25 : vector<1000x128xf32>
      %get3A_27 = arith.constant 0 : index
      %get3A_28 = arith.constant 0 : index
      %get3A_29 = vector.load %arg7[%get3A_27, %get3A_28] : memref<128x128xf32, #tpu.memory_space<vmem>>, vector<128x128xf32>
      %dot_general3A_30 = arith.constant dense<0.000000e+00> : vector<1000x128xf32>
      %dot_general3A_31 = tpu.matmul %add3A_26, %get3A_29, %dot_general3A_30 {dimension_numbers = #tpu.dot_dimension_numbers<[1], [0], [0], [1], [0, 0, 1, 1], [], []>, transpose_lhs_hint = false} : vector<1000x128xf32>, vector<128x128xf32>, vector<1000x128xf32> -> vector<1000x128xf32>
      %swap3A_32 = arith.constant 0 : index
      %swap3A_33 = arith.constant 0 : index
      %swap3A_34 = vector.load %arg10[%swap3A_32, %swap3A_33] : memref<1000x128xf32, #tpu.memory_space<vmem>>, vector<1000x128xf32>
      tpu.vector_store %arg10[%swap3A_32, %swap3A_33], %dot_general3A_31 {strides = array<i32>} : memref<1000x128xf32, #tpu.memory_space<vmem>>, vector<1000x128xf32>,
      %get3A_35 = arith.constant 0 : index
      %get3A_36 = arith.constant 0 : index
      %get3A_37 = vector.load %arg8[%get3A_35, %get3A_36] : memref<128x128xf32, #tpu.memory_space<vmem>>, vector<128x128xf32>
      %dot_general3A_38 = arith.constant dense<0.000000e+00> : vector<1000x128xf32>
      %dot_general3A_39 = tpu.matmul %add3A_26, %get3A_37, %dot_general3A_38 {dimension_numbers = #tpu.dot_dimension_numbers<[1], [0], [0], [1], [0, 0, 1, 1], [], []>, transpose_lhs_hint = false} : vector<1000x128xf32>, vector<128x128xf32>, vector<1000x128xf32> -> vector<1000x128xf32>
      %concatenate3A = tpu.concatenate %dot_general3A_39, %add3A_26 in 1 : vector<1000x128xf32>, vector<1000x128xf32> -> vector<1000x256xf32>
      %swap3A_40 = arith.constant 0 : index
      %swap3A_41 = arith.constant 0 : index
      %swap3A_42 = vector.load %arg11[%swap3A_40, %swap3A_41] : memref<1000x256xf32, #tpu.memory_space<vmem>>, vector<1000x256xf32>
      tpu.vector_store %arg11[%swap3A_40, %swap3A_41], %concatenate3A {strides = array<i32>} : memref<1000x256xf32, #tpu.memory_space<vmem>>, vector<1000x256xf32>,
    } else {
    }
    return
  }
  func.func @transform_0(%arg0: i32) -> (i32, i32) {
    %c0_i32 = arith.constant 0 : i32
    %c0_i32_0 = arith.constant 0 : i32
    return %arg0, %c0_i32 : i32, i32
  }
  func.func @transform_1(%arg0: i32) -> (i32, i32) {
    %c0_i32 = arith.constant 0 : i32
    %c0_i32_0 = arith.constant 0 : i32
    %c0_i32_1 = arith.constant 0 : i32
    return %c0_i32, %c0_i32_0 : i32, i32
  }
  func.func @transform_2(%arg0: i32) -> (i32, i32) {
    %c0_i32 = arith.constant 0 : i32
    %c0_i32_0 = arith.constant 0 : i32
    %c0_i32_1 = arith.constant 0 : i32
    return %c0_i32, %c0_i32_0 : i32, i32
  }
  func.func @transform_3(%arg0: i32) -> (i32, i32) {
    %min3A = arith.constant 9 : i32
    %min3A_0 = arith.minsi %arg0, %min3A : i32
    %c0_i32 = arith.constant 0 : i32
    %c0_i32_1 = arith.constant 0 : i32
    return %min3A_0, %c0_i32 : i32, i32
  }
  func.func @transform_4(%arg0: i32) -> (i32, i32) {
    %c0_i32 = arith.constant 0 : i32
    %c0_i32_0 = arith.constant 0 : i32
    %c0_i32_1 = arith.constant 0 : i32
    return %c0_i32, %c0_i32_0 : i32, i32
  }
  func.func @transform_5(%arg0: i32) -> (i32, i32) {
    %c0_i32 = arith.constant 0 : i32
    %c0_i32_0 = arith.constant 0 : i32
    %c0_i32_1 = arith.constant 0 : i32
    return %c0_i32, %c0_i32_0 : i32, i32
  }
  func.func @transform_6(%arg0: i32) -> (i32, i32) {
    %c0_i32 = arith.constant 0 : i32
    %c0_i32_0 = arith.constant 0 : i32
    %c0_i32_1 = arith.constant 0 : i32
    return %c0_i32, %c0_i32_0 : i32, i32
  }
  func.func @transform_7(%arg0: i32) -> (i32, i32) {
    %c0_i32 = arith.constant 0 : i32
    %c0_i32_0 = arith.constant 0 : i32
    %c0_i32_1 = arith.constant 0 : i32
    return %c0_i32, %c0_i32_0 : i32, i32
  }
  func.func @transform_8(%arg0: i32) -> (i32, i32) {
    %c0_i32 = arith.constant 0 : i32
    %c0_i32_0 = arith.constant 0 : i32
    return %arg0, %c0_i32 : i32, i32
  }
  func.func @transform_9(%arg0: i32) -> (i32, i32) {
    %min3A = arith.constant 9 : i32
    %min3A_0 = arith.minsi %arg0, %min3A : i32
    %c0_i32 = arith.constant 0 : i32
    %c0_i32_1 = arith.constant 0 : i32
    return %min3A_0, %c0_i32 : i32, i32
  }
  func.func @transform_10(%arg0: i32) -> (i32, i32) {
    %min3A = arith.constant 9 : i32
    %min3A_0 = arith.minsi %arg0, %min3A : i32
    %c0_i32 = arith.constant 0 : i32
    %c0_i32_1 = arith.constant 0 : i32
    return %min3A_0, %c0_i32 : i32, i32
  }
}

module attributes {stable_mosaic.version = 14 : i64} {
  func.func @_tc_sum_body(%arg0: i32, %arg1: memref<2x1000x128xf32, #tpu.memory_space<vmem>>, %arg2: memref<1000x128xf32, #tpu.memory_space<vmem>>) attributes {dimension_semantics = [#tpu.dimension_semantics<arbitrary>], iteration_bounds = array<i64: 10>, scalar_prefetch = 0 : i64, scratch_operands = 0 : i64, tpu.core_type = #tpu.core_type<tc>, window_params = [{transform_indices = @transform_0, window_bounds = array<i64: 2, 1000, 128>}, {transform_indices = @transform_1, window_bounds = array<i64: 1000, 128>}]} {
    %get3A = arith.constant 0 : index
    %get3A_0 = arith.constant 0 : index
    %get3A_1 = arith.constant 0 : index
    %get3A_2 = vector.load %arg1[%get3A, %get3A_0, %get3A_1] : memref<2x1000x128xf32, #tpu.memory_space<vmem>>, vector<1x1000x128xf32>
    %get3A_3 = vector.shape_cast %get3A_2 : vector<1x1000x128xf32> to vector<1000x128xf32>
    %get3A_4 = arith.constant 1 : index
    %get3A_5 = arith.constant 0 : index
    %get3A_6 = arith.constant 0 : index
    %get3A_7 = vector.load %arg1[%get3A_4, %get3A_5, %get3A_6] : memref<2x1000x128xf32, #tpu.memory_space<vmem>>, vector<1x1000x128xf32>
    %get3A_8 = vector.shape_cast %get3A_7 : vector<1x1000x128xf32> to vector<1000x128xf32>
    %add3A = arith.addf %get3A_3, %get3A_8 : vector<1000x128xf32>
    %swap3A = arith.constant 0 : index
    %swap3A_9 = arith.constant 0 : index
    %swap3A_10 = vector.load %arg2[%swap3A, %swap3A_9] : memref<1000x128xf32, #tpu.memory_space<vmem>>, vector<1000x128xf32>
    tpu.vector_store %arg2[%swap3A, %swap3A_9], %add3A {strides = array<i32>} : memref<1000x128xf32, #tpu.memory_space<vmem>>, vector<1000x128xf32>,
    return
  }
  func.func @transform_0(%arg0: i32) -> (i32, i32, i32) {
    %c0_i32 = arith.constant 0 : i32
    %c0_i32_0 = arith.constant 0 : i32
    %c0_i32_1 = arith.constant 0 : i32
    return %c0_i32, %arg0, %c0_i32_0 : i32, i32, i32
  }
  func.func @transform_1(%arg0: i32) -> (i32, i32) {
    %c0_i32 = arith.constant 0 : i32
    %c0_i32_0 = arith.constant 0 : i32
    return %arg0, %c0_i32 : i32, i32
  }
}

</mosaic_0001>

<sc_bundles>
// kernel: kernel.5.cloned.1.call-start
scs
__scs_entry_jumppad:
0x0: {  	(pc) =	sbr.rel $0x88, $3  }
0x1: {  	(tag) =	ssettag $0x0;
	lr =	simm.s32 $0x1  }
0x2: {  	[smem:$0x3F9A] =	sst lr;
	_ =	strace $0xD0000000  }
0x3: {  	_ = 	snop  }
0x4: {  	_ = 	snop  }
0x5: {  	_ = 	snop  }
0x6: {  	_ = 	snop  }
0x7: {  	_ = 	snop  }
__scs_overlays_trampoline_lowered:
0x8: {  	[smem:$0x3FA9] =	sst s0  }
0x9: {  	[smem:$0x3FAA] =	sst s1  }
0xa: {  	[smem:$0x3FAB] =	sst s2  }
0xb: {  	[smem:$0x3FAC] =	sst s3  }
0xc: {  	[smem:$0x3FAD] =	sst s4  }
0xd: {  	[smem:$0x3FAE] =	sst s5  }
0xe: {  	[smem:$0x3FAF] =	sst s6  }
0xf: {  	[smem:$0x3FB0] =	sst s7  }
0x10: {  	[smem:$0x3FB1] =	sst s8  }
0x11: {  	[smem:$0x3FB2] =	sst s9;
	s0 =	simm.s32 @!p0 $0x0  }
0x12: {  	s1 =	sld [smem:$0x3F98];
	s0 =	simm.s32 @p0 $0x1  }
0x13: {  	[smem:$0x3FB3] =	sst s0;
	s0 =	simm.s32 @!p1 $0x0  }
0x14: {  	s2 =	sld [smem:$0x3F97];
	s0 =	simm.s32 @p1 $0x1  }
0x15: {  	[smem:$0x3FB4] =	sst s0;
	s0 =	simm.s32 @!p2 $0x0  }
0x16: {  	s3 =	sld [smem:$0x3FDB];
	s0 =	simm.s32 @p2 $0x1  }
0x17: {  	s4 =	simm.s32 $0x1BF5;
	[smem:$0x3FB6] =	sst s0  }
0x18: {  	s0 =	sld [smem:$0x3F99];
	_ =	swait.ge [sflag:s4], $0x0  }
0x19: {  	s7 =	sld [smem:$0x3F9A]  }
0x1a: {  	s8 =	sadd.s32 $0xFFFFE003, lr  }
0x1b: {  	s9 =	sadd.s32 $0xFFFFFEF7, lr;
	s5 =	simm.s32 $0xFFFFFFFF;
	p2 =	slt.u32 s8, $0xFFFFF086  }
0x1c: {  	p1 =	slt.u32 s9, $0xF7A;
	s5 =	simm.s32 @!p2 $0x0  }
0x1d: {  	s5 =	simm.s32 @p1 $0x1;
	p0 =	seq.s32 s7, s2  }
0x1e: {  	s7 =	smul.u32 @!p0 $0xF7A, s2;
	p2 =	seq.s32 @!p0 s5, $0x0  }
0x1f: {  	s9 =	smul.u32 $0xF7A, s1;
	s8 =	simm.s32 @!p0 $0x1BF5;
	p2 =	por !p2, p0  }
0x20: {  	[sflag:s8] =	ssyncset.s32 @!p0 $0xFFFFF086;
	s6 =	sadd.s32 @!p0 s3, s7;
	s7 =	simm.s32 @!p0 $0x108  }
0x21: {  	s3 =	sadd.s32 s3, s9;
	s6 =	sadd.s32 @!p0 $0x88, s6;
	s7 =	simm.s32 @p2 $0x1082  }
0x22: {  	[simem:s7], [sflag:s8] =	dma.local @!p0 [hbm:s6], $0xF7A  }
0x23: {  	s9 =	sor.u32 $0xD0000000, s2;
	s6 =	simm.s32 $0x108;
	_ =	swait.ge @!p0 [sflag:s8], $0x0  }
0x24: {  	s3 =	sadd.s32 $0x88, s3;
	s6 =	simm.s32 @!p1 $0x1082;
	[sflag:s4] =	ssyncset.s32 $0xFFFFF086  }
0x25: {  	[simem:s6], [sflag:s4] =	dma.local [hbm:s3], $0xF7A  }
0x26: {  	[smem:$0x3F9A] =	sst s1;
	(tag) =	ssettag s2;
	_ =	strace s9  }
0x27: {  	s1 =	sld [smem:$0x3FAA]  }
0x28: {  	s2 =	sld [smem:$0x3FAB]  }
0x29: {  	s4 =	sld [smem:$0x3FAD]  }
0x2a: {  	p0 =	seq.s32 s5, $0x0;
	s5 =	sld [smem:$0x3FAE]  }
0x2b: {  	s6 =	sld [smem:$0x3FAF]  }
0x2c: {  	s7 =	sld [smem:$0x3FB0]  }
0x2d: {  	s3 =	simm.s32 $0x108;
	s8 =	sld [smem:$0x3FB1]  }
0x2e: {  	s3 =	simm.s32 @!p0 $0x1082;
	s9 =	sld [smem:$0x3FB2]  }
0x2f: {  	lr =	sadd.s32 s0, s3;
	s0 =	sld [smem:$0x3FA9]  }
0x30: {  	s3 =	sld [smem:$0x3FAC]  }
0x31: {  	[smem:$0x3FB5] =	sst s10  }
0x32: {  	s10 =	sld [smem:$0x3FB3];
	_ =	sdelay $0x3  }
0x33: {  	p0 =	seq.s32 s10, $0x1;
	s10 =	sld [smem:$0x3FB5];
	_ =	sdelay $0x3  }
0x34: {  	[smem:$0x3FB5] =	sst s10  }
0x35: {  	s10 =	sld [smem:$0x3FB4];
	_ =	sdelay $0x3  }
0x36: {  	p1 =	seq.s32 s10, $0x1;
	s10 =	sld [smem:$0x3FB5];
	_ =	sdelay $0x3  }
0x37: {  	[smem:$0x3FB5] =	sst s10  }
0x38: {  	s10 =	sld [smem:$0x3FB6]  }
0x39: {  	_ = 	snop;
	(pc) =	sbr.ind lr, $3  }
0x3a: {  	_ = 	snop  }
0x3b: {  	_ = 	snop  }
0x3c: {  	p2 =	seq.s32 s10, $0x1;
	s10 =	sld [smem:$0x3FB5]  }
0x3d: {  	_ =	shalt  }
0x3e: {  	_ =	shalt  }
0x3f: {  	_ =	shalt  }
0x40: {  	_ =	shalt  }
0x41: {  	_ =	shalt  }
0x42: {  	_ =	shalt  }
0x43: {  	_ =	shalt  }
0x44: {  	_ =	shalt  }
0x45: {  	_ =	shalt  }
0x46: {  	_ =	shalt  }
0x47: {  	_ =	shalt  }
0x48: {  	_ =	shalt  }
0x49: {  	_ =	shalt  }
0x4a: {  	_ =	shalt  }
0x4b: {  	_ =	shalt  }
0x4c: {  	_ =	shalt  }
0x4d: {  	_ =	shalt  }
0x4e: {  	_ =	shalt  }
0x4f: {  	_ =	shalt  }
0x50: {  	_ =	shalt  }
0x51: {  	_ =	shalt  }
0x52: {  	_ =	shalt  }
0x53: {  	_ =	shalt  }
0x54: {  	_ =	shalt  }
0x55: {  	_ =	shalt  }
0x56: {  	_ =	shalt  }
0x57: {  	_ =	shalt  }
0x58: {  	_ =	shalt  }
0x59: {  	_ =	shalt  }
0x5a: {  	_ =	shalt  }
0x5b: {  	_ =	shalt  }
0x5c: {  	_ =	shalt  }
0x5d: {  	_ =	shalt  }
0x5e: {  	_ =	shalt  }
0x5f: {  	_ =	shalt  }
0x60: {  	_ =	shalt  }
0x61: {  	_ =	shalt  }
0x62: {  	_ =	shalt  }
0x63: {  	_ =	shalt  }
0x64: {  	_ =	shalt  }
0x65: {  	_ =	shalt  }
0x66: {  	_ =	shalt  }
0x67: {  	_ =	shalt  }
0x68: {  	_ =	shalt  }
0x69: {  	_ =	shalt  }
0x6a: {  	_ =	shalt  }
0x6b: {  	_ =	shalt  }
0x6c: {  	_ =	shalt  }
0x6d: {  	_ =	shalt  }
0x6e: {  	_ =	shalt  }
0x6f: {  	_ =	shalt  }
0x70: {  	_ =	shalt  }
0x71: {  	_ =	shalt  }
0x72: {  	_ =	shalt  }
0x73: {  	_ =	shalt  }
0x74: {  	_ =	shalt  }
0x75: {  	_ =	shalt  }
0x76: {  	_ =	shalt  }
0x77: {  	_ =	shalt  }
0x78: {  	_ =	shalt  }
0x79: {  	_ =	shalt  }
0x7a: {  	_ =	shalt  }
0x7b: {  	_ =	shalt  }
0x7c: {  	_ =	shalt  }
0x7d: {  	_ =	shalt  }
0x7e: {  	_ =	shalt  }
0x7f: {  	_ =	shalt  }
0x80: {  	_ =	shalt  }
0x81: {  	_ =	shalt  }
0x82: {  	_ =	shalt  }
0x83: {  	_ =	shalt  }
0x84: {  	_ =	shalt  }
0x85: {  	_ =	shalt  }
0x86: {  	_ =	shalt  }
0x87: {  	_ =	shalt  }
.Lfunc_end0:
.L_simem_size_0:
called_computation_lowered:
.L_overlay_start_0:
0x88: {  	s2 =	sld [smem:$0x3FD9]  }
0x89: {  	s3 =	sld [smem:$0x3FFE];
	_ =	sdelay $0x1  }
0x8a: {  	s1 =	srdreg.scid  }
0x8b: {  	s0 =	sand.u32 $0x1, s1  }
0x8c: {  	s17 =	sshll.u32 s0, $0xA;
	s2 =	sadd.s32 s3, s2  }
0x8d: {  	s2 =	sadd.s32 s2, s17  }
0x8e: {  	[smem:$0x3FC1] =	sst s2  }
0x8f: {  	_ = 	snop  }
0x90: {  	s2 =	sld [smem:$0x3FD0];
	(tm) =	ssettm $0x1  }
0x91: {  	s18 =	sld [smem:$0x3FFB];
	_ =	sdelay $0x3  }
0x92: {  	_ =	strace s18  }
0x93: {  	s3 =	sld [smem:$0x3FFC];
	_ =	sdelay $0x3  }
0x94: {  	_ =	strace s3  }
0x95: {  	s3 =	sld [smem:$0x3FFD];
	_ =	sdelay $0x3  }
0x96: {  	_ =	strace s3  }
0x97: {  	_ =	strace $0x8FFFFFFF  }
0x98: {  	s19 =	sld [smem:$0x3FDB];
	_ =	sdelay $0x1  }
0x99: {  	s4 =	simm.s32 $_scs_section_size  }
0x9a: {  	s5 =	simm.s32 $_size__tile_overlayer_lowered;
	s6 =	simm.s32 $_tile_overlayer_lowered  }
0x9b: {  	s22 =	simm.s32 $0x1BFF;
	s21 =	sshll.u32 s6, $0x1;
	s3 =	sadd.s32 s4, s19  }
0x9c: {  	s7 =	simm.s32 $0x0;
	s20 =	sshll.u32 s5, $0x1;
	s5 =	sadd.s32 s21, s3  }
0x9d: {  	[timem:s7], [sflag:s22] =	dma.local [hbm:s5], s20  }
0x9e: {  	_ =	swait.ge [sflag:s22], s20  }
0x9f: {  	s4 =	ssub.s32 $0x0, s20;
	[sflag:s22] =	ssyncset.done $0x0  }
0xa0: {  	[sflag:s22] =	ssyncadd.s32 s4;
	_ =	sdelay $0x1  }
0xa1: {  	s23 =	simm.s32 $0x1B8B  }
0xa2: {  	_ =	swait.ge [sflag:s23], $0x1  }
0xa3: {  	[sflag:s23] =	ssyncset.done $0x0  }
0xa4: {  	s25 =	simm.s32 $0x1B8E;
	s24 =	sld [smem:$0x3FFE];
	[sflag:s23] =	ssyncadd.s32 $0xFFFFFFFF  }
0xa5: {  	s26 =	simm.s32 $execute0_lowered;
	[smem:$0x3FD2] =	sst s25  }
0xa6: {  	s5 =	sshll.u32 s26, $0x1;
	_ =	strace $0x80000046;
	[dreg:$0x1] =	wrdreg $0xFFFFFFFF  }
0xa7: {  	s28 =	simm.s32 $_size_execute0_lowered;
	s3 =	sadd.s32 s3, s5;
	[dreg:$0x0] =	wrdreg $0x0  }
0xa8: {  	s5 =	sshll.u32 s28, $0x1;
	[dreg:$0x2] =	wrdreg s3  }
0xa9: {  	[dreg:$0x3] =	wrdreg s5  }
0xaa: {  	[dreg:$0x4] =	wrdreg $0xC0  }
0xab: {  	_ =	task [dreg:s7], $0x5FFFF  }
0xac: {  	[dreg:$0x1] =	wrdreg $0xFFFFFFFF  }
0xad: {  	[dreg:$0x0] =	wrdreg $0x60  }
0xae: {  	[dreg:$0x2] =	wrdreg s2  }
0xaf: {  	[dreg:$0x3] =	wrdreg s24  }
0xb0: {  	[dreg:$0x4] =	wrdreg $0xA2000  }
0xb1: {  	[dreg:$0x5] =	wrdreg $0x9  }
0xb2: {  	_ =	task.clear_ibuf [dreg:s7], $0x6FFFF;
	_ =	strace $0x90000046  }
0xb3: {  	s29 =	simm.s32 $0x9;
	_ =	strace $0x80000048  }
0xb4: {  	_ =	swait.ge [sflag:s29], $0x1  }
0xb5: {  	[sflag:s29] =	ssyncadd.s32 $0xFFFFFFFF  }
0xb6: {  	_ =	strace $0x90000048  }
0xb7: {  	_ =	sfence  }
0xb8: {  	s30 =	sld [smem:$0x0];
	_ =	sdelay $0x2  }
0xb9: {  	s31 =	sshll.u32 s1, $0xD;
	s1 =	sshrl.u32 s1, $0x2  }
0xba: {  	s3 =	sand.u32 $0x4000, s31;
	s1 =	sadd.s32 s1, s30  }
0xbb: {  	s0 =	sor.u32 s3, s0;
	s1 =	sshll.u32 s1, $0x11  }
0xbc: {  	s0 =	sor.u32 s1, s0  }
0xbd: {  	s0 =	sadd.s32 $0x8F2B, s0  }
0xbe: {  	[sflag:s0] =	ssyncadd.remote.s32 $0x1  }
0xbf: {  	_ =	sfence.sel $0xFFFF  }
0xc0: {  	[dreg:$0x0] =	wrdreg $0xFFFFFFFF;
	(pc) =	sbr.abs _section_cstart, $3  }
0xc1: {  	[dreg:$0x1] =	wrdreg $0xFFFFFFFF  }
0xc2: {  	_ =	task.clear_ibuf [dreg:s7], $0x2FFFF;
	_ =	strace $0x9FFFFFFF  }
0xc3: {  	(tm) =	ssettm $0x7FFFFFFF  }
tec
execute0_lowered:
.L_overlay_start_1:
0x0: {  	(tag) =	ssettag $0x1  }
0x1: {  	s2 =	rddreg [dreg:$0x0]  }
0x2: {  	s0 =	rddreg [dreg:$0x1]  }
0x3: {  	s3 =	rddreg [dreg:$0x2]  }
0x4: {  	s14 =	stileid.u32;
	s1 =	srdreg.scid;
	s4 =	simm.s32 $0x0  }
0x5: {  	s29 =	simm.s32 $0x100;
	s30 =	simm.s32 $0x1600;
	s31 =	simm.s32 $0x5200  }
0x6: {  	s28 =	simm.s32 $0x0;
	s8 =	smul.u32 $0x14000, s14;
	s1 =	sand.u32 $0x1, s1  }
0x7: {  	[smem:$0x7FF] =	sst s4;
	s6 =	sadd.s32 $0x521E00, s0;
	s12 =	smul.u32 $0x2710, s14  }
0x8: {  	s5 =	sadd.s32 $0x1600, s0;
	s7 =	sadd.s32 $0x4E3600, s0;
	s13 =	smul.u32 $0x50000, s14  }
0x9: {  	s23 =	sshll.u32 s14, $0x6;
	s9 =	smul.u32 $0x140000, s1;
	_ =	strace $0x80000047  }
0xa: {  	s10 =	smul.u32 $0x27100, s1;
	s1 =	ssub.s32 $0x2, s1;
	s11 =	sshrl.u32 s8, $0x3  }
0xb: {  	s20 =	sshrl.u32 s1, $0x1;
	s21 =	sshrl.u32 s13, $0x2;
	s11 =	sadd.s32 s11, s0  }
0xc: {  	s9 =	sadd.s32 s8, s9;
	s8 =	sadd.s32 s12, s10;
	s1 =	ssub.s32 s1, s20  }
0xd: {  	s10 =	sadd.s32 s21, s3;
	s12 =	sor.u32 $0x1C03, s23;
	s20 =	simm.s32 $0x28  }
0xe: {  	s21 =	simm.s32 $0x200;
	s23 =	simm.s32 $0x7200;
	s19 =	sshrl.u32 s9, $0x3  }
0xf: {  	s9 =	smulhi.u32 $0x6666667, s8;
	s11 =	sadd.s32 $0x4F800, s11;
	s24 =	sshll.u32 s8, $0x4  }
0x10: {  	s26 =	smax.u32 s1, $0x1;
	s18 =	sshrl.u32 s10, $0x3;
	s1 =	simm.s32 $0x6200  }
0x11: {  	s0 =	sadd.s32 s19, s0;
	[dreg:$0x4] =	wrdreg s11;
	s13 =	sadd.s32 s6, s24  }
0x12: {  	[dreg:$0xa] =	wrdreg s26;
	s19 =	simm.s32 $0x3;
	s24 =	simm.s32 $0x8E00  }
.Ltmp0:
0x13: {  	[dreg:$0x6] =	wrdreg s13;
	s25 =	sadd.s32 $0x280, s13;
	(pc) =	sbr.rel .LBB2_1-.Ltmp0, $4  }
0x14: {  	s22 =	sshll.u32 s9, $0x5;
	s0 =	sadd.s32 $0x77800, s0;
	[dreg:$0x8] =	wrdreg s25  }
0x15: {  	v2 =	vlaneseq.u32;
	s26 =	simm.s32 $0x2;
	s11 =	sadd.s32 s7, s22;
	[dreg:$0x9] =	wrdreg s0  }
0x16: {  	vm0 =	vmmov $0xffff;
	v1 =	vshrl.u32 v2, $0x3;
	s0 =	simm.s32 $0x5A00;
	[dreg:$0x5] =	wrdreg s11;
	s11 =	sadd.s32 $0x20, s11  }
0x17: {  	v0 =	vand.u32 $0x7, v2;
	v2 =	vor.u32 $0x8, v2;
	v1 =	vmul.u32 $0x8, v1;
	s22 =	simm.s32 $0x6A00;
	s25 =	simm.s32 $0x1;
	[dreg:$0x7] =	wrdreg s11  }
.LBB2_8:
0x18: {  	[bflag:$0x0] =	sbarrier.arrive $0xFFFF  }
0x19: {  	s10 =	rddreg [dreg:$0x9]  }
0x1a: {  	[hbm:s10], [sflag:s12] =	dma.local [spmem:s18], $0x2800  }
0x1b: {  	_ =	swait.ge [sflag:s19], $0x2800  }
0x1c: {  	s28 =	sadd.s32 $0x1, s28;
	s17 =	rddreg [dreg:$0xa]  }
0x1d: {  	p0 =	sne.s32 s28, s17  }
.Ltmp1:
0x1e: {  	_ = 	snop;
	(pc) =	sbr.rel @!p0 .LBB2_9-.Ltmp1, $3  }
0x1f: {  	_ =	sdelay $0x1  }
0x20: {  	[sflag:s19] =	ssyncset.done $0x0  }
0x21: {  	[sflag:s19] =	ssyncadd.s32 $0xFFFFD800  }
.LBB2_1:
0x22: {  	s10 =	rddreg [dreg:$0x4]  }
0x23: {  	[spmem:s18], [sflag:s12] =	dma.local [hbm:s10], $0x2800  }
0x24: {  	_ =	swait.ge [sflag:s19], $0x2800  }
0x25: {  	[sflag:s19] =	ssyncset.done $0x0  }
0x26: {  	s15 =	rddreg [dreg:$0x5];
	[sflag:s19] =	ssyncadd.s32 $0xFFFFD800  }
0x27: {  	[tilespmem:s4], [sflag:$0x3] =	stream.linear.gather [hbm4b:s15+s4], $0x100, $0x38;
	[tilespmem:$0x1E200] =	vst v63  }
0x28: {  	_ =	swait.ge [sflag:s19], $0x100  }
0x29: {  	[sflag:s19] =	ssyncset.done $0x0  }
0x2a: {  	[sflag:s19] =	ssyncadd.s32 $0xFFFFFF00  }
0x2b: {  	[tilespmem:s21], [sflag:$0x1] =	stream.indirect.gather [hbm4b:s2+s20], $0x80, s4, s20, $0xb8;
	[tilespmem:$0x1E200] =	vst v63  }
0x2c: {  	v3 =	vld [tilespmem:$0x80];
	_ =	sdelay $0x4  }
0x2d: {  	v4 =	vshll.u32 v3, $0x1  }
0x2e: {  	v3 =	vand.u32 $0x7, v3;
	v4 =	vand.u32 $0xFFFFFFF0, v4  }
0x2f: {  	v3 =	vor.u32 v3, v4  }
0x30: {  	v4 =	vperm.xlane v3, v0;
	_ =	sdelay $0x1  }
0x31: {  	v3 =	vperm.xlane v3, v2;
	v4 =	vadd.s32 v1, v4;
	_ =	sdelay $0x1  }
0x32: {  	v3 =	vadd.s32 v1, v3;
	_ =	sdelay $0x1  }
0x33: {  	s16 =	simm.s32 $0x2A00  }
0x34: {  	[tilespmem:s16], [sflag:$0x1] =	stream.indirect_vreg.gather [hbm4b:s5+s4], $0x80, v4, vm0, $0xb8;
	[tilespmem:$0x1E200] =	vst v63  }
0x35: {  	s17 =	simm.s32 $0x3200  }
0x36: {  	[tilespmem:s17], [sflag:$0x1] =	stream.indirect_vreg.gather [hbm4b:s5+s4], $0x80, v3, vm0, $0xb8;
	[tilespmem:$0x1E200] =	vst v63  }
0x37: {  	v3 =	vld [tilespmem:$0x90];
	_ =	sdelay $0x4  }
0x38: {  	v59 =	vshll.u32 v3, $0x1  }
0x39: {  	v3 =	vand.u32 $0x7, v3;
	v4 =	vand.u32 $0xFFFFFFF0, v59  }
0x3a: {  	v3 =	vor.u32 v3, v4  }
0x3b: {  	v4 =	vperm.xlane v3, v0;
	_ =	sdelay $0x1  }
0x3c: {  	v3 =	vperm.xlane v3, v2;
	v4 =	vadd.s32 v1, v4;
	_ =	sdelay $0x1  }
0x3d: {  	v3 =	vadd.s32 v1, v3;
	_ =	sdelay $0x1  }
0x3e: {  	s11 =	simm.s32 $0x3A00  }
0x3f: {  	[tilespmem:s11], [sflag:$0x1] =	stream.indirect_vreg.gather [hbm4b:s5+s4], $0x80, v4, vm0, $0xb8;
	[tilespmem:$0x1E200] =	vst v63  }
0x40: {  	s13 =	simm.s32 $0x4200  }
0x41: {  	[tilespmem:s13], [sflag:$0x1] =	stream.indirect_vreg.gather [hbm4b:s5+s4], $0x80, v3, vm0, $0xb8;
	[tilespmem:$0x1E200] =	vst v63  }
0x42: {  	v3 =	vld.msk [tilespmem:$0xA0], $0xff;
	_ =	sdelay $0x4  }
0x43: {  	v60 =	vshll.u32 v3, $0x1  }
0x44: {  	v3 =	vand.u32 $0x7, v3;
	v4 =	vand.u32 $0xFFFFFFF0, v60  }
0x45: {  	v3 =	vor.u32 v3, v4  }
0x46: {  	v3 =	vperm.xlane v3, v0;
	_ =	sdelay $0x1  }
0x47: {  	v3 =	vadd.s32 v1, v3;
	_ =	sdelay $0x3  }
0x48: {  	s14 =	simm.s32 $0x4A00  }
0x49: {  	[tilespmem:s14], [sflag:$0x1] =	stream.indirect_vreg.gather [hbm4b:s5+s4], $0x80, v3, vm0, $0xb8;
	[tilespmem:$0x1E200] =	vst v63  }
0x4a: {  	s15 =	rddreg [dreg:$0x6];
	s11 =	simm.s32 $0x7A00  }
0x4b: {  	[tilespmem:s11], [sflag:$0x1] =	stream.linear.gather [hbm4b:s15+s4], $0x1400, $0x38;
	[tilespmem:$0x1E200] =	vst v63  }
0x4c: {  	s16 =	rddreg [dreg:$0x7]  }
0x4d: {  	[tilespmem:s29], [sflag:$0x3] =	stream.linear.gather [hbm4b:s16+s4], $0x100, $0x38;
	[tilespmem:$0x1E200] =	vst v63  }
0x4e: {  	_ =	swait.ge [sflag:s19], $0x100  }
0x4f: {  	[sflag:s19] =	ssyncset.done $0x0  }
0x50: {  	[sflag:s19] =	ssyncadd.s32 $0xFFFFFF00  }
0x51: {  	[tilespmem:s30], [sflag:$0x2] =	stream.indirect.gather [hbm4b:s2+s20], $0x80, s29, s20, $0xb8;
	[tilespmem:$0x1E200] =	vst v63  }
0x52: {  	v3 =	vld [tilespmem:$0x180];
	_ =	sdelay $0x4  }
0x53: {  	v61 =	vshll.u32 v3, $0x1  }
0x54: {  	v3 =	vand.u32 $0x7, v3;
	v4 =	vand.u32 $0xFFFFFFF0, v61  }
0x55: {  	v3 =	vor.u32 v3, v4  }
0x56: {  	v4 =	vperm.xlane v3, v0;
	_ =	sdelay $0x1  }
0x57: {  	v3 =	vperm.xlane v3, v2;
	v4 =	vadd.s32 v1, v4;
	_ =	sdelay $0x1  }
0x58: {  	v3 =	vadd.s32 v1, v3;
	_ =	sdelay $0x2  }
0x59: {  	[tilespmem:s31], [sflag:$0x2] =	stream.indirect_vreg.gather [hbm4b:s5+s4], $0x80, v4, vm0, $0xb8;
	[tilespmem:$0x1E200] =	vst v63  }
0x5a: {  	_ = 	snop  }
0x5b: {  	[tilespmem:s0], [sflag:$0x2] =	stream.indirect_vreg.gather [hbm4b:s5+s4], $0x80, v3, vm0, $0xb8;
	[tilespmem:$0x1E200] =	vst v63  }
0x5c: {  	v3 =	vld [tilespmem:$0x190];
	_ =	sdelay $0x4  }
0x5d: {  	v62 =	vshll.u32 v3, $0x1  }
0x5e: {  	v3 =	vand.u32 $0x7, v3;
	v4 =	vand.u32 $0xFFFFFFF0, v62  }
0x5f: {  	v3 =	vor.u32 v3, v4  }
0x60: {  	v4 =	vperm.xlane v3, v0;
	_ =	sdelay $0x1  }
0x61: {  	v3 =	vperm.xlane v3, v2;
	v4 =	vadd.s32 v1, v4;
	_ =	sdelay $0x1  }
0x62: {  	v3 =	vadd.s32 v1, v3;
	_ =	sdelay $0x2  }
0x63: {  	[tilespmem:s1], [sflag:$0x2] =	stream.indirect_vreg.gather [hbm4b:s5+s4], $0x80, v4, vm0, $0xb8;
	[tilespmem:$0x1E200] =	vst v63  }
0x64: {  	_ = 	snop  }
0x65: {  	[tilespmem:s22], [sflag:$0x2] =	stream.indirect_vreg.gather [hbm4b:s5+s4], $0x80, v3, vm0, $0xb8;
	[tilespmem:$0x1E200] =	vst v63  }
0x66: {  	v3 =	vld.msk [tilespmem:$0x1A0], $0xff;
	_ =	sdelay $0x4  }
0x67: {  	v63 =	vshll.u32 v3, $0x1  }
0x68: {  	v3 =	vand.u32 $0x7, v3;
	v4 =	vand.u32 $0xFFFFFFF0, v63  }
0x69: {  	v3 =	vor.u32 v3, v4  }
0x6a: {  	v3 =	vperm.xlane v3, v0;
	_ =	sdelay $0x1  }
0x6b: {  	v3 =	vadd.s32 v1, v3;
	_ =	sdelay $0x4  }
0x6c: {  	[tilespmem:s23], [sflag:$0x2] =	stream.indirect_vreg.gather [hbm4b:s5+s4], $0x80, v3, vm0, $0xb8;
	[tilespmem:$0x1E200] =	vst v63  }
0x6d: {  	s17 =	rddreg [dreg:$0x8]  }
0x6e: {  	[tilespmem:s24], [sflag:$0x2] =	stream.linear.gather [hbm4b:s17+s4], $0x1400, $0x38;
	[tilespmem:$0x1E200] =	vst v63  }
0x6f: {  	s10 =	simm.s32 $0x0;
	[bflag:$0x0] =	sbarrier.arrive $0xFFFF  }
.LBB2_2:
0x70: {  	_ =	swait.ge [sflag:s25], $0x1400  }
0x71: {  	[sflag:s25] =	ssyncset.done $0x0  }
0x72: {  	[sflag:s25] =	ssyncadd.s32 $0xFFFFEC00  }
0x73: {  	_ =	swait.ge [sflag:s25], $0x2800  }
0x74: {  	[sflag:s25] =	ssyncset.done $0x0  }
0x75: {  	[sflag:s25] =	ssyncadd.s32 $0xFFFFD800  }
0x76: {  	_ =	swait.ge [sflag:s25], $0x1400  }
0x77: {  	[sflag:s25] =	ssyncset.done $0x0  }
0x78: {  	s14 =	simm.s32 $0x0;
	s15 =	simm.s32 $0x0;
	[sflag:s25] =	ssyncadd.s32 $0xFFFFEC00  }
0x79: {  	s15 =	sand.u32 $0x3FFFFF00, s15;
	v3 =	vld [tilespmem:s14+$0x580]  }
0x7a: {  	v4 =	vld [tilespmem:s15+$0x2D80]  }
0x7b: {  	v5 =	vld [tilespmem:s14+$0x7D80]  }
0x7c: {  	v6 =	vld [tilespmem:s15+$0x2A00]  }
0x7d: {  	v7 =	vld [tilespmem:s15+$0x2A80]  }
0x7e: {  	v8 =	vld [tilespmem:s15+$0x2C00]  }
0x7f: {  	v10 =	vld [tilespmem:s15+$0x2C80]  }
0x80: {  	v11 =	vld [tilespmem:s14+$0x7D90]  }
0x81: {  	v12 =	vld [tilespmem:s15+$0x2D00]  }
0x82: {  	v13 =	vld [tilespmem:s14+$0x200]  }
0x83: {  	v14 =	vld [tilespmem:s14+$0x280]  }
0x84: {  	v15 =	vld [tilespmem:s14+$0x380]  }
0x85: {  	v16 =	vld [tilespmem:s14+$0x400]  }
0x86: {  	v18 =	vld [tilespmem:s14+$0x480]  }
0x87: {  	v19 =	vld [tilespmem:s14+$0x500]  }
0x88: {  	v20 =	vld [tilespmem:s14+$0x7B00]  }
0x89: {  	v22 =	vld [tilespmem:s14+$0x7B80]  }
0x8a: {  	v23 =	vld [tilespmem:s14+$0x7DA0]  }
0x8b: {  	v24 =	vld [tilespmem:s14+$0x7C00]  }
0x8c: {  	v25 =	vld [tilespmem:s14+$0x7D00]  }
0x8d: {  	v52 =	vld [tilespmem:s14+$0x7A10]  }
0x8e: {  	v53 =	vld [tilespmem:s14+$0x7A90]  }
0x8f: {  	v54 =	vld [tilespmem:s14+$0x7B10]  }
0x90: {  	v55 =	vld [tilespmem:s14+$0x7C10];
	v3 =	vadd.f32 v4, v3  }
0x91: {  	v56 =	vld [tilespmem:s14+$0x7C90]  }
0x92: {  	v4 =	vld [tilespmem:s15+$0x3180];
	v3 =	vadd.f32 v5, v3  }
0x93: {  	v26 =	vld [tilespmem:s14+$0x7D10]  }
0x94: {  	v58 =	vld [tilespmem:s14+$0x7AA0];
	v5 =	vmul.f32 $2.000000030e-01, v3  }
0x95: {  	v60 =	vld [tilespmem:s14+$0x7B20]  }
0x96: {  	v61 =	vld [tilespmem:s14+$0x7BA0];
	v3 =	vmax.f32 v3, v5  }
0x97: {  	v62 =	vld [tilespmem:s14+$0x7C20];
	v3 =	vmul.f32 v3, v4  }
0x98: {  	v63 =	vld [tilespmem:s14+$0x7D20]  }
0x99: {  	[tilespmem:s14+$0x580] =	vst v3;
	v3 =	vld [tilespmem:s14+$0x590]  }
0x9a: {  	v9 =	vld [tilespmem:s15+$0x2D90]  }
0x9b: {  	v29 =	vld [tilespmem:s14+$0x530]  }
0x9c: {  	v30 =	vld [tilespmem:s14+$0x7A30]  }
0x9d: {  	v31 =	vld [tilespmem:s14+$0x7AB0]  }
0x9e: {  	v32 =	vld [tilespmem:s14+$0x7B30]  }
0x9f: {  	v33 =	vld [tilespmem:s14+$0x7BB0];
	v3 =	vadd.f32 v9, v3  }
0xa0: {  	v6 =	vadd.f32 v6, v13;
	v13 =	vld [tilespmem:s14+$0x7C80]  }
0xa1: {  	v7 =	vadd.f32 v7, v14;
	v14 =	vld [tilespmem:s15+$0x2E00];
	v3 =	vadd.f32 v11, v3  }
0xa2: {  	v11 =	vld [tilespmem:s15+$0x3190]  }
0xa3: {  	v5 =	vld [tilespmem:s15+$0x2B00];
	v17 =	vmul.f32 $2.000000030e-01, v3  }
0xa4: {  	v4 =	vld [tilespmem:s15+$0x2B80]  }
0xa5: {  	v3 =	vmax.f32 v3, v17;
	v17 =	vld [tilespmem:s14+$0x7A00]  }
0xa6: {  	v9 =	vld [tilespmem:s14+$0x300]  }
0xa7: {  	v3 =	vmul.f32 v3, v11;
	v11 =	vld [tilespmem:s14+$0x7A80]  }
0xa8: {  	v12 =	vadd.f32 v12, v19;
	v19 =	vld [tilespmem:s14+$0x7DC0]  }
0xa9: {  	v10 =	vadd.f32 v10, v18;
	[tilespmem:s14+$0x590] =	vst v3;
	v3 =	vld [tilespmem:s14+$0x5A0]  }
0xaa: {  	v21 =	vld [tilespmem:s15+$0x2DA0];
	v6 =	vadd.f32 v17, v6  }
0xab: {  	v10 =	vadd.f32 v13, v10;
	v13 =	vld [tilespmem:s14+$0x5B0];
	v4 =	vadd.f32 v4, v15  }
0xac: {  	v15 =	vld [tilespmem:s15+$0x2F00];
	v5 =	vadd.f32 v5, v9;
	v7 =	vadd.f32 v11, v7;
	v9 =	vmul.f32 $2.000000030e-01, v6  }
0xad: {  	v11 =	vld [tilespmem:s15+$0x2E80]  }
0xae: {  	v4 =	vadd.f32 v22, v4;
	v17 =	vld [tilespmem:s15+$0x31A0];
	v18 =	vmul.f32 $2.000000030e-01, v7;
	v6 =	vmax.f32 v6, v9  }
0xaf: {  	v3 =	vadd.f32 v21, v3;
	v9 =	vld [tilespmem:s15+$0x2F80];
	v6 =	vmul.f32 v6, v14  }
0xb0: {  	v14 =	vld [tilespmem:s15+$0x3000];
	v7 =	vmax.f32 v7, v18;
	v18 =	vmul.f32 $2.000000030e-01, v4  }
0xb1: {  	v3 =	vadd.f32 v23, v3;
	[tilespmem:s14+$0x200] =	vst v6;
	v6 =	vld [tilespmem:s15+$0x3100]  }
0xb2: {  	v7 =	vmul.f32 v7, v11;
	v4 =	vmax.f32 v4, v18;
	v18 =	vld [tilespmem:s14+$0x510]  }
0xb3: {  	v8 =	vadd.f32 v8, v16;
	v16 =	vmul.f32 $2.000000030e-01, v3;
	v11 =	vld [tilespmem:s15+$0x2A10]  }
0xb4: {  	[tilespmem:s14+$0x280] =	vst v7;
	v38 =	vld [tilespmem:s14+$0x7A40];
	v4 =	vmul.f32 v4, v9  }
0xb5: {  	v5 =	vadd.f32 v20, v5;
	v39 =	vld [tilespmem:s14+$0x7AC0];
	v3 =	vmax.f32 v3, v16  }
0xb6: {  	v16 =	vld [tilespmem:s15+$0x3080];
	v3 =	vmul.f32 v3, v17;
	[tilespmem:s14+$0x380] =	vst v4  }
0xb7: {  	v8 =	vadd.f32 v24, v8;
	v17 =	vmul.f32 $2.000000030e-01, v5;
	v41 =	vld [tilespmem:s14+$0x7BC0]  }
0xb8: {  	v49 =	vld [tilespmem:s14+$0x7BD0];
	[tilespmem:s14+$0x5A0] =	vst v3  }
0xb9: {  	v3 =	vmax.f32 v5, v17;
	v5 =	vmul.f32 $2.000000030e-01, v8;
	v7 =	vld [tilespmem:s15+$0x2DB0]  }
0xba: {  	v17 =	vmul.f32 $2.000000030e-01, v10;
	v3 =	vmul.f32 v3, v15;
	v15 =	vld [tilespmem:s14+$0x310]  }
0xbb: {  	v5 =	vmax.f32 v8, v5;
	v8 =	vld [tilespmem:s15+$0x2A90]  }
0xbc: {  	v12 =	vadd.f32 v25, v12;
	v10 =	vmax.f32 v10, v17;
	[tilespmem:s14+$0x300] =	vst v3;
	v3 =	vmul.f32 v5, v14;
	v5 =	vld [tilespmem:s14+$0x7DB0]  }
0xbd: {  	v4 =	vmul.f32 v10, v16;
	v10 =	vld [tilespmem:s15+$0x2B90]  }
0xbe: {  	v9 =	vmul.f32 $2.000000030e-01, v12;
	v16 =	vld [tilespmem:s14+$0x490]  }
0xbf: {  	v14 =	vld [tilespmem:s15+$0x2B10]  }
0xc0: {  	v9 =	vmax.f32 v12, v9;
	v40 =	vld [tilespmem:s14+$0x7B40]  }
0xc1: {  	v48 =	vld [tilespmem:s14+$0x7B50];
	[tilespmem:s14+$0x480] =	vst v4;
	v4 =	vmul.f32 v9, v6;
	v6 =	vadd.f32 v7, v13  }
0xc2: {  	[tilespmem:s14+$0x400] =	vst v3;
	v9 =	vld [tilespmem:s14+$0x210]  }
0xc3: {  	[tilespmem:s14+$0x500] =	vst v4;
	v4 =	vadd.f32 v5, v6;
	v5 =	vld [tilespmem:s15+$0x31B0]  }
0xc4: {  	v3 =	vld [tilespmem:s15+$0x2C10]  }
0xc5: {  	v13 =	vld [tilespmem:s14+$0x290];
	v12 =	vmul.f32 $2.000000030e-01, v4  }
0xc6: {  	v7 =	vld [tilespmem:s15+$0x2C90]  }
0xc7: {  	v6 =	vld [tilespmem:s15+$0x2D10];
	v4 =	vmax.f32 v4, v12  }
0xc8: {  	v12 =	vld [tilespmem:s14+$0x390];
	v4 =	vmul.f32 v4, v5  }
0xc9: {  	v5 =	vld [tilespmem:s14+$0x410]  }
0xca: {  	v8 =	vadd.f32 v8, v13;
	[tilespmem:s14+$0x5B0] =	vst v4;
	v4 =	vld [tilespmem:s14+$0x5C0]  }
0xcb: {  	v17 =	vld [tilespmem:s15+$0x2DC0]  }
0xcc: {  	v37 =	vld [tilespmem:s14+$0x540];
	v8 =	vadd.f32 v53, v8  }
0xcd: {  	v45 =	vld [tilespmem:s14+$0x550]  }
0xce: {  	v13 =	vadd.f32 v14, v15;
	v15 =	vmul.f32 $2.000000030e-01, v8;
	v10 =	vadd.f32 v10, v12;
	v12 =	vld [tilespmem:s15+$0x2E90]  }
0xcf: {  	v9 =	vadd.f32 v11, v9;
	v11 =	vld [tilespmem:s15+$0x2E10];
	v3 =	vadd.f32 v3, v5  }
0xd0: {  	v8 =	vmax.f32 v8, v15;
	v15 =	vld [tilespmem:s15+$0x3010];
	v4 =	vadd.f32 v17, v4  }
0xd1: {  	v3 =	vadd.f32 v55, v3;
	v17 =	vld [tilespmem:s14+$0x7B90]  }
0xd2: {  	v4 =	vadd.f32 v19, v4;
	v19 =	vld [tilespmem:s15+$0x31C0]  }
0xd3: {  	v14 =	vld [tilespmem:s15+$0x2F10];
	v8 =	vmul.f32 v8, v12;
	v12 =	vmul.f32 $2.000000030e-01, v3  }
0xd4: {  	v5 =	vadd.f32 v7, v16;
	v7 =	vld [tilespmem:s15+$0x2F90];
	v57 =	vmul.f32 $2.000000030e-01, v4  }
0xd5: {  	v16 =	vld [tilespmem:s14+$0x5D0];
	v3 =	vmax.f32 v3, v12  }
0xd6: {  	[tilespmem:s14+$0x290] =	vst v8;
	v3 =	vmul.f32 v3, v15;
	v15 =	vld [tilespmem:s14+$0x7DE0];
	v10 =	vadd.f32 v17, v10;
	v4 =	vmax.f32 v4, v57  }
0xd7: {  	v9 =	vadd.f32 v52, v9;
	v47 =	vld [tilespmem:s14+$0x7AD0];
	v4 =	vmul.f32 v4, v19  }
0xd8: {  	v6 =	vadd.f32 v6, v18;
	v5 =	vadd.f32 v56, v5;
	v55 =	vld [tilespmem:s14+$0x7AE0];
	v18 =	vmul.f32 $2.000000030e-01, v10  }
0xd9: {  	v13 =	vadd.f32 v54, v13;
	v19 =	vld [tilespmem:s14+$0x7A20];
	[tilespmem:s14+$0x5C0] =	vst v4  }
0xda: {  	v4 =	vmul.f32 $2.000000030e-01, v9;
	v10 =	vmax.f32 v10, v18;
	v18 =	vmul.f32 $2.000000030e-01, v5;
	v17 =	vld [tilespmem:s15+$0x2DD0]  }
0xdb: {  	v6 =	vadd.f32 v26, v6;
	v7 =	vmul.f32 v10, v7;
	v10 =	vld [tilespmem:s15+$0x2AA0]  }
0xdc: {  	v4 =	vmax.f32 v9, v4;
	v9 =	vmul.f32 $2.000000030e-01, v13;
	v5 =	vmax.f32 v5, v18;
	v18 =	vld [tilespmem:s14+$0x4A0]  }
0xdd: {  	v12 =	vmul.f32 $2.000000030e-01, v6;
	v4 =	vmul.f32 v4, v11;
	v11 =	vld [tilespmem:s14+$0x7DD0]  }
0xde: {  	[tilespmem:s14+$0x390] =	vst v7;
	v9 =	vmax.f32 v13, v9;
	v13 =	vld [tilespmem:s15+$0x3090]  }
0xdf: {  	v6 =	vmax.f32 v6, v12;
	v12 =	vld [tilespmem:s15+$0x2BA0]  }
0xe0: {  	v57 =	vld [tilespmem:s14+$0x7BE0]  }
0xe1: {  	[tilespmem:s14+$0x210] =	vst v4;
	v4 =	vld [tilespmem:s15+$0x3110]  }
0xe2: {  	v8 =	vld [tilespmem:s15+$0x2A20]  }
0xe3: {  	v9 =	vmul.f32 v9, v14;
	v14 =	vadd.f32 v17, v16;
	v16 =	vld [tilespmem:s14+$0x3A0]  }
0xe4: {  	v17 =	vld [tilespmem:s14+$0x420]  }
0xe5: {  	v46 =	vld [tilespmem:s14+$0x7A50]  }
0xe6: {  	v54 =	vld [tilespmem:s14+$0x7A60]  }
0xe7: {  	[tilespmem:s14+$0x310] =	vst v9;
	v9 =	vadd.f32 v11, v14;
	v11 =	vld [tilespmem:s15+$0x31D0]  }
0xe8: {  	v7 =	vld [tilespmem:s15+$0x2B20]  }
0xe9: {  	v14 =	vld [tilespmem:s14+$0x320];
	v5 =	vmul.f32 v5, v13  }
0xea: {  	[tilespmem:s14+$0x410] =	vst v3;
	v56 =	vld [tilespmem:s14+$0x7B60];
	v3 =	vmul.f32 v6, v4;
	v4 =	vmul.f32 $2.000000030e-01, v9  }
0xeb: {  	v6 =	vld [tilespmem:s15+$0x2C20];
	[tilespmem:s14+$0x490] =	vst v5  }
0xec: {  	v5 =	vld [tilespmem:s14+$0x2A0];
	[tilespmem:s14+$0x510] =	vst v3;
	v3 =	vmax.f32 v9, v4  }
0xed: {  	v4 =	vld [tilespmem:s14+$0x220];
	v3 =	vmul.f32 v3, v11  }
0xee: {  	v13 =	vld [tilespmem:s15+$0x2CA0]  }
0xef: {  	[tilespmem:s14+$0x5D0] =	vst v3;
	v3 =	vld [tilespmem:s14+$0x5E0]  }
0xf0: {  	v11 =	vld [tilespmem:s15+$0x2DE0]  }
0xf1: {  	v9 =	vld [tilespmem:s15+$0x2D20];
	v5 =	vadd.f32 v10, v5  }
0xf2: {  	v7 =	vadd.f32 v7, v14;
	v53 =	vld [tilespmem:s14+$0x560];
	v8 =	vadd.f32 v8, v4  }
0xf3: {  	v6 =	vadd.f32 v6, v17;
	v17 =	vld [tilespmem:s15+$0x2EA0];
	v14 =	vadd.f32 v58, v5  }
0xf4: {  	v10 =	vld [tilespmem:s15+$0x2E20];
	v8 =	vadd.f32 v19, v8  }
0xf5: {  	v13 =	vadd.f32 v13, v18;
	v18 =	vmul.f32 $2.000000030e-01, v14;
	v3 =	vadd.f32 v11, v3;
	v11 =	vld [tilespmem:s14+$0x520]  }
0xf6: {  	v12 =	vadd.f32 v12, v16;
	v5 =	vld [tilespmem:s14+$0x7DF0];
	v16 =	vmul.f32 $2.000000030e-01, v8  }
0xf7: {  	v19 =	vld [tilespmem:s15+$0x2F20];
	v14 =	vmax.f32 v14, v18  }
0xf8: {  	v7 =	vadd.f32 v60, v7;
	v18 =	vld [tilespmem:s15+$0x3020];
	v8 =	vmax.f32 v8, v16;
	v14 =	vmul.f32 v14, v17  }
0xf9: {  	v3 =	vadd.f32 v15, v3;
	v15 =	vld [tilespmem:s15+$0x31E0];
	v8 =	vmul.f32 v8, v10  }
0xfa: {  	v16 =	vmul.f32 $2.000000030e-01, v7;
	[tilespmem:s14+$0x2A0] =	vst v14;
	v9 =	vadd.f32 v9, v11;
	v11 =	vadd.f32 v61, v12;
	v12 =	vld [tilespmem:s15+$0x2FA0]  }
0xfb: {  	[tilespmem:s14+$0x220] =	vst v8;
	v8 =	vld [tilespmem:s15+$0x3120]  }
0xfc: {  	v7 =	vmax.f32 v7, v16;
	v14 =	vld [tilespmem:s15+$0x2AB0]  }
0xfd: {  	v27 =	vadd.f32 v62, v6;
	v7 =	vmul.f32 v7, v19;
	v19 =	vld [tilespmem:s14+$0x4B0]  }
0xfe: {  	v59 =	vmul.f32 $2.000000030e-01, v3;
	v34 =	vld [tilespmem:s15+$0x2EB0]  }
0xff: {  	v10 =	vmul.f32 $2.000000030e-01, v27;
	v17 =	vld [tilespmem:s15+$0x2A30]  }
0x100: {  	v3 =	vmax.f32 v3, v59;
	v61 =	vld [tilespmem:s14+$0x7A70]  }
0x101: {  	v10 =	vmax.f32 v27, v10;
	v3 =	vmul.f32 v3, v15;
	v15 =	vld [tilespmem:s14+$0x7CA0]  }
0x102: {  	[tilespmem:s14+$0x320] =	vst v7;
	v7 =	vmul.f32 v10, v18;
	v18 =	vld [tilespmem:s14+$0x430]  }
0x103: {  	v35 =	vld [tilespmem:s15+$0x2F30]  }
0x104: {  	v28 =	vmul.f32 $2.000000030e-01, v11;
	v62 =	vld [tilespmem:s14+$0x7B70]  }
0x105: {  	v9 =	vadd.f32 v63, v9;
	[tilespmem:s14+$0x5E0] =	vst v3;
	v3 =	vld [tilespmem:s14+$0x5F0]  }
0x106: {  	v11 =	vmax.f32 v11, v28;
	v4 =	vld [tilespmem:s15+$0x2DF0]  }
0x107: {  	v6 =	vld [tilespmem:s15+$0x31F0];
	v11 =	vmul.f32 v11, v12;
	v12 =	vmul.f32 $2.000000030e-01, v9  }
0x108: {  	v13 =	vadd.f32 v15, v13;
	v15 =	vld [tilespmem:s15+$0x30A0]  }
0x109: {  	[tilespmem:s14+$0x3A0] =	vst v11;
	v9 =	vmax.f32 v9, v12;
	v12 =	vld [tilespmem:s14+$0x2B0]  }
0x10a: {  	v11 =	vld [tilespmem:s15+$0x2BB0];
	v8 =	vmul.f32 v9, v8;
	v16 =	vmul.f32 $2.000000030e-01, v13  }
0x10b: {  	v9 =	vld [tilespmem:s14+$0x230]  }
0x10c: {  	[tilespmem:s14+$0x520] =	vst v8;
	v10 =	vmax.f32 v13, v16;
	v13 =	vld [tilespmem:s15+$0x2B30]  }
0x10d: {  	v8 =	vld [tilespmem:s15+$0x2D30]  }
0x10e: {  	[tilespmem:s14+$0x420] =	vst v7;
	v16 =	vld [tilespmem:s14+$0x3B0]  }
0x10f: {  	v7 =	vmul.f32 v10, v15;
	v10 =	vld [tilespmem:s15+$0x2C30]  }
0x110: {  	v15 =	vld [tilespmem:s14+$0x330]  }
0x111: {  	v3 =	vadd.f32 v4, v3;
	v12 =	vadd.f32 v14, v12;
	v14 =	vld [tilespmem:s14+$0x7CB0];
	[tilespmem:s14+$0x4A0] =	vst v7  }
0x112: {  	v9 =	vadd.f32 v17, v9;
	v7 =	vld [tilespmem:s15+$0x2CB0]  }
0x113: {  	v3 =	vadd.f32 v5, v3;
	v17 =	vld [tilespmem:s14+$0x7C30]  }
0x114: {  	v9 =	vadd.f32 v30, v9;
	v11 =	vadd.f32 v11, v16;
	v16 =	vld [tilespmem:s14+$0x7D30]  }
0x115: {  	v12 =	vadd.f32 v31, v12;
	v13 =	vadd.f32 v13, v15;
	v15 =	vld [tilespmem:s15+$0x2E30]  }
0x116: {  	v36 =	vld [tilespmem:s15+$0x2FB0];
	v8 =	vadd.f32 v8, v29;
	v10 =	vadd.f32 v10, v18;
	v18 =	vmul.f32 $2.000000030e-01, v9  }
0x117: {  	v4 =	vld [tilespmem:s14+$0x570];
	v13 =	vadd.f32 v32, v13;
	v7 =	vadd.f32 v7, v19;
	v19 =	vmul.f32 $2.000000030e-01, v12  }
0x118: {  	v5 =	vld [tilespmem:s14+$0x7AF0];
	v11 =	vadd.f32 v33, v11;
	v9 =	vmax.f32 v9, v18;
	v10 =	vadd.f32 v17, v10  }
0x119: {  	v17 =	vld [tilespmem:s15+$0x3030];
	v18 =	vmul.f32 $2.000000030e-01, v13;
	v8 =	vadd.f32 v16, v8;
	v12 =	vmax.f32 v12, v19  }
0x11a: {  	v16 =	vld [tilespmem:s15+$0x3130];
	v9 =	vmul.f32 v9, v15;
	v15 =	vmul.f32 $2.000000030e-01, v11;
	v7 =	vadd.f32 v14, v7  }
0x11b: {  	v14 =	vld [tilespmem:s15+$0x30B0];
	v12 =	vmul.f32 v12, v34  }
0x11c: {  	v13 =	vmax.f32 v13, v18;
	[tilespmem:s14+$0x230] =	vst v9;
	v9 =	vmax.f32 v11, v15;
	v11 =	vmul.f32 $2.000000030e-01, v7;
	v15 =	vld [tilespmem:s14+$0x240]  }
0x11d: {  	v18 =	vmul.f32 $2.000000030e-01, v10;
	v13 =	vmul.f32 v13, v35;
	v19 =	vld [tilespmem:s15+$0x2A40];
	[tilespmem:s14+$0x2B0] =	vst v12  }
0x11e: {  	v7 =	vmax.f32 v7, v11;
	v11 =	vld [tilespmem:s15+$0x2AC0]  }
0x11f: {  	v10 =	vmax.f32 v10, v18;
	[tilespmem:s14+$0x330] =	vst v13;
	v13 =	vld [tilespmem:s14+$0x2C0]  }
0x120: {  	v10 =	vmul.f32 v10, v17;
	v17 =	vld [tilespmem:s14+$0x440]  }
0x121: {  	v42 =	vld [tilespmem:s15+$0x2EC0]  }
0x122: {  	v18 =	vmul.f32 $2.000000030e-01, v8;
	v12 =	vld [tilespmem:s15+$0x2B40]  }
0x123: {  	v9 =	vmul.f32 v9, v36;
	v7 =	vmul.f32 v7, v14;
	v14 =	vld [tilespmem:s14+$0x340]  }
0x124: {  	v8 =	vmax.f32 v8, v18;
	v18 =	vld [tilespmem:s14+$0x4C0]  }
0x125: {  	[tilespmem:s14+$0x3B0] =	vst v9;
	v43 =	vld [tilespmem:s15+$0x2F40]  }
0x126: {  	v9 =	vld [tilespmem:s15+$0x2BC0]  }
0x127: {  	[tilespmem:s14+$0x430] =	vst v10;
	v8 =	vmul.f32 v8, v16;
	v16 =	vld [tilespmem:s14+$0x3C0]  }
0x128: {  	v10 =	vld [tilespmem:s15+$0x2C40];
	[tilespmem:s14+$0x4B0] =	vst v7  }
0x129: {  	v7 =	vld [tilespmem:s15+$0x2CC0];
	[tilespmem:s14+$0x530] =	vst v8  }
0x12a: {  	v15 =	vadd.f32 v19, v15;
	v8 =	vld [tilespmem:s15+$0x2D40];
	v11 =	vadd.f32 v11, v13  }
0x12b: {  	v13 =	vld [tilespmem:s14+$0x7CC0];
	v12 =	vadd.f32 v12, v14  }
0x12c: {  	v14 =	vadd.f32 v38, v15;
	v15 =	vld [tilespmem:s15+$0x2E40];
	v11 =	vadd.f32 v39, v11  }
0x12d: {  	v9 =	vadd.f32 v9, v16;
	v16 =	vld [tilespmem:s14+$0x7D40];
	v10 =	vadd.f32 v10, v17  }
0x12e: {  	v44 =	vld [tilespmem:s15+$0x2FC0];
	v17 =	vmul.f32 $2.000000030e-01, v14;
	v7 =	vadd.f32 v7, v18;
	v18 =	vmul.f32 $2.000000030e-01, v11  }
0x12f: {  	v19 =	vld [tilespmem:s14+$0x7C40];
	v12 =	vadd.f32 v40, v12;
	v9 =	vadd.f32 v41, v9  }
0x130: {  	v8 =	vadd.f32 v8, v37;
	v14 =	vmax.f32 v14, v17;
	v11 =	vmax.f32 v11, v18;
	v18 =	vld [tilespmem:s15+$0x3040]  }
0x131: {  	v14 =	vmul.f32 v14, v15;
	v15 =	vmul.f32 $2.000000030e-01, v9;
	v7 =	vadd.f32 v13, v7;
	v13 =	vld [tilespmem:s15+$0x30C0]  }
0x132: {  	v17 =	vmul.f32 $2.000000030e-01, v12;
	v8 =	vadd.f32 v16, v8;
	v11 =	vmul.f32 v11, v42;
	v16 =	vld [tilespmem:s15+$0x3140]  }
0x133: {  	[tilespmem:s14+$0x240] =	vst v14;
	v9 =	vmax.f32 v9, v15;
	v15 =	vld [tilespmem:s14+$0x250]  }
0x134: {  	v10 =	vadd.f32 v19, v10;
	v12 =	vmax.f32 v12, v17;
	v14 =	vmul.f32 $2.000000030e-01, v7;
	v19 =	vld [tilespmem:s15+$0x2A50];
	[tilespmem:s14+$0x2C0] =	vst v11  }
0x135: {  	v12 =	vmul.f32 v12, v43;
	v11 =	vld [tilespmem:s15+$0x2AD0]  }
0x136: {  	v17 =	vmul.f32 $2.000000030e-01, v10;
	v7 =	vmax.f32 v7, v14;
	v14 =	vld [tilespmem:s14+$0x350]  }
0x137: {  	[tilespmem:s14+$0x340] =	vst v12;
	v50 =	vld [tilespmem:s15+$0x2ED0]  }
0x138: {  	v10 =	vmax.f32 v10, v17;
	v17 =	vmul.f32 $2.000000030e-01, v8;
	v12 =	vld [tilespmem:s15+$0x2B50]  }
0x139: {  	v7 =	vmul.f32 v7, v13;
	v13 =	vld [tilespmem:s14+$0x2D0]  }
0x13a: {  	v9 =	vmul.f32 v9, v44;
	v8 =	vmax.f32 v8, v17;
	v17 =	vld [tilespmem:s14+$0x450]  }
0x13b: {  	v10 =	vmul.f32 v10, v18;
	v18 =	vld [tilespmem:s14+$0x4D0]  }
0x13c: {  	[tilespmem:s14+$0x3C0] =	vst v9;
	v51 =	vld [tilespmem:s15+$0x2F50]  }
0x13d: {  	v9 =	vld [tilespmem:s15+$0x2BD0]  }
0x13e: {  	v8 =	vmul.f32 v8, v16;
	v16 =	vld [tilespmem:s14+$0x3D0];
	[tilespmem:s14+$0x440] =	vst v10  }
0x13f: {  	[tilespmem:s14+$0x4C0] =	vst v7;
	v10 =	vld [tilespmem:s15+$0x2C50]  }
0x140: {  	v7 =	vld [tilespmem:s15+$0x2CD0];
	[tilespmem:s14+$0x540] =	vst v8  }
0x141: {  	v15 =	vadd.f32 v19, v15;
	v8 =	vld [tilespmem:s15+$0x2D50]  }
0x142: {  	v11 =	vadd.f32 v11, v13;
	v13 =	vld [tilespmem:s14+$0x7CD0]  }
0x143: {  	v12 =	vadd.f32 v12, v14;
	v14 =	vadd.f32 v46, v15;
	v15 =	vld [tilespmem:s15+$0x2E50]  }
0x144: {  	v9 =	vadd.f32 v9, v16;
	v16 =	vld [tilespmem:s14+$0x7D50];
	v11 =	vadd.f32 v47, v11  }
0x145: {  	v52 =	vld [tilespmem:s15+$0x2FD0];
	v10 =	vadd.f32 v10, v17;
	v17 =	vmul.f32 $2.000000030e-01, v14;
	v7 =	vadd.f32 v7, v18  }
0x146: {  	v19 =	vld [tilespmem:s14+$0x7C50];
	v12 =	vadd.f32 v48, v12;
	v9 =	vadd.f32 v49, v9;
	v18 =	vmul.f32 $2.000000030e-01, v11  }
0x147: {  	v8 =	vadd.f32 v8, v45;
	v14 =	vmax.f32 v14, v17;
	v7 =	vadd.f32 v13, v7;
	v13 =	vld [tilespmem:s15+$0x30D0]  }
0x148: {  	v11 =	vmax.f32 v11, v18;
	v18 =	vld [tilespmem:s15+$0x3050];
	v14 =	vmul.f32 v14, v15;
	v15 =	vmul.f32 $2.000000030e-01, v9  }
0x149: {  	v17 =	vmul.f32 $2.000000030e-01, v12;
	v8 =	vadd.f32 v16, v8;
	v16 =	vld [tilespmem:s15+$0x3150];
	v11 =	vmul.f32 v11, v50  }
0x14a: {  	[tilespmem:s14+$0x250] =	vst v14;
	v9 =	vmax.f32 v9, v15;
	v15 =	vld [tilespmem:s14+$0x260]  }
0x14b: {  	v10 =	vadd.f32 v19, v10;
	v12 =	vmax.f32 v12, v17;
	v14 =	vmul.f32 $2.000000030e-01, v7;
	v19 =	vld [tilespmem:s15+$0x2A60];
	[tilespmem:s14+$0x2D0] =	vst v11  }
0x14c: {  	v12 =	vmul.f32 v12, v51;
	v11 =	vld [tilespmem:s15+$0x2AE0]  }
0x14d: {  	v17 =	vmul.f32 $2.000000030e-01, v10;
	v7 =	vmax.f32 v7, v14;
	v14 =	vld [tilespmem:s14+$0x360]  }
0x14e: {  	[tilespmem:s14+$0x350] =	vst v12;
	v58 =	vld [tilespmem:s15+$0x2EE0]  }
0x14f: {  	v10 =	vmax.f32 v10, v17;
	v17 =	vmul.f32 $2.000000030e-01, v8;
	v12 =	vld [tilespmem:s15+$0x2B60]  }
0x150: {  	v7 =	vmul.f32 v7, v13;
	v13 =	vld [tilespmem:s14+$0x2E0]  }
0x151: {  	v9 =	vmul.f32 v9, v52;
	v8 =	vmax.f32 v8, v17;
	v17 =	vld [tilespmem:s14+$0x460]  }
0x152: {  	v10 =	vmul.f32 v10, v18;
	v18 =	vld [tilespmem:s14+$0x4E0]  }
0x153: {  	[tilespmem:s14+$0x3D0] =	vst v9;
	v59 =	vld [tilespmem:s15+$0x2F60]  }
0x154: {  	v9 =	vld [tilespmem:s15+$0x2BE0]  }
0x155: {  	v8 =	vmul.f32 v8, v16;
	v16 =	vld [tilespmem:s14+$0x3E0];
	[tilespmem:s14+$0x450] =	vst v10  }
0x156: {  	[tilespmem:s14+$0x4D0] =	vst v7;
	v10 =	vld [tilespmem:s15+$0x2C60]  }
0x157: {  	v7 =	vld [tilespmem:s15+$0x2CE0];
	[tilespmem:s14+$0x550] =	vst v8  }
0x158: {  	v15 =	vadd.f32 v19, v15;
	v8 =	vld [tilespmem:s15+$0x2D60]  }
0x159: {  	v11 =	vadd.f32 v11, v13;
	v13 =	vld [tilespmem:s14+$0x7CE0];
	v12 =	vadd.f32 v12, v14  }
0x15a: {  	v14 =	vadd.f32 v54, v15;
	v15 =	vld [tilespmem:s15+$0x2E60];
	v9 =	vadd.f32 v9, v16  }
0x15b: {  	v16 =	vld [tilespmem:s14+$0x7D60];
	v11 =	vadd.f32 v55, v11;
	v12 =	vadd.f32 v56, v12  }
0x15c: {  	v19 =	vld [tilespmem:s14+$0x7C60];
	v10 =	vadd.f32 v10, v17;
	v17 =	vmul.f32 $2.000000030e-01, v14;
	v7 =	vadd.f32 v7, v18  }
0x15d: {  	v60 =	vld [tilespmem:s15+$0x2FE0];
	v9 =	vadd.f32 v57, v9;
	v8 =	vadd.f32 v8, v53;
	v18 =	vmul.f32 $2.000000030e-01, v11  }
0x15e: {  	v14 =	vmax.f32 v14, v17;
	v17 =	vmul.f32 $2.000000030e-01, v12;
	v7 =	vadd.f32 v13, v7;
	v13 =	vld [tilespmem:s15+$0x30E0]  }
0x15f: {  	v11 =	vmax.f32 v11, v18;
	v18 =	vld [tilespmem:s15+$0x3060];
	v14 =	vmul.f32 v14, v15;
	v15 =	vmul.f32 $2.000000030e-01, v9  }
0x160: {  	v8 =	vadd.f32 v16, v8;
	v16 =	vld [tilespmem:s15+$0x3160];
	v11 =	vmul.f32 v11, v58  }
0x161: {  	v10 =	vadd.f32 v19, v10;
	v12 =	vmax.f32 v12, v17;
	[tilespmem:s14+$0x260] =	vst v14;
	v9 =	vmax.f32 v9, v15;
	v15 =	vld [tilespmem:s14+$0x270]  }
0x162: {  	v14 =	vmul.f32 $2.000000030e-01, v7;
	v12 =	vmul.f32 v12, v59;
	v19 =	vld [tilespmem:s15+$0x2A70];
	[tilespmem:s14+$0x2E0] =	vst v11  }
0x163: {  	v17 =	vmul.f32 $2.000000030e-01, v10;
	v11 =	vld [tilespmem:s15+$0x2AF0]  }
0x164: {  	v7 =	vmax.f32 v7, v14;
	[tilespmem:s14+$0x360] =	vst v12;
	v14 =	vld [tilespmem:s14+$0x370]  }
0x165: {  	v10 =	vmax.f32 v10, v17;
	v17 =	vmul.f32 $2.000000030e-01, v8;
	v12 =	vld [tilespmem:s15+$0x2B70]  }
0x166: {  	v9 =	vmul.f32 v9, v60;
	v7 =	vmul.f32 v7, v13;
	v13 =	vld [tilespmem:s14+$0x2F0]  }
0x167: {  	v8 =	vmax.f32 v8, v17;
	v17 =	vld [tilespmem:s14+$0x470]  }
0x168: {  	v10 =	vmul.f32 v10, v18;
	[tilespmem:s14+$0x3E0] =	vst v9;
	v18 =	vld [tilespmem:s14+$0x4F0]  }
0x169: {  	v9 =	vld [tilespmem:s15+$0x2BF0]  }
0x16a: {  	v8 =	vmul.f32 v8, v16;
	v16 =	vld [tilespmem:s14+$0x3F0];
	[tilespmem:s14+$0x460] =	vst v10  }
0x16b: {  	[tilespmem:s14+$0x4E0] =	vst v7;
	v10 =	vld [tilespmem:s15+$0x2C70]  }
0x16c: {  	v7 =	vld [tilespmem:s15+$0x2CF0]  }
0x16d: {  	[tilespmem:s14+$0x560] =	vst v8;
	v15 =	vadd.f32 v19, v15;
	v19 =	vld [tilespmem:s14+$0x7BF0]  }
0x16e: {  	v63 =	vmul.f32 $2.000000030e-01, v3;
	v8 =	vld [tilespmem:s15+$0x2D70]  }
0x16f: {  	v11 =	vadd.f32 v11, v13;
	v12 =	vadd.f32 v12, v14;
	v13 =	vld [tilespmem:s14+$0x7C70]  }
0x170: {  	v3 =	vmax.f32 v3, v63;
	v14 =	vadd.f32 v61, v15;
	v15 =	vld [tilespmem:s14+$0x7CF0];
	v9 =	vadd.f32 v9, v16  }
0x171: {  	v16 =	vmul.f32 v3, v6;
	v5 =	vadd.f32 v5, v11;
	v10 =	vadd.f32 v10, v17;
	v17 =	vld [tilespmem:s14+$0x7D70]  }
0x172: {  	v3 =	vmul.f32 $2.000000030e-01, v14;
	v11 =	vadd.f32 v62, v12;
	v7 =	vadd.f32 v7, v18;
	v18 =	vld [tilespmem:s15+$0x2E70]  }
0x173: {  	v6 =	vld [tilespmem:s15+$0x2EF0];
	v9 =	vadd.f32 v19, v9;
	v8 =	vadd.f32 v8, v4;
	v4 =	vmul.f32 $2.000000030e-01, v5  }
0x174: {  	v19 =	vmax.f32 v14, v3;
	v14 =	vmul.f32 $2.000000030e-01, v11;
	v3 =	vld [tilespmem:s15+$0x2F70];
	v10 =	vadd.f32 v13, v10  }
0x175: {  	v13 =	vmul.f32 $2.000000030e-01, v9;
	v7 =	vadd.f32 v15, v7;
	v12 =	vmax.f32 v5, v4;
	v4 =	vld [tilespmem:s15+$0x2FF0]  }
0x176: {  	v11 =	vmax.f32 v11, v14;
	v5 =	vld [tilespmem:s15+$0x3070];
	v14 =	vmul.f32 $2.000000030e-01, v10;
	v8 =	vadd.f32 v17, v8  }
0x177: {  	s16 =	simm.s32 $0x8;
	[tilespmem:s14+$0x5F0] =	vst v16;
	v13 =	vmax.f32 v9, v13;
	v15 =	vmul.f32 $2.000000030e-01, v7;
	v9 =	vld [tilespmem:s15+$0x30F0];
	v16 =	vmul.f32 v19, v18  }
.LBB2_3:
0x178: {  	s17 =	sshll.u32 s16, $0x7;
	s11 =	sshll.u32 s16, $0x8;
	p0 =	slt.u32 s16, $0x20;
	v6 =	vmul.f32 v12, v6;
	v10 =	vmax.f32 v10, v14;
	v12 =	vmul.f32 $2.000000030e-01, v8;
	v14 =	vld [tilespmem:s15+$0x3170]  }
0x179: {  	s15 =	sand.u32 $0x3FFFFF00, s11;
	v17 =	vld [tilespmem:s17+$0x580];
	[tilespmem:s14+$0x270] =	vst v16;
	v3 =	vmul.f32 v11, v3;
	v7 =	vmax.f32 v7, v15  }
0x17a: {  	v11 =	vld [tilespmem:s15+$0x2D80];
	[tilespmem:s14+$0x2F0] =	vst v6;
	v4 =	vmul.f32 v13, v4;
	v6 =	vmax.f32 v8, v12  }
0x17b: {  	v8 =	vld [tilespmem:s15+$0x2A00];
	[tilespmem:s14+$0x370] =	vst v3;
	v3 =	vmul.f32 v10, v5  }
0x17c: {  	v5 =	vld [tilespmem:s17+$0x7D80];
	[tilespmem:s14+$0x3F0] =	vst v4;
	v4 =	vmul.f32 v7, v9  }
0x17d: {  	v7 =	vld [tilespmem:s15+$0x2A80];
	[tilespmem:s14+$0x470] =	vst v3;
	v3 =	vmul.f32 v6, v14  }
0x17e: {  	v6 =	vld [tilespmem:s15+$0x2B00];
	[tilespmem:s14+$0x4F0] =	vst v4  }
0x17f: {  	v4 =	vld [tilespmem:s15+$0x2B80];
	v9 =	vadd.f32 v11, v17;
	[tilespmem:s14+$0x570] =	vst v3;
	s14 =	smov.u32 s17  }
0x180: {  	v3 =	vld [tilespmem:s15+$0x2C00]  }
0x181: {  	v5 =	vadd.f32 v5, v9;
	v9 =	vld [tilespmem:s15+$0x3180]  }
0x182: {  	v10 =	vld [tilespmem:s15+$0x2C80]  }
0x183: {  	v11 =	vld [tilespmem:s15+$0x2D00];
	v12 =	vmul.f32 $2.000000030e-01, v5  }
0x184: {  	v13 =	vld [tilespmem:s14+$0x200]  }
0x185: {  	v14 =	vld [tilespmem:s14+$0x280];
	v5 =	vmax.f32 v5, v12  }
0x186: {  	v12 =	vld [tilespmem:s14+$0x300];
	v5 =	vmul.f32 v5, v9  }
0x187: {  	v9 =	vld [tilespmem:s14+$0x380]  }
0x188: {  	[tilespmem:s14+$0x580] =	vst v5;
	v5 =	vld [tilespmem:s14+$0x590]  }
0x189: {  	v8 =	vadd.f32 v8, v13;
	v13 =	vld [tilespmem:s15+$0x2D90]  }
0x18a: {  	v7 =	vadd.f32 v7, v14;
	v14 =	vld [tilespmem:s14+$0x400]  }
0x18b: {  	v6 =	vadd.f32 v6, v12;
	v12 =	vld [tilespmem:s14+$0x7D90]  }
0x18c: {  	v4 =	vadd.f32 v4, v9;
	v9 =	vld [tilespmem:s14+$0x480]  }
0x18d: {  	v15 =	vld [tilespmem:s14+$0x500]  }
0x18e: {  	v16 =	vld [tilespmem:s14+$0x7A00];
	v5 =	vadd.f32 v13, v5  }
0x18f: {  	v13 =	vld [tilespmem:s14+$0x7A80];
	v3 =	vadd.f32 v3, v14  }
0x190: {  	v5 =	vadd.f32 v12, v5;
	v12 =	vld [tilespmem:s15+$0x3190]  }
0x191: {  	v14 =	vld [tilespmem:s14+$0x7B00];
	v9 =	vadd.f32 v10, v9  }
0x192: {  	v10 =	vld [tilespmem:s14+$0x7B80];
	v11 =	vadd.f32 v11, v15;
	v15 =	vmul.f32 $2.000000030e-01, v5  }
0x193: {  	v8 =	vadd.f32 v16, v8;
	v16 =	vld [tilespmem:s14+$0x7C00]  }
0x194: {  	v7 =	vadd.f32 v13, v7;
	v13 =	vld [tilespmem:s14+$0x7C80];
	v5 =	vmax.f32 v5, v15  }
0x195: {  	v15 =	vmul.f32 $2.000000030e-01, v8;
	v17 =	vld [tilespmem:s14+$0x7D00];
	v5 =	vmul.f32 v5, v12  }
0x196: {  	v12 =	vld [tilespmem:s15+$0x2E00];
	v18 =	vmul.f32 $2.000000030e-01, v7;
	v6 =	vadd.f32 v14, v6  }
0x197: {  	v8 =	vmax.f32 v8, v15;
	v4 =	vadd.f32 v10, v4;
	[tilespmem:s14+$0x590] =	vst v5;
	v5 =	vld [tilespmem:s14+$0x5A0]  }
0x198: {  	v7 =	vmax.f32 v7, v18;
	v10 =	vmul.f32 $2.000000030e-01, v6;
	v3 =	vadd.f32 v16, v3;
	v14 =	vld [tilespmem:s15+$0x2DA0]  }
0x199: {  	v15 =	vld [tilespmem:s15+$0x2E80];
	v16 =	vmul.f32 $2.000000030e-01, v4;
	v9 =	vadd.f32 v13, v9  }
0x19a: {  	v6 =	vmax.f32 v6, v10;
	v10 =	vmul.f32 $2.000000030e-01, v3;
	v11 =	vadd.f32 v17, v11;
	v13 =	vld [tilespmem:s14+$0x7DA0]  }
0x19b: {  	v8 =	vmul.f32 v8, v12;
	v12 =	vld [tilespmem:s15+$0x2F00];
	v4 =	vmax.f32 v4, v16;
	v16 =	vmul.f32 $2.000000030e-01, v9  }
0x19c: {  	v17 =	vld [tilespmem:s15+$0x2F80];
	v3 =	vmax.f32 v3, v10;
	v10 =	vmul.f32 $2.000000030e-01, v11  }
0x19d: {  	[tilespmem:s14+$0x200] =	vst v8;
	v8 =	vld [tilespmem:s15+$0x3000];
	v9 =	vmax.f32 v9, v16;
	v5 =	vadd.f32 v14, v5  }
0x19e: {  	v7 =	vmul.f32 v7, v15;
	v14 =	vld [tilespmem:s15+$0x3080];
	v10 =	vmax.f32 v11, v10  }
0x19f: {  	v5 =	vadd.f32 v13, v5;
	v11 =	vld [tilespmem:s15+$0x31A0]  }
0x1a0: {  	[tilespmem:s14+$0x280] =	vst v7;
	v6 =	vmul.f32 v6, v12;
	v7 =	vld [tilespmem:s15+$0x3100]  }
0x1a1: {  	v12 =	vld [tilespmem:s15+$0x2A10];
	v4 =	vmul.f32 v4, v17;
	v13 =	vmul.f32 $2.000000030e-01, v5  }
0x1a2: {  	v15 =	vld [tilespmem:s15+$0x2A90];
	[tilespmem:s14+$0x300] =	vst v6;
	v3 =	vmul.f32 v3, v8  }
0x1a3: {  	v6 =	vld [tilespmem:s15+$0x2B10];
	[tilespmem:s14+$0x380] =	vst v4;
	v4 =	vmul.f32 v9, v14;
	v5 =	vmax.f32 v5, v13  }
0x1a4: {  	v8 =	vld [tilespmem:s15+$0x2B90];
	[tilespmem:s14+$0x400] =	vst v3;
	v3 =	vmul.f32 v5, v11  }
0x1a5: {  	v5 =	vld [tilespmem:s15+$0x2C10];
	[tilespmem:s14+$0x480] =	vst v4;
	v4 =	vmul.f32 v10, v7  }
0x1a6: {  	[tilespmem:s14+$0x5A0] =	vst v3;
	v3 =	vld [tilespmem:s14+$0x5B0]  }
0x1a7: {  	[tilespmem:s14+$0x500] =	vst v4;
	v4 =	vld [tilespmem:s15+$0x2DB0]  }
0x1a8: {  	v7 =	vld [tilespmem:s15+$0x2C90]  }
0x1a9: {  	v9 =	vld [tilespmem:s14+$0x7DB0]  }
0x1aa: {  	v10 =	vld [tilespmem:s15+$0x2D10]  }
0x1ab: {  	v11 =	vld [tilespmem:s14+$0x210]  }
0x1ac: {  	v13 =	vld [tilespmem:s14+$0x290];
	v3 =	vadd.f32 v4, v3  }
0x1ad: {  	v4 =	vld [tilespmem:s14+$0x310]  }
0x1ae: {  	v3 =	vadd.f32 v9, v3;
	v9 =	vld [tilespmem:s15+$0x31B0]  }
0x1af: {  	v14 =	vld [tilespmem:s14+$0x390]  }
0x1b0: {  	v11 =	vadd.f32 v12, v11;
	v12 =	vld [tilespmem:s14+$0x410];
	v16 =	vmul.f32 $2.000000030e-01, v3  }
0x1b1: {  	v13 =	vadd.f32 v15, v13;
	v15 =	vld [tilespmem:s14+$0x490]  }
0x1b2: {  	v4 =	vadd.f32 v6, v4;
	v6 =	vld [tilespmem:s14+$0x510];
	v3 =	vmax.f32 v3, v16  }
0x1b3: {  	v16 =	vld [tilespmem:s14+$0x7A10];
	v3 =	vmul.f32 v3, v9  }
0x1b4: {  	v9 =	vld [tilespmem:s14+$0x7A90];
	v8 =	vadd.f32 v8, v14  }
0x1b5: {  	v5 =	vadd.f32 v5, v12;
	[tilespmem:s14+$0x5B0] =	vst v3;
	v3 =	vld [tilespmem:s14+$0x5C0]  }
0x1b6: {  	v7 =	vadd.f32 v7, v15;
	v12 =	vld [tilespmem:s15+$0x2DC0]  }
0x1b7: {  	v14 =	vld [tilespmem:s14+$0x7B10];
	v6 =	vadd.f32 v10, v6  }
0x1b8: {  	v10 =	vadd.f32 v16, v11;
	v11 =	vld [tilespmem:s14+$0x7DC0]  }
0x1b9: {  	v9 =	vadd.f32 v9, v13;
	v13 =	vld [tilespmem:s14+$0x7B90]  }
0x1ba: {  	v15 =	vmul.f32 $2.000000030e-01, v10;
	v16 =	vld [tilespmem:s14+$0x7C10]  }
0x1bb: {  	v17 =	vmul.f32 $2.000000030e-01, v9;
	v18 =	vld [tilespmem:s14+$0x7C90];
	v3 =	vadd.f32 v12, v3  }
0x1bc: {  	v10 =	vmax.f32 v10, v15;
	v4 =	vadd.f32 v14, v4;
	v12 =	vld [tilespmem:s14+$0x7D10]  }
0x1bd: {  	v9 =	vmax.f32 v9, v17;
	v3 =	vadd.f32 v11, v3;
	v11 =	vld [tilespmem:s15+$0x31C0]  }
0x1be: {  	v14 =	vld [tilespmem:s15+$0x2E10];
	v15 =	vmul.f32 $2.000000030e-01, v4;
	v8 =	vadd.f32 v13, v8  }
0x1bf: {  	v13 =	vld [tilespmem:s15+$0x2E90];
	v5 =	vadd.f32 v16, v5;
	v16 =	vmul.f32 $2.000000030e-01, v3  }
0x1c0: {  	v4 =	vmax.f32 v4, v15;
	v15 =	vld [tilespmem:s15+$0x2F10];
	v17 =	vmul.f32 $2.000000030e-01, v8;
	v7 =	vadd.f32 v18, v7  }
0x1c1: {  	v18 =	vld [tilespmem:s15+$0x2F90];
	v19 =	vmul.f32 $2.000000030e-01, v5;
	v6 =	vadd.f32 v12, v6;
	v3 =	vmax.f32 v3, v16  }
0x1c2: {  	v8 =	vmax.f32 v8, v17;
	v12 =	vld [tilespmem:s15+$0x3010];
	v16 =	vmul.f32 $2.000000030e-01, v7;
	v3 =	vmul.f32 v3, v11  }
0x1c3: {  	v10 =	vmul.f32 v10, v14;
	v5 =	vmax.f32 v5, v19;
	v11 =	vld [tilespmem:s15+$0x3090];
	v14 =	vmul.f32 $2.000000030e-01, v6  }
0x1c4: {  	v9 =	vmul.f32 v9, v13;
	v7 =	vmax.f32 v7, v16;
	[tilespmem:s14+$0x5C0] =	vst v3;
	v3 =	vld [tilespmem:s14+$0x5D0]  }
0x1c5: {  	[tilespmem:s14+$0x210] =	vst v10;
	v4 =	vmul.f32 v4, v15;
	v6 =	vmax.f32 v6, v14;
	v10 =	vld [tilespmem:s15+$0x2DD0]  }
0x1c6: {  	[tilespmem:s14+$0x290] =	vst v9;
	v8 =	vmul.f32 v8, v18;
	v9 =	vld [tilespmem:s15+$0x3110]  }
0x1c7: {  	[tilespmem:s14+$0x310] =	vst v4;
	v4 =	vmul.f32 v5, v12;
	v5 =	vld [tilespmem:s14+$0x7DD0]  }
0x1c8: {  	v12 =	vld [tilespmem:s15+$0x2A20];
	[tilespmem:s14+$0x390] =	vst v8;
	v7 =	vmul.f32 v7, v11  }
0x1c9: {  	v8 =	vld [tilespmem:s15+$0x2AA0];
	[tilespmem:s14+$0x410] =	vst v4  }
0x1ca: {  	v4 =	vld [tilespmem:s15+$0x2B20];
	[tilespmem:s14+$0x490] =	vst v7;
	v3 =	vadd.f32 v10, v3  }
0x1cb: {  	v7 =	vld [tilespmem:s15+$0x2BA0];
	v6 =	vmul.f32 v6, v9  }
0x1cc: {  	v3 =	vadd.f32 v5, v3;
	v5 =	vld [tilespmem:s15+$0x31D0]  }
0x1cd: {  	v9 =	vld [tilespmem:s15+$0x2C20];
	[tilespmem:s14+$0x510] =	vst v6  }
0x1ce: {  	v6 =	vld [tilespmem:s15+$0x2CA0];
	v10 =	vmul.f32 $2.000000030e-01, v3  }
0x1cf: {  	v11 =	vld [tilespmem:s15+$0x2D20]  }
0x1d0: {  	v13 =	vld [tilespmem:s14+$0x220];
	v3 =	vmax.f32 v3, v10  }
0x1d1: {  	v10 =	vld [tilespmem:s14+$0x2A0];
	v3 =	vmul.f32 v3, v5  }
0x1d2: {  	v5 =	vld [tilespmem:s14+$0x320]  }
0x1d3: {  	[tilespmem:s14+$0x5D0] =	vst v3;
	v3 =	vld [tilespmem:s14+$0x5E0]  }
0x1d4: {  	v14 =	vld [tilespmem:s15+$0x2DE0]  }
0x1d5: {  	v12 =	vadd.f32 v12, v13;
	v13 =	vld [tilespmem:s14+$0x3A0]  }
0x1d6: {  	v8 =	vadd.f32 v8, v10;
	v10 =	vld [tilespmem:s14+$0x7DE0]  }
0x1d7: {  	v4 =	vadd.f32 v4, v5;
	v5 =	vld [tilespmem:s14+$0x420]  }
0x1d8: {  	v15 =	vld [tilespmem:s14+$0x4A0]  }
0x1d9: {  	v16 =	vld [tilespmem:s14+$0x520];
	v3 =	vadd.f32 v14, v3  }
0x1da: {  	v14 =	vld [tilespmem:s14+$0x7A20];
	v7 =	vadd.f32 v7, v13  }
0x1db: {  	v3 =	vadd.f32 v10, v3;
	v10 =	vld [tilespmem:s15+$0x31E0]  }
0x1dc: {  	v13 =	vld [tilespmem:s14+$0x7AA0];
	v5 =	vadd.f32 v9, v5  }
0x1dd: {  	v9 =	vld [tilespmem:s14+$0x7B20];
	v6 =	vadd.f32 v6, v15;
	v15 =	vmul.f32 $2.000000030e-01, v3  }
0x1de: {  	v17 =	vld [tilespmem:s14+$0x7BA0];
	v11 =	vadd.f32 v11, v16  }
0x1df: {  	v12 =	vadd.f32 v14, v12;
	v14 =	vld [tilespmem:s14+$0x7C20];
	v3 =	vmax.f32 v3, v15  }
0x1e0: {  	v15 =	vld [tilespmem:s14+$0x7CA0];
	v3 =	vmul.f32 v3, v10  }
0x1e1: {  	v10 =	vmul.f32 $2.000000030e-01, v12;
	v8 =	vadd.f32 v13, v8;
	v13 =	vld [tilespmem:s14+$0x7D20]  }
0x1e2: {  	v4 =	vadd.f32 v9, v4;
	[tilespmem:s14+$0x5E0] =	vst v3;
	v3 =	vld [tilespmem:s14+$0x5F0]  }
0x1e3: {  	v9 =	vmax.f32 v12, v10;
	v10 =	vmul.f32 $2.000000030e-01, v8;
	v7 =	vadd.f32 v17, v7;
	v12 =	vld [tilespmem:s15+$0x2DF0]  }
0x1e4: {  	v16 =	vld [tilespmem:s15+$0x2E20];
	v17 =	vmul.f32 $2.000000030e-01, v4;
	v5 =	vadd.f32 v14, v5  }
0x1e5: {  	v8 =	vmax.f32 v8, v10;
	v10 =	vmul.f32 $2.000000030e-01, v7;
	v6 =	vadd.f32 v15, v6;
	v14 =	vld [tilespmem:s14+$0x7DF0]  }
0x1e6: {  	v15 =	vld [tilespmem:s15+$0x2EA0];
	v4 =	vmax.f32 v4, v17;
	v17 =	vmul.f32 $2.000000030e-01, v5;
	v11 =	vadd.f32 v13, v11  }
0x1e7: {  	v13 =	vld [tilespmem:s15+$0x2F20];
	v7 =	vmax.f32 v7, v10;
	v10 =	vmul.f32 $2.000000030e-01, v6  }
0x1e8: {  	v18 =	vld [tilespmem:s15+$0x2FA0];
	v5 =	vmax.f32 v5, v17;
	v17 =	vmul.f32 $2.000000030e-01, v11;
	v3 =	vadd.f32 v12, v3  }
0x1e9: {  	v9 =	vmul.f32 v9, v16;
	v12 =	vld [tilespmem:s15+$0x3020];
	v6 =	vmax.f32 v6, v10  }
0x1ea: {  	v10 =	vmax.f32 v11, v17;
	v3 =	vadd.f32 v14, v3;
	v11 =	vld [tilespmem:s15+$0x31F0]  }
0x1eb: {  	[tilespmem:s14+$0x220] =	vst v9;
	v8 =	vmul.f32 v8, v15;
	v9 =	vld [tilespmem:s15+$0x30A0]  }
0x1ec: {  	v4 =	vmul.f32 v4, v13;
	v13 =	vld [tilespmem:s15+$0x3120];
	v14 =	vmul.f32 $2.000000030e-01, v3  }
0x1ed: {  	v15 =	vld [tilespmem:s15+$0x2A30];
	[tilespmem:s14+$0x2A0] =	vst v8;
	v7 =	vmul.f32 v7, v18  }
0x1ee: {  	v8 =	vld [tilespmem:s15+$0x2AB0];
	[tilespmem:s14+$0x320] =	vst v4;
	v4 =	vmul.f32 v5, v12;
	v3 =	vmax.f32 v3, v14  }
0x1ef: {  	v5 =	vld [tilespmem:s15+$0x2B30];
	[tilespmem:s14+$0x3A0] =	vst v7;
	v3 =	vmul.f32 v3, v11  }
0x1f0: {  	v7 =	vld [tilespmem:s15+$0x2BB0];
	[tilespmem:s14+$0x420] =	vst v4;
	v4 =	vmul.f32 v6, v9  }
0x1f1: {  	v6 =	vld [tilespmem:s15+$0x2C30];
	v9 =	vmul.f32 v10, v13;
	[tilespmem:s14+$0x5F0] =	vst v3  }
0x1f2: {  	v3 =	vld [tilespmem:s14+$0x230];
	[tilespmem:s14+$0x4A0] =	vst v4  }
0x1f3: {  	v4 =	vld [tilespmem:s15+$0x2CB0];
	[tilespmem:s14+$0x520] =	vst v9  }
0x1f4: {  	v9 =	vld [tilespmem:s15+$0x2D30]  }
0x1f5: {  	v10 =	vld [tilespmem:s14+$0x2B0]  }
0x1f6: {  	v11 =	vld [tilespmem:s14+$0x330]  }
0x1f7: {  	v3 =	vadd.f32 v15, v3;
	v12 =	vld [tilespmem:s14+$0x3B0]  }
0x1f8: {  	v13 =	vld [tilespmem:s14+$0x430]  }
0x1f9: {  	v14 =	vld [tilespmem:s14+$0x4B0]  }
0x1fa: {  	v8 =	vadd.f32 v8, v10;
	v10 =	vld [tilespmem:s14+$0x530]  }
0x1fb: {  	v15 =	vld [tilespmem:s14+$0x7A30];
	v5 =	vadd.f32 v5, v11  }
0x1fc: {  	v11 =	vld [tilespmem:s14+$0x7AB0];
	v7 =	vadd.f32 v7, v12  }
0x1fd: {  	v12 =	vld [tilespmem:s14+$0x7B30];
	v6 =	vadd.f32 v6, v13  }
0x1fe: {  	v13 =	vld [tilespmem:s14+$0x7BB0];
	v4 =	vadd.f32 v4, v14  }
0x1ff: {  	v14 =	vld [tilespmem:s14+$0x7C30];
	v9 =	vadd.f32 v9, v10  }
0x200: {  	v3 =	vadd.f32 v15, v3;
	v10 =	vld [tilespmem:s14+$0x7CB0]  }
0x201: {  	v8 =	vadd.f32 v11, v8;
	v11 =	vld [tilespmem:s14+$0x7D30]  }
0x202: {  	v15 =	vmul.f32 $2.000000030e-01, v3;
	v16 =	vld [tilespmem:s15+$0x2E30];
	v5 =	vadd.f32 v12, v5  }
0x203: {  	v12 =	vmul.f32 $2.000000030e-01, v8;
	v17 =	vld [tilespmem:s15+$0x2EB0];
	v7 =	vadd.f32 v13, v7  }
0x204: {  	v3 =	vmax.f32 v3, v15;
	v13 =	vmul.f32 $2.000000030e-01, v5;
	v15 =	vld [tilespmem:s15+$0x2F30];
	v6 =	vadd.f32 v14, v6  }
0x205: {  	v8 =	vmax.f32 v8, v12;
	v12 =	vmul.f32 $2.000000030e-01, v7;
	v14 =	vld [tilespmem:s15+$0x2FB0];
	v4 =	vadd.f32 v10, v4  }
0x206: {  	v5 =	vmax.f32 v5, v13;
	v10 =	vmul.f32 $2.000000030e-01, v6;
	v13 =	vld [tilespmem:s15+$0x3030];
	v9 =	vadd.f32 v11, v9  }
0x207: {  	v3 =	vmul.f32 v3, v16;
	v7 =	vmax.f32 v7, v12;
	v11 =	vmul.f32 $2.000000030e-01, v4;
	v12 =	vld [tilespmem:s15+$0x30B0]  }
0x208: {  	v8 =	vmul.f32 v8, v17;
	v6 =	vmax.f32 v6, v10;
	v10 =	vmul.f32 $2.000000030e-01, v9;
	v16 =	vld [tilespmem:s15+$0x3130]  }
0x209: {  	[tilespmem:s14+$0x230] =	vst v3;
	v3 =	vld [tilespmem:s14+$0x240];
	v5 =	vmul.f32 v5, v15;
	v4 =	vmax.f32 v4, v11  }
0x20a: {  	v11 =	vld [tilespmem:s15+$0x2A40];
	[tilespmem:s14+$0x2B0] =	vst v8;
	v7 =	vmul.f32 v7, v14;
	v8 =	vmax.f32 v9, v10  }
0x20b: {  	v9 =	vld [tilespmem:s15+$0x2AC0];
	[tilespmem:s14+$0x330] =	vst v5;
	v5 =	vmul.f32 v6, v13  }
0x20c: {  	v6 =	vld [tilespmem:s15+$0x2B40];
	[tilespmem:s14+$0x3B0] =	vst v7;
	v4 =	vmul.f32 v4, v12  }
0x20d: {  	v7 =	vld [tilespmem:s15+$0x2BC0];
	[tilespmem:s14+$0x430] =	vst v5;
	v5 =	vmul.f32 v8, v16  }
0x20e: {  	v8 =	vld [tilespmem:s15+$0x2C40];
	[tilespmem:s14+$0x4B0] =	vst v4  }
0x20f: {  	v3 =	vadd.f32 v11, v3;
	v4 =	vld [tilespmem:s15+$0x2CC0];
	[tilespmem:s14+$0x530] =	vst v5  }
0x210: {  	v5 =	vld [tilespmem:s15+$0x2D40]  }
0x211: {  	v10 =	vld [tilespmem:s14+$0x2C0]  }
0x212: {  	v11 =	vld [tilespmem:s14+$0x340]  }
0x213: {  	v12 =	vld [tilespmem:s14+$0x3C0]  }
0x214: {  	v13 =	vld [tilespmem:s14+$0x440]  }
0x215: {  	v14 =	vld [tilespmem:s14+$0x4C0]  }
0x216: {  	v9 =	vadd.f32 v9, v10;
	v10 =	vld [tilespmem:s14+$0x540]  }
0x217: {  	v15 =	vld [tilespmem:s14+$0x7A40];
	v6 =	vadd.f32 v6, v11  }
0x218: {  	v11 =	vld [tilespmem:s14+$0x7AC0];
	v7 =	vadd.f32 v7, v12  }
0x219: {  	v12 =	vld [tilespmem:s14+$0x7B40];
	v8 =	vadd.f32 v8, v13  }
0x21a: {  	v13 =	vld [tilespmem:s14+$0x7BC0];
	v4 =	vadd.f32 v4, v14  }
0x21b: {  	v14 =	vld [tilespmem:s14+$0x7C40];
	v5 =	vadd.f32 v5, v10  }
0x21c: {  	v3 =	vadd.f32 v15, v3;
	v10 =	vld [tilespmem:s14+$0x7CC0]  }
0x21d: {  	v9 =	vadd.f32 v11, v9;
	v11 =	vld [tilespmem:s14+$0x7D40]  }
0x21e: {  	v15 =	vmul.f32 $2.000000030e-01, v3;
	v16 =	vld [tilespmem:s15+$0x2E40];
	v6 =	vadd.f32 v12, v6  }
0x21f: {  	v12 =	vmul.f32 $2.000000030e-01, v9;
	v17 =	vld [tilespmem:s15+$0x2EC0];
	v7 =	vadd.f32 v13, v7  }
0x220: {  	v3 =	vmax.f32 v3, v15;
	v13 =	vmul.f32 $2.000000030e-01, v6;
	v15 =	vld [tilespmem:s15+$0x2F40];
	v8 =	vadd.f32 v14, v8  }
0x221: {  	v9 =	vmax.f32 v9, v12;
	v12 =	vmul.f32 $2.000000030e-01, v7;
	v14 =	vld [tilespmem:s15+$0x2FC0];
	v4 =	vadd.f32 v10, v4  }
0x222: {  	v6 =	vmax.f32 v6, v13;
	v10 =	vmul.f32 $2.000000030e-01, v8;
	v13 =	vld [tilespmem:s15+$0x3040];
	v5 =	vadd.f32 v11, v5  }
0x223: {  	v3 =	vmul.f32 v3, v16;
	v7 =	vmax.f32 v7, v12;
	v11 =	vmul.f32 $2.000000030e-01, v4;
	v12 =	vld [tilespmem:s15+$0x30C0]  }
0x224: {  	v9 =	vmul.f32 v9, v17;
	v8 =	vmax.f32 v8, v10;
	v10 =	vmul.f32 $2.000000030e-01, v5;
	v16 =	vld [tilespmem:s15+$0x3140]  }
0x225: {  	[tilespmem:s14+$0x240] =	vst v3;
	v3 =	vld [tilespmem:s14+$0x250];
	v6 =	vmul.f32 v6, v15;
	v4 =	vmax.f32 v4, v11  }
0x226: {  	v11 =	vld [tilespmem:s15+$0x2A50];
	[tilespmem:s14+$0x2C0] =	vst v9;
	v7 =	vmul.f32 v7, v14;
	v5 =	vmax.f32 v5, v10  }
0x227: {  	v9 =	vld [tilespmem:s15+$0x2AD0];
	[tilespmem:s14+$0x340] =	vst v6;
	v6 =	vmul.f32 v8, v13  }
0x228: {  	v8 =	vld [tilespmem:s15+$0x2B50];
	[tilespmem:s14+$0x3C0] =	vst v7;
	v4 =	vmul.f32 v4, v12  }
0x229: {  	v7 =	vld [tilespmem:s15+$0x2BD0];
	[tilespmem:s14+$0x440] =	vst v6;
	v5 =	vmul.f32 v5, v16  }
0x22a: {  	v6 =	vld [tilespmem:s15+$0x2C50];
	[tilespmem:s14+$0x4C0] =	vst v4  }
0x22b: {  	v3 =	vadd.f32 v11, v3;
	v4 =	vld [tilespmem:s15+$0x2CD0];
	[tilespmem:s14+$0x540] =	vst v5  }
0x22c: {  	v5 =	vld [tilespmem:s15+$0x2D50]  }
0x22d: {  	v10 =	vld [tilespmem:s14+$0x2D0]  }
0x22e: {  	v11 =	vld [tilespmem:s14+$0x350]  }
0x22f: {  	v12 =	vld [tilespmem:s14+$0x3D0]  }
0x230: {  	v13 =	vld [tilespmem:s14+$0x450]  }
0x231: {  	v14 =	vld [tilespmem:s14+$0x4D0]  }
0x232: {  	v9 =	vadd.f32 v9, v10;
	v10 =	vld [tilespmem:s14+$0x550]  }
0x233: {  	v15 =	vld [tilespmem:s14+$0x7A50];
	v8 =	vadd.f32 v8, v11  }
0x234: {  	v11 =	vld [tilespmem:s14+$0x7AD0];
	v7 =	vadd.f32 v7, v12  }
0x235: {  	v12 =	vld [tilespmem:s14+$0x7B50];
	v6 =	vadd.f32 v6, v13  }
0x236: {  	v13 =	vld [tilespmem:s14+$0x7BD0];
	v4 =	vadd.f32 v4, v14  }
0x237: {  	v14 =	vld [tilespmem:s14+$0x7C50];
	v5 =	vadd.f32 v5, v10  }
0x238: {  	v3 =	vadd.f32 v15, v3;
	v10 =	vld [tilespmem:s14+$0x7CD0]  }
0x239: {  	v9 =	vadd.f32 v11, v9;
	v11 =	vld [tilespmem:s14+$0x7D50]  }
0x23a: {  	v15 =	vmul.f32 $2.000000030e-01, v3;
	v16 =	vld [tilespmem:s15+$0x2E50];
	v8 =	vadd.f32 v12, v8  }
0x23b: {  	v12 =	vmul.f32 $2.000000030e-01, v9;
	v17 =	vld [tilespmem:s15+$0x2ED0];
	v7 =	vadd.f32 v13, v7  }
0x23c: {  	v3 =	vmax.f32 v3, v15;
	v13 =	vmul.f32 $2.000000030e-01, v8;
	v15 =	vld [tilespmem:s15+$0x2F50];
	v6 =	vadd.f32 v14, v6  }
0x23d: {  	v9 =	vmax.f32 v9, v12;
	v12 =	vmul.f32 $2.000000030e-01, v7;
	v14 =	vld [tilespmem:s15+$0x2FD0];
	v4 =	vadd.f32 v10, v4  }
0x23e: {  	v8 =	vmax.f32 v8, v13;
	v10 =	vmul.f32 $2.000000030e-01, v6;
	v13 =	vld [tilespmem:s15+$0x3050];
	v5 =	vadd.f32 v11, v5  }
0x23f: {  	v3 =	vmul.f32 v3, v16;
	v7 =	vmax.f32 v7, v12;
	v11 =	vmul.f32 $2.000000030e-01, v4;
	v12 =	vld [tilespmem:s15+$0x30D0]  }
0x240: {  	v9 =	vmul.f32 v9, v17;
	v6 =	vmax.f32 v6, v10;
	v10 =	vmul.f32 $2.000000030e-01, v5;
	v16 =	vld [tilespmem:s15+$0x3150]  }
0x241: {  	[tilespmem:s14+$0x250] =	vst v3;
	v3 =	vld [tilespmem:s14+$0x260];
	v8 =	vmul.f32 v8, v15;
	v4 =	vmax.f32 v4, v11  }
0x242: {  	v11 =	vld [tilespmem:s15+$0x2A60];
	[tilespmem:s14+$0x2D0] =	vst v9;
	v7 =	vmul.f32 v7, v14;
	v5 =	vmax.f32 v5, v10  }
0x243: {  	v9 =	vld [tilespmem:s15+$0x2AE0];
	[tilespmem:s14+$0x350] =	vst v8;
	v6 =	vmul.f32 v6, v13  }
0x244: {  	v8 =	vld [tilespmem:s15+$0x2B60];
	[tilespmem:s14+$0x3D0] =	vst v7;
	v4 =	vmul.f32 v4, v12  }
0x245: {  	v7 =	vld [tilespmem:s15+$0x2BE0];
	[tilespmem:s14+$0x450] =	vst v6;
	v5 =	vmul.f32 v5, v16  }
0x246: {  	v6 =	vld [tilespmem:s15+$0x2C60];
	[tilespmem:s14+$0x4D0] =	vst v4  }
0x247: {  	v3 =	vadd.f32 v11, v3;
	v4 =	vld [tilespmem:s15+$0x2CE0];
	[tilespmem:s14+$0x550] =	vst v5  }
0x248: {  	v5 =	vld [tilespmem:s15+$0x2D60]  }
0x249: {  	v10 =	vld [tilespmem:s14+$0x2E0]  }
0x24a: {  	v11 =	vld [tilespmem:s14+$0x360]  }
0x24b: {  	v12 =	vld [tilespmem:s14+$0x3E0]  }
0x24c: {  	v13 =	vld [tilespmem:s14+$0x460]  }
0x24d: {  	v14 =	vld [tilespmem:s14+$0x4E0]  }
0x24e: {  	v9 =	vadd.f32 v9, v10;
	v10 =	vld [tilespmem:s14+$0x560]  }
0x24f: {  	v15 =	vld [tilespmem:s14+$0x7A60];
	v8 =	vadd.f32 v8, v11  }
0x250: {  	v11 =	vld [tilespmem:s14+$0x7AE0];
	v7 =	vadd.f32 v7, v12  }
0x251: {  	v12 =	vld [tilespmem:s14+$0x7B60];
	v6 =	vadd.f32 v6, v13  }
0x252: {  	v13 =	vld [tilespmem:s14+$0x7BE0];
	v4 =	vadd.f32 v4, v14  }
0x253: {  	v14 =	vld [tilespmem:s14+$0x7C60];
	v5 =	vadd.f32 v5, v10  }
0x254: {  	v3 =	vadd.f32 v15, v3;
	v10 =	vld [tilespmem:s14+$0x7CE0]  }
0x255: {  	v9 =	vadd.f32 v11, v9;
	v11 =	vld [tilespmem:s14+$0x7D60]  }
0x256: {  	v15 =	vmul.f32 $2.000000030e-01, v3;
	v16 =	vld [tilespmem:s15+$0x2E60];
	v8 =	vadd.f32 v12, v8  }
0x257: {  	v12 =	vmul.f32 $2.000000030e-01, v9;
	v17 =	vld [tilespmem:s15+$0x2EE0];
	v7 =	vadd.f32 v13, v7  }
0x258: {  	v3 =	vmax.f32 v3, v15;
	v13 =	vmul.f32 $2.000000030e-01, v8;
	v15 =	vld [tilespmem:s15+$0x2F60];
	v6 =	vadd.f32 v14, v6  }
0x259: {  	v9 =	vmax.f32 v9, v12;
	v12 =	vmul.f32 $2.000000030e-01, v7;
	v14 =	vld [tilespmem:s15+$0x2FE0];
	v4 =	vadd.f32 v10, v4  }
0x25a: {  	v8 =	vmax.f32 v8, v13;
	v10 =	vmul.f32 $2.000000030e-01, v6;
	v13 =	vld [tilespmem:s15+$0x3060];
	v5 =	vadd.f32 v11, v5  }
0x25b: {  	v3 =	vmul.f32 v3, v16;
	v7 =	vmax.f32 v7, v12;
	v11 =	vmul.f32 $2.000000030e-01, v4;
	v12 =	vld [tilespmem:s15+$0x30E0]  }
0x25c: {  	v9 =	vmul.f32 v9, v17;
	v6 =	vmax.f32 v6, v10;
	v10 =	vmul.f32 $2.000000030e-01, v5;
	v16 =	vld [tilespmem:s15+$0x3160]  }
0x25d: {  	[tilespmem:s14+$0x260] =	vst v3;
	v3 =	vld [tilespmem:s14+$0x270];
	v8 =	vmul.f32 v8, v15;
	v4 =	vmax.f32 v4, v11  }
0x25e: {  	v11 =	vld [tilespmem:s15+$0x2A70];
	[tilespmem:s14+$0x2E0] =	vst v9;
	v7 =	vmul.f32 v7, v14;
	v5 =	vmax.f32 v5, v10  }
0x25f: {  	v9 =	vld [tilespmem:s15+$0x2AF0];
	[tilespmem:s14+$0x360] =	vst v8;
	v6 =	vmul.f32 v6, v13  }
0x260: {  	v8 =	vld [tilespmem:s15+$0x2B70];
	[tilespmem:s14+$0x3E0] =	vst v7;
	v4 =	vmul.f32 v4, v12  }
0x261: {  	v7 =	vld [tilespmem:s15+$0x2BF0];
	[tilespmem:s14+$0x460] =	vst v6;
	v5 =	vmul.f32 v5, v16  }
0x262: {  	v6 =	vld [tilespmem:s15+$0x2C70];
	[tilespmem:s14+$0x4E0] =	vst v4  }
0x263: {  	v3 =	vadd.f32 v11, v3;
	v4 =	vld [tilespmem:s15+$0x2CF0];
	[tilespmem:s14+$0x560] =	vst v5  }
0x264: {  	v5 =	vld [tilespmem:s15+$0x2D70]  }
0x265: {  	v10 =	vld [tilespmem:s14+$0x2F0]  }
0x266: {  	v11 =	vld [tilespmem:s14+$0x370]  }
0x267: {  	v12 =	vld [tilespmem:s14+$0x3F0]  }
0x268: {  	v13 =	vld [tilespmem:s14+$0x470]  }
0x269: {  	v14 =	vld [tilespmem:s14+$0x4F0]  }
0x26a: {  	v9 =	vadd.f32 v9, v10;
	v10 =	vld [tilespmem:s14+$0x570]  }
0x26b: {  	v15 =	vld [tilespmem:s14+$0x7A70];
	v8 =	vadd.f32 v8, v11  }
0x26c: {  	v11 =	vld [tilespmem:s14+$0x7AF0];
	v7 =	vadd.f32 v7, v12  }
0x26d: {  	v12 =	vld [tilespmem:s14+$0x7B70];
	v13 =	vadd.f32 v6, v13  }
0x26e: {  	v16 =	vld [tilespmem:s14+$0x7BF0];
	v14 =	vadd.f32 v4, v14  }
0x26f: {  	v4 =	vld [tilespmem:s14+$0x7C70];
	v17 =	vadd.f32 v5, v10  }
0x270: {  	v3 =	vadd.f32 v15, v3;
	v5 =	vld [tilespmem:s14+$0x7CF0]  }
0x271: {  	v9 =	vadd.f32 v11, v9;
	v15 =	vld [tilespmem:s14+$0x7D70]  }
0x272: {  	v10 =	vmul.f32 $2.000000030e-01, v3;
	v18 =	vld [tilespmem:s15+$0x2E70];
	v8 =	vadd.f32 v12, v8  }
.Ltmp2:
0x273: {  	v11 =	vmul.f32 $2.000000030e-01, v9;
	v6 =	vld [tilespmem:s15+$0x2EF0];
	v19 =	vadd.f32 v16, v7;
	(pc) =	sbr.rel @p0 .LBB2_3-.Ltmp2, $4  }
0x274: {  	v16 =	vmax.f32 v3, v10;
	v20 =	vmul.f32 $2.000000030e-01, v8;
	v3 =	vld [tilespmem:s15+$0x2F70];
	v10 =	vadd.f32 v4, v13  }
0x275: {  	v12 =	vmax.f32 v9, v11;
	v9 =	vmul.f32 $2.000000030e-01, v19;
	v4 =	vld [tilespmem:s15+$0x2FF0];
	v7 =	vadd.f32 v5, v14  }
0x276: {  	v11 =	vmax.f32 v8, v20;
	v14 =	vmul.f32 $2.000000030e-01, v10;
	v5 =	vld [tilespmem:s15+$0x3070];
	v8 =	vadd.f32 v15, v17  }
0x277: {  	s16 =	sadd.s32 $0x8, s16;
	v16 =	vmul.f32 v16, v18;
	v13 =	vmax.f32 v19, v9;
	v15 =	vmul.f32 $2.000000030e-01, v7;
	v9 =	vld [tilespmem:s15+$0x30F0]  }
0x278: {  	v6 =	vmul.f32 v12, v6;
	v12 =	vld [tilespmem:s15+$0x3170]  }
0x279: {  	[tilespmem:s14+$0x270] =	vst v16;
	v3 =	vmul.f32 v11, v3  }
0x27a: {  	v10 =	vmax.f32 v10, v14;
	v11 =	vmul.f32 $2.000000030e-01, v8;
	[tilespmem:s14+$0x2F0] =	vst v6;
	v4 =	vmul.f32 v13, v4  }
0x27b: {  	v6 =	vmax.f32 v7, v15;
	[tilespmem:s14+$0x370] =	vst v3;
	v3 =	vmul.f32 v10, v5  }
0x27c: {  	v5 =	vmax.f32 v8, v11;
	[tilespmem:s14+$0x3F0] =	vst v4;
	v4 =	vmul.f32 v6, v9  }
0x27d: {  	[tilespmem:s14+$0x470] =	vst v3;
	v3 =	vmul.f32 v5, v12  }
0x27e: {  	[tilespmem:s14+$0x4F0] =	vst v4  }
0x27f: {  	p0 =	seq.s32 s10, $0x7C;
	[tilespmem:s14+$0x570] =	vst v3;
	s14 =	sshll.u32 s10, $0x1  }
0x280: {  	[spmem:s3] =	stream.indirect.scatter.add.f32 [tilespmem:s21], [sflag:$0x3], $0x80, s4, s20, $0xb8;
	[tilespmem:$0x1E200] =	vst v63  }
0x281: {  	s11 =	sadd.s32 @!p0 $0x2, s14  }
0x282: {  	_ =	swait.ge [sflag:s19], $0x1400;
	s15 =	sadd.s32 @!p0 s9, s11  }
0x283: {  	[sflag:s19] =	ssyncset.done $0x0;
	s15 =	sshll.u32 @!p0 s15, $0x5  }
0x284: {  	s16 =	simm.s32 @!p0 $0x0;
	[sflag:s19] =	ssyncadd.s32 $0xFFFFEC00;
	s15 =	sadd.s32 @!p0 s7, s15  }
0x285: {  	[tilespmem:s16], [sflag:$0x3] =	stream.linear.gather @!p0 [hbm4b:s15+s16], $0x100, $0x38;
	[tilespmem:$0x1E200] =	vst v63  }
0x286: {  	s15 =	simm.s32 @!p0 $0x3  }
0x287: {  	_ =	swait.ge @!p0 [sflag:s15], $0x100  }
0x288: {  	[sflag:s15] =	ssyncset.done @!p0 $0x0  }
0x289: {  	s17 =	simm.s32 @!p0 $0x200;
	[sflag:s15] =	ssyncadd.s32 @!p0 $0xFFFFFF00;
	s15 =	simm.s32 @!p0 $0x28  }
0x28a: {  	[tilespmem:s17], [sflag:$0x1] =	stream.indirect.gather @!p0 [hbm4b:s2+s15], $0x80, s16, s15, $0xb8;
	[tilespmem:$0x1E200] =	vst v63  }
0x28b: {  	v3 =	vld @!p0 [tilespmem:$0x80];
	_ =	sdelay $0x4  }
0x28c: {  	v4 =	vshll.u32 @!p0 v3, $0x1  }
0x28d: {  	v5 =	vlaneseq.u32 @!p0;
	v3 =	vand.u32 @!p0 $0x7, v3;
	v4 =	vand.u32 @!p0 $0xFFFFFFF0, v4  }
0x28e: {  	v6 =	vshrl.u32 @!p0 v5, $0x3;
	v3 =	vor.u32 @!p0 v3, v4;
	v4 =	vand.u32 @!p0 $0x7, v5  }
0x28f: {  	v6 =	vmul.u32 @!p0 $0x8, v6;
	v7 =	vperm.xlane @!p0 v3, v4  }
0x290: {  	v5 =	vor.u32 @!p0 $0x8, v5  }
0x291: {  	v3 =	vperm.xlane @!p0 v3, v5;
	v7 =	vadd.s32 @!p0 v6, v7;
	_ =	sdelay $0x1  }
0x292: {  	v3 =	vadd.s32 @!p0 v6, v3;
	_ =	sdelay $0x1  }
0x293: {  	vm1 =	vmmov @!p0 $0xffff;
	s15 =	simm.s32 @!p0 $0x2A00  }
0x294: {  	[tilespmem:s15], [sflag:$0x1] =	stream.indirect_vreg.gather @!p0 [hbm4b:s5+s16], $0x80, v7, vm1, $0xb8;
	[tilespmem:$0x1E200] =	vst v63  }
0x295: {  	s15 =	simm.s32 @!p0 $0x3200  }
0x296: {  	[tilespmem:s15], [sflag:$0x1] =	stream.indirect_vreg.gather @!p0 [hbm4b:s5+s16], $0x80, v3, vm1, $0xb8;
	[tilespmem:$0x1E200] =	vst v63  }
0x297: {  	v3 =	vld @!p0 [tilespmem:$0x90];
	_ =	sdelay $0x4  }
0x298: {  	v7 =	vshll.u32 @!p0 v3, $0x1  }
0x299: {  	v3 =	vand.u32 @!p0 $0x7, v3;
	v7 =	vand.u32 @!p0 $0xFFFFFFF0, v7  }
0x29a: {  	v3 =	vor.u32 @!p0 v3, v7  }
0x29b: {  	v7 =	vperm.xlane @!p0 v3, v4;
	_ =	sdelay $0x1  }
0x29c: {  	v3 =	vperm.xlane @!p0 v3, v5;
	v7 =	vadd.s32 @!p0 v6, v7;
	_ =	sdelay $0x1  }
0x29d: {  	v3 =	vadd.s32 @!p0 v6, v3;
	_ =	sdelay $0x1  }
0x29e: {  	s15 =	simm.s32 @!p0 $0x3A00  }
0x29f: {  	[tilespmem:s15], [sflag:$0x1] =	stream.indirect_vreg.gather @!p0 [hbm4b:s5+s16], $0x80, v7, vm1, $0xb8;
	[tilespmem:$0x1E200] =	vst v63  }
0x2a0: {  	s15 =	simm.s32 @!p0 $0x4200  }
0x2a1: {  	[tilespmem:s15], [sflag:$0x1] =	stream.indirect_vreg.gather @!p0 [hbm4b:s5+s16], $0x80, v3, vm1, $0xb8;
	[tilespmem:$0x1E200] =	vst v63  }
0x2a2: {  	v3 =	vld.msk @!p0 [tilespmem:$0xA0], $0xff;
	_ =	sdelay $0x4  }
0x2a3: {  	v5 =	vshll.u32 @!p0 v3, $0x1  }
0x2a4: {  	v3 =	vand.u32 @!p0 $0x7, v3;
	v5 =	vand.u32 @!p0 $0xFFFFFFF0, v5  }
0x2a5: {  	v3 =	vor.u32 @!p0 v3, v5  }
0x2a6: {  	v3 =	vperm.xlane @!p0 v3, v4;
	_ =	sdelay $0x1  }
0x2a7: {  	v3 =	vadd.s32 @!p0 v6, v3  }
0x2a8: {  	s11 =	smul.u32 @!p0 $0x28, s11;
	_ =	sdelay $0x1  }
0x2a9: {  	s11 =	sadd.s32 @!p0 s8, s11  }
0x2aa: {  	s11 =	sshll.u32 @!p0 s11, $0x4;
	s15 =	simm.s32 @!p0 $0x4A00  }
0x2ab: {  	[tilespmem:s15], [sflag:$0x1] =	stream.indirect_vreg.gather @!p0 [hbm4b:s5+s16], $0x80, v3, vm1, $0xb8;
	[tilespmem:$0x1E200] =	vst v63  }
0x2ac: {  	s11 =	sadd.s32 @!p0 s6, s11;
	s15 =	simm.s32 @!p0 $0x7A00  }
0x2ad: {  	[tilespmem:s15], [sflag:$0x1] =	stream.linear.gather @!p0 [hbm4b:s11+s16], $0x1400, $0x38;
	[tilespmem:$0x1E200] =	vst v63  }
0x2ae: {  	_ =	swait.ge [sflag:s26], $0x1400  }
0x2af: {  	[sflag:s26] =	ssyncset.done $0x0  }
0x2b0: {  	[sflag:s26] =	ssyncadd.s32 $0xFFFFEC00  }
0x2b1: {  	_ =	swait.ge [sflag:s26], $0x2800  }
0x2b2: {  	[sflag:s26] =	ssyncset.done $0x0  }
0x2b3: {  	[sflag:s26] =	ssyncadd.s32 $0xFFFFD800  }
0x2b4: {  	_ =	swait.ge [sflag:s26], $0x1400  }
0x2b5: {  	[sflag:s26] =	ssyncset.done $0x0  }
0x2b6: {  	s17 =	simm.s32 $0x0;
	s15 =	simm.s32 $0x0;
	[sflag:s26] =	ssyncadd.s32 $0xFFFFEC00  }
0x2b7: {  	s16 =	sand.u32 $0x3FFFFF00, s17;
	v3 =	vld [tilespmem:s15+$0x1980]  }
0x2b8: {  	v4 =	vld [tilespmem:s16+$0x5580]  }
0x2b9: {  	v5 =	vld [tilespmem:s15+$0x9180]  }
0x2ba: {  	v6 =	vld [tilespmem:s16+$0x5200]  }
0x2bb: {  	v7 =	vld [tilespmem:s16+$0x5280]  }
0x2bc: {  	v8 =	vld [tilespmem:s16+$0x5400]  }
0x2bd: {  	v10 =	vld [tilespmem:s16+$0x5480]  }
0x2be: {  	v11 =	vld [tilespmem:s15+$0x9190]  }
0x2bf: {  	v12 =	vld [tilespmem:s16+$0x5500]  }
0x2c0: {  	v13 =	vld [tilespmem:s15+$0x1600]  }
0x2c1: {  	v14 =	vld [tilespmem:s15+$0x1680]  }
0x2c2: {  	v15 =	vld [tilespmem:s15+$0x1780]  }
0x2c3: {  	v16 =	vld [tilespmem:s15+$0x1800]  }
0x2c4: {  	v18 =	vld [tilespmem:s15+$0x1880]  }
0x2c5: {  	v19 =	vld [tilespmem:s15+$0x1900]  }
0x2c6: {  	v20 =	vld [tilespmem:s15+$0x8F00]  }
0x2c7: {  	v22 =	vld [tilespmem:s15+$0x8F80]  }
0x2c8: {  	v23 =	vld [tilespmem:s15+$0x91A0]  }
0x2c9: {  	v24 =	vld [tilespmem:s15+$0x9000]  }
0x2ca: {  	v25 =	vld [tilespmem:s15+$0x9100]  }
0x2cb: {  	v52 =	vld [tilespmem:s15+$0x8E10]  }
0x2cc: {  	v53 =	vld [tilespmem:s15+$0x8E90]  }
0x2cd: {  	v54 =	vld [tilespmem:s15+$0x8F10]  }
0x2ce: {  	v55 =	vld [tilespmem:s15+$0x9010];
	v3 =	vadd.f32 v4, v3  }
0x2cf: {  	v56 =	vld [tilespmem:s15+$0x9090]  }
0x2d0: {  	v4 =	vld [tilespmem:s16+$0x5980];
	v3 =	vadd.f32 v5, v3  }
0x2d1: {  	v26 =	vld [tilespmem:s15+$0x9110]  }
0x2d2: {  	v58 =	vld [tilespmem:s15+$0x8EA0];
	v5 =	vmul.f32 $2.000000030e-01, v3  }
0x2d3: {  	v60 =	vld [tilespmem:s15+$0x8F20]  }
0x2d4: {  	v61 =	vld [tilespmem:s15+$0x8FA0];
	v3 =	vmax.f32 v3, v5  }
0x2d5: {  	v62 =	vld [tilespmem:s15+$0x9020];
	v3 =	vmul.f32 v3, v4  }
0x2d6: {  	v63 =	vld [tilespmem:s15+$0x9120]  }
0x2d7: {  	[tilespmem:s15+$0x1980] =	vst v3;
	v3 =	vld [tilespmem:s15+$0x1990]  }
0x2d8: {  	v9 =	vld [tilespmem:s16+$0x5590]  }
0x2d9: {  	v29 =	vld [tilespmem:s15+$0x1930]  }
0x2da: {  	v30 =	vld [tilespmem:s15+$0x8E30]  }
0x2db: {  	v31 =	vld [tilespmem:s15+$0x8EB0]  }
0x2dc: {  	v32 =	vld [tilespmem:s15+$0x8F30]  }
0x2dd: {  	v33 =	vld [tilespmem:s15+$0x8FB0];
	v3 =	vadd.f32 v9, v3  }
0x2de: {  	v6 =	vadd.f32 v6, v13;
	v13 =	vld [tilespmem:s15+$0x9080]  }
0x2df: {  	v7 =	vadd.f32 v7, v14;
	v14 =	vld [tilespmem:s16+$0x5600];
	v3 =	vadd.f32 v11, v3  }
0x2e0: {  	v11 =	vld [tilespmem:s16+$0x5990]  }
0x2e1: {  	v5 =	vld [tilespmem:s16+$0x5300];
	v17 =	vmul.f32 $2.000000030e-01, v3  }
0x2e2: {  	v4 =	vld [tilespmem:s16+$0x5380]  }
0x2e3: {  	v3 =	vmax.f32 v3, v17;
	v17 =	vld [tilespmem:s15+$0x8E00]  }
0x2e4: {  	v9 =	vld [tilespmem:s15+$0x1700]  }
0x2e5: {  	v3 =	vmul.f32 v3, v11;
	v11 =	vld [tilespmem:s15+$0x8E80]  }
0x2e6: {  	v12 =	vadd.f32 v12, v19;
	v19 =	vld [tilespmem:s15+$0x91C0]  }
0x2e7: {  	v10 =	vadd.f32 v10, v18;
	[tilespmem:s15+$0x1990] =	vst v3;
	v3 =	vld [tilespmem:s15+$0x19A0]  }
0x2e8: {  	v21 =	vld [tilespmem:s16+$0x55A0];
	v6 =	vadd.f32 v17, v6  }
0x2e9: {  	v10 =	vadd.f32 v13, v10;
	v13 =	vld [tilespmem:s15+$0x19B0];
	v4 =	vadd.f32 v4, v15  }
0x2ea: {  	v15 =	vld [tilespmem:s16+$0x5700];
	v5 =	vadd.f32 v5, v9;
	v7 =	vadd.f32 v11, v7;
	v9 =	vmul.f32 $2.000000030e-01, v6  }
0x2eb: {  	v11 =	vld [tilespmem:s16+$0x5680]  }
0x2ec: {  	v4 =	vadd.f32 v22, v4;
	v17 =	vld [tilespmem:s16+$0x59A0];
	v18 =	vmul.f32 $2.000000030e-01, v7;
	v6 =	vmax.f32 v6, v9  }
0x2ed: {  	v3 =	vadd.f32 v21, v3;
	v9 =	vld [tilespmem:s16+$0x5780];
	v6 =	vmul.f32 v6, v14  }
0x2ee: {  	v14 =	vld [tilespmem:s16+$0x5800];
	v7 =	vmax.f32 v7, v18;
	v18 =	vmul.f32 $2.000000030e-01, v4  }
0x2ef: {  	v3 =	vadd.f32 v23, v3;
	[tilespmem:s15+$0x1600] =	vst v6;
	v6 =	vld [tilespmem:s16+$0x5900]  }
0x2f0: {  	v7 =	vmul.f32 v7, v11;
	v4 =	vmax.f32 v4, v18;
	v18 =	vld [tilespmem:s15+$0x1910]  }
0x2f1: {  	v8 =	vadd.f32 v8, v16;
	v16 =	vmul.f32 $2.000000030e-01, v3;
	v11 =	vld [tilespmem:s16+$0x5210]  }
0x2f2: {  	[tilespmem:s15+$0x1680] =	vst v7;
	v38 =	vld [tilespmem:s15+$0x8E40];
	v4 =	vmul.f32 v4, v9  }
0x2f3: {  	v5 =	vadd.f32 v20, v5;
	v39 =	vld [tilespmem:s15+$0x8EC0];
	v3 =	vmax.f32 v3, v16  }
0x2f4: {  	v16 =	vld [tilespmem:s16+$0x5880];
	v3 =	vmul.f32 v3, v17;
	[tilespmem:s15+$0x1780] =	vst v4  }
0x2f5: {  	v8 =	vadd.f32 v24, v8;
	v17 =	vmul.f32 $2.000000030e-01, v5;
	v41 =	vld [tilespmem:s15+$0x8FC0]  }
0x2f6: {  	v49 =	vld [tilespmem:s15+$0x8FD0];
	[tilespmem:s15+$0x19A0] =	vst v3  }
0x2f7: {  	v3 =	vmax.f32 v5, v17;
	v5 =	vmul.f32 $2.000000030e-01, v8;
	v7 =	vld [tilespmem:s16+$0x55B0]  }
0x2f8: {  	v17 =	vmul.f32 $2.000000030e-01, v10;
	v3 =	vmul.f32 v3, v15;
	v15 =	vld [tilespmem:s15+$0x1710]  }
0x2f9: {  	v5 =	vmax.f32 v8, v5;
	v8 =	vld [tilespmem:s16+$0x5290]  }
0x2fa: {  	v12 =	vadd.f32 v25, v12;
	v10 =	vmax.f32 v10, v17;
	[tilespmem:s15+$0x1700] =	vst v3;
	v3 =	vmul.f32 v5, v14;
	v5 =	vld [tilespmem:s15+$0x91B0]  }
0x2fb: {  	v4 =	vmul.f32 v10, v16;
	v10 =	vld [tilespmem:s16+$0x5390]  }
0x2fc: {  	v9 =	vmul.f32 $2.000000030e-01, v12;
	v16 =	vld [tilespmem:s15+$0x1890]  }
0x2fd: {  	v14 =	vld [tilespmem:s16+$0x5310]  }
0x2fe: {  	v9 =	vmax.f32 v12, v9;
	v40 =	vld [tilespmem:s15+$0x8F40]  }
0x2ff: {  	v48 =	vld [tilespmem:s15+$0x8F50];
	[tilespmem:s15+$0x1880] =	vst v4;
	v4 =	vmul.f32 v9, v6;
	v6 =	vadd.f32 v7, v13  }
0x300: {  	[tilespmem:s15+$0x1800] =	vst v3;
	v9 =	vld [tilespmem:s15+$0x1610]  }
0x301: {  	[tilespmem:s15+$0x1900] =	vst v4;
	v4 =	vadd.f32 v5, v6;
	v5 =	vld [tilespmem:s16+$0x59B0]  }
0x302: {  	v3 =	vld [tilespmem:s16+$0x5410]  }
0x303: {  	v13 =	vld [tilespmem:s15+$0x1690];
	v12 =	vmul.f32 $2.000000030e-01, v4  }
0x304: {  	v7 =	vld [tilespmem:s16+$0x5490]  }
0x305: {  	v6 =	vld [tilespmem:s16+$0x5510];
	v4 =	vmax.f32 v4, v12  }
0x306: {  	v12 =	vld [tilespmem:s15+$0x1790];
	v4 =	vmul.f32 v4, v5  }
0x307: {  	v5 =	vld [tilespmem:s15+$0x1810]  }
0x308: {  	v8 =	vadd.f32 v8, v13;
	[tilespmem:s15+$0x19B0] =	vst v4;
	v4 =	vld [tilespmem:s15+$0x19C0]  }
0x309: {  	v17 =	vld [tilespmem:s16+$0x55C0]  }
0x30a: {  	v37 =	vld [tilespmem:s15+$0x1940];
	v8 =	vadd.f32 v53, v8  }
0x30b: {  	v45 =	vld [tilespmem:s15+$0x1950]  }
0x30c: {  	v13 =	vadd.f32 v14, v15;
	v15 =	vmul.f32 $2.000000030e-01, v8;
	v10 =	vadd.f32 v10, v12;
	v12 =	vld [tilespmem:s16+$0x5690]  }
0x30d: {  	v9 =	vadd.f32 v11, v9;
	v11 =	vld [tilespmem:s16+$0x5610];
	v3 =	vadd.f32 v3, v5  }
0x30e: {  	v8 =	vmax.f32 v8, v15;
	v15 =	vld [tilespmem:s16+$0x5810];
	v4 =	vadd.f32 v17, v4  }
0x30f: {  	v3 =	vadd.f32 v55, v3;
	v17 =	vld [tilespmem:s15+$0x8F90]  }
0x310: {  	v4 =	vadd.f32 v19, v4;
	v19 =	vld [tilespmem:s16+$0x59C0]  }
0x311: {  	v14 =	vld [tilespmem:s16+$0x5710];
	v8 =	vmul.f32 v8, v12;
	v12 =	vmul.f32 $2.000000030e-01, v3  }
0x312: {  	v5 =	vadd.f32 v7, v16;
	v7 =	vld [tilespmem:s16+$0x5790];
	v57 =	vmul.f32 $2.000000030e-01, v4  }
0x313: {  	v16 =	vld [tilespmem:s15+$0x19D0];
	v3 =	vmax.f32 v3, v12  }
0x314: {  	[tilespmem:s15+$0x1690] =	vst v8;
	v3 =	vmul.f32 v3, v15;
	v15 =	vld [tilespmem:s15+$0x91E0];
	v10 =	vadd.f32 v17, v10;
	v4 =	vmax.f32 v4, v57  }
0x315: {  	v9 =	vadd.f32 v52, v9;
	v47 =	vld [tilespmem:s15+$0x8ED0];
	v4 =	vmul.f32 v4, v19  }
0x316: {  	v6 =	vadd.f32 v6, v18;
	v5 =	vadd.f32 v56, v5;
	v55 =	vld [tilespmem:s15+$0x8EE0];
	v18 =	vmul.f32 $2.000000030e-01, v10  }
0x317: {  	v13 =	vadd.f32 v54, v13;
	v19 =	vld [tilespmem:s15+$0x8E20];
	[tilespmem:s15+$0x19C0] =	vst v4  }
0x318: {  	v4 =	vmul.f32 $2.000000030e-01, v9;
	v10 =	vmax.f32 v10, v18;
	v18 =	vmul.f32 $2.000000030e-01, v5;
	v17 =	vld [tilespmem:s16+$0x55D0]  }
0x319: {  	v6 =	vadd.f32 v26, v6;
	v7 =	vmul.f32 v10, v7;
	v10 =	vld [tilespmem:s16+$0x52A0]  }
0x31a: {  	v4 =	vmax.f32 v9, v4;
	v9 =	vmul.f32 $2.000000030e-01, v13;
	v5 =	vmax.f32 v5, v18;
	v18 =	vld [tilespmem:s15+$0x18A0]  }
0x31b: {  	v12 =	vmul.f32 $2.000000030e-01, v6;
	v4 =	vmul.f32 v4, v11;
	v11 =	vld [tilespmem:s15+$0x91D0]  }
0x31c: {  	[tilespmem:s15+$0x1790] =	vst v7;
	v9 =	vmax.f32 v13, v9;
	v13 =	vld [tilespmem:s16+$0x5890]  }
0x31d: {  	v6 =	vmax.f32 v6, v12;
	v12 =	vld [tilespmem:s16+$0x53A0]  }
0x31e: {  	v57 =	vld [tilespmem:s15+$0x8FE0]  }
0x31f: {  	[tilespmem:s15+$0x1610] =	vst v4;
	v4 =	vld [tilespmem:s16+$0x5910]  }
0x320: {  	v8 =	vld [tilespmem:s16+$0x5220]  }
0x321: {  	v9 =	vmul.f32 v9, v14;
	v14 =	vadd.f32 v17, v16;
	v16 =	vld [tilespmem:s15+$0x17A0]  }
0x322: {  	v17 =	vld [tilespmem:s15+$0x1820]  }
0x323: {  	v46 =	vld [tilespmem:s15+$0x8E50]  }
0x324: {  	v54 =	vld [tilespmem:s15+$0x8E60]  }
0x325: {  	[tilespmem:s15+$0x1710] =	vst v9;
	v9 =	vadd.f32 v11, v14;
	v11 =	vld [tilespmem:s16+$0x59D0]  }
0x326: {  	v7 =	vld [tilespmem:s16+$0x5320]  }
0x327: {  	v14 =	vld [tilespmem:s15+$0x1720];
	v5 =	vmul.f32 v5, v13  }
0x328: {  	[tilespmem:s15+$0x1810] =	vst v3;
	v56 =	vld [tilespmem:s15+$0x8F60];
	v3 =	vmul.f32 v6, v4;
	v4 =	vmul.f32 $2.000000030e-01, v9  }
0x329: {  	v6 =	vld [tilespmem:s16+$0x5420];
	[tilespmem:s15+$0x1890] =	vst v5  }
0x32a: {  	v5 =	vld [tilespmem:s15+$0x16A0];
	[tilespmem:s15+$0x1910] =	vst v3;
	v3 =	vmax.f32 v9, v4  }
0x32b: {  	v4 =	vld [tilespmem:s15+$0x1620];
	v3 =	vmul.f32 v3, v11  }
0x32c: {  	v13 =	vld [tilespmem:s16+$0x54A0]  }
0x32d: {  	[tilespmem:s15+$0x19D0] =	vst v3;
	v3 =	vld [tilespmem:s15+$0x19E0]  }
0x32e: {  	v11 =	vld [tilespmem:s16+$0x55E0]  }
0x32f: {  	v9 =	vld [tilespmem:s16+$0x5520];
	v5 =	vadd.f32 v10, v5  }
0x330: {  	v7 =	vadd.f32 v7, v14;
	v53 =	vld [tilespmem:s15+$0x1960];
	v8 =	vadd.f32 v8, v4  }
0x331: {  	v6 =	vadd.f32 v6, v17;
	v17 =	vld [tilespmem:s16+$0x56A0];
	v14 =	vadd.f32 v58, v5  }
0x332: {  	v10 =	vld [tilespmem:s16+$0x5620];
	v8 =	vadd.f32 v19, v8  }
0x333: {  	v13 =	vadd.f32 v13, v18;
	v18 =	vmul.f32 $2.000000030e-01, v14;
	v3 =	vadd.f32 v11, v3;
	v11 =	vld [tilespmem:s15+$0x1920]  }
0x334: {  	v12 =	vadd.f32 v12, v16;
	v5 =	vld [tilespmem:s15+$0x91F0];
	v16 =	vmul.f32 $2.000000030e-01, v8  }
0x335: {  	v19 =	vld [tilespmem:s16+$0x5720];
	v14 =	vmax.f32 v14, v18  }
0x336: {  	v7 =	vadd.f32 v60, v7;
	v18 =	vld [tilespmem:s16+$0x5820];
	v8 =	vmax.f32 v8, v16;
	v14 =	vmul.f32 v14, v17  }
0x337: {  	v3 =	vadd.f32 v15, v3;
	v15 =	vld [tilespmem:s16+$0x59E0];
	v8 =	vmul.f32 v8, v10  }
0x338: {  	v16 =	vmul.f32 $2.000000030e-01, v7;
	[tilespmem:s15+$0x16A0] =	vst v14;
	v9 =	vadd.f32 v9, v11;
	v11 =	vadd.f32 v61, v12;
	v12 =	vld [tilespmem:s16+$0x57A0]  }
0x339: {  	[tilespmem:s15+$0x1620] =	vst v8;
	v8 =	vld [tilespmem:s16+$0x5920]  }
0x33a: {  	v7 =	vmax.f32 v7, v16;
	v14 =	vld [tilespmem:s16+$0x52B0]  }
0x33b: {  	v27 =	vadd.f32 v62, v6;
	v7 =	vmul.f32 v7, v19;
	v19 =	vld [tilespmem:s15+$0x18B0]  }
0x33c: {  	v59 =	vmul.f32 $2.000000030e-01, v3;
	v34 =	vld [tilespmem:s16+$0x56B0]  }
0x33d: {  	v10 =	vmul.f32 $2.000000030e-01, v27;
	v17 =	vld [tilespmem:s16+$0x5230]  }
0x33e: {  	v3 =	vmax.f32 v3, v59;
	v61 =	vld [tilespmem:s15+$0x8E70]  }
0x33f: {  	v10 =	vmax.f32 v27, v10;
	v3 =	vmul.f32 v3, v15;
	v15 =	vld [tilespmem:s15+$0x90A0]  }
0x340: {  	[tilespmem:s15+$0x1720] =	vst v7;
	v7 =	vmul.f32 v10, v18;
	v18 =	vld [tilespmem:s15+$0x1830]  }
0x341: {  	v35 =	vld [tilespmem:s16+$0x5730]  }
0x342: {  	v28 =	vmul.f32 $2.000000030e-01, v11;
	v62 =	vld [tilespmem:s15+$0x8F70]  }
0x343: {  	v9 =	vadd.f32 v63, v9;
	[tilespmem:s15+$0x19E0] =	vst v3;
	v3 =	vld [tilespmem:s15+$0x19F0]  }
0x344: {  	v11 =	vmax.f32 v11, v28;
	v4 =	vld [tilespmem:s16+$0x55F0]  }
0x345: {  	v6 =	vld [tilespmem:s16+$0x59F0];
	v11 =	vmul.f32 v11, v12;
	v12 =	vmul.f32 $2.000000030e-01, v9  }
0x346: {  	v13 =	vadd.f32 v15, v13;
	v15 =	vld [tilespmem:s16+$0x58A0]  }
0x347: {  	[tilespmem:s15+$0x17A0] =	vst v11;
	v9 =	vmax.f32 v9, v12;
	v12 =	vld [tilespmem:s15+$0x16B0]  }
0x348: {  	v11 =	vld [tilespmem:s16+$0x53B0];
	v8 =	vmul.f32 v9, v8;
	v16 =	vmul.f32 $2.000000030e-01, v13  }
0x349: {  	v9 =	vld [tilespmem:s15+$0x1630]  }
0x34a: {  	[tilespmem:s15+$0x1920] =	vst v8;
	v10 =	vmax.f32 v13, v16;
	v13 =	vld [tilespmem:s16+$0x5330]  }
0x34b: {  	v8 =	vld [tilespmem:s16+$0x5530]  }
0x34c: {  	[tilespmem:s15+$0x1820] =	vst v7;
	v16 =	vld [tilespmem:s15+$0x17B0]  }
0x34d: {  	v7 =	vmul.f32 v10, v15;
	v10 =	vld [tilespmem:s16+$0x5430]  }
0x34e: {  	v15 =	vld [tilespmem:s15+$0x1730]  }
0x34f: {  	v3 =	vadd.f32 v4, v3;
	v12 =	vadd.f32 v14, v12;
	v14 =	vld [tilespmem:s15+$0x90B0];
	[tilespmem:s15+$0x18A0] =	vst v7  }
0x350: {  	v9 =	vadd.f32 v17, v9;
	v7 =	vld [tilespmem:s16+$0x54B0]  }
0x351: {  	v3 =	vadd.f32 v5, v3;
	v17 =	vld [tilespmem:s15+$0x9030]  }
0x352: {  	v9 =	vadd.f32 v30, v9;
	v11 =	vadd.f32 v11, v16;
	v16 =	vld [tilespmem:s15+$0x9130]  }
0x353: {  	v12 =	vadd.f32 v31, v12;
	v13 =	vadd.f32 v13, v15;
	v15 =	vld [tilespmem:s16+$0x5630]  }
0x354: {  	v36 =	vld [tilespmem:s16+$0x57B0];
	v8 =	vadd.f32 v8, v29;
	v10 =	vadd.f32 v10, v18;
	v18 =	vmul.f32 $2.000000030e-01, v9  }
0x355: {  	v4 =	vld [tilespmem:s15+$0x1970];
	v13 =	vadd.f32 v32, v13;
	v7 =	vadd.f32 v7, v19;
	v19 =	vmul.f32 $2.000000030e-01, v12  }
0x356: {  	v5 =	vld [tilespmem:s15+$0x8EF0];
	v11 =	vadd.f32 v33, v11;
	v9 =	vmax.f32 v9, v18;
	v10 =	vadd.f32 v17, v10  }
0x357: {  	v17 =	vld [tilespmem:s16+$0x5830];
	v18 =	vmul.f32 $2.000000030e-01, v13;
	v8 =	vadd.f32 v16, v8;
	v12 =	vmax.f32 v12, v19  }
0x358: {  	v16 =	vld [tilespmem:s16+$0x5930];
	v9 =	vmul.f32 v9, v15;
	v15 =	vmul.f32 $2.000000030e-01, v11;
	v7 =	vadd.f32 v14, v7  }
0x359: {  	v14 =	vld [tilespmem:s16+$0x58B0];
	v12 =	vmul.f32 v12, v34  }
0x35a: {  	v13 =	vmax.f32 v13, v18;
	[tilespmem:s15+$0x1630] =	vst v9;
	v9 =	vmax.f32 v11, v15;
	v11 =	vmul.f32 $2.000000030e-01, v7;
	v15 =	vld [tilespmem:s15+$0x1640]  }
0x35b: {  	v18 =	vmul.f32 $2.000000030e-01, v10;
	v13 =	vmul.f32 v13, v35;
	v19 =	vld [tilespmem:s16+$0x5240];
	[tilespmem:s15+$0x16B0] =	vst v12  }
0x35c: {  	v7 =	vmax.f32 v7, v11;
	v11 =	vld [tilespmem:s16+$0x52C0]  }
0x35d: {  	v10 =	vmax.f32 v10, v18;
	[tilespmem:s15+$0x1730] =	vst v13;
	v13 =	vld [tilespmem:s15+$0x16C0]  }
0x35e: {  	v10 =	vmul.f32 v10, v17;
	v17 =	vld [tilespmem:s15+$0x1840]  }
0x35f: {  	v42 =	vld [tilespmem:s16+$0x56C0]  }
0x360: {  	v18 =	vmul.f32 $2.000000030e-01, v8;
	v12 =	vld [tilespmem:s16+$0x5340]  }
0x361: {  	v9 =	vmul.f32 v9, v36;
	v7 =	vmul.f32 v7, v14;
	v14 =	vld [tilespmem:s15+$0x1740]  }
0x362: {  	v8 =	vmax.f32 v8, v18;
	v18 =	vld [tilespmem:s15+$0x18C0]  }
0x363: {  	[tilespmem:s15+$0x17B0] =	vst v9;
	v43 =	vld [tilespmem:s16+$0x5740]  }
0x364: {  	v9 =	vld [tilespmem:s16+$0x53C0]  }
0x365: {  	[tilespmem:s15+$0x1830] =	vst v10;
	v8 =	vmul.f32 v8, v16;
	v16 =	vld [tilespmem:s15+$0x17C0]  }
0x366: {  	v10 =	vld [tilespmem:s16+$0x5440];
	[tilespmem:s15+$0x18B0] =	vst v7  }
0x367: {  	v7 =	vld [tilespmem:s16+$0x54C0];
	[tilespmem:s15+$0x1930] =	vst v8  }
0x368: {  	v15 =	vadd.f32 v19, v15;
	v8 =	vld [tilespmem:s16+$0x5540];
	v11 =	vadd.f32 v11, v13  }
0x369: {  	v13 =	vld [tilespmem:s15+$0x90C0];
	v12 =	vadd.f32 v12, v14  }
0x36a: {  	v14 =	vadd.f32 v38, v15;
	v15 =	vld [tilespmem:s16+$0x5640];
	v11 =	vadd.f32 v39, v11  }
0x36b: {  	v9 =	vadd.f32 v9, v16;
	v16 =	vld [tilespmem:s15+$0x9140];
	v10 =	vadd.f32 v10, v17  }
0x36c: {  	v44 =	vld [tilespmem:s16+$0x57C0];
	v17 =	vmul.f32 $2.000000030e-01, v14;
	v7 =	vadd.f32 v7, v18;
	v18 =	vmul.f32 $2.000000030e-01, v11  }
0x36d: {  	v19 =	vld [tilespmem:s15+$0x9040];
	v12 =	vadd.f32 v40, v12;
	v9 =	vadd.f32 v41, v9  }
0x36e: {  	v8 =	vadd.f32 v8, v37;
	v14 =	vmax.f32 v14, v17;
	v11 =	vmax.f32 v11, v18;
	v18 =	vld [tilespmem:s16+$0x5840]  }
0x36f: {  	v14 =	vmul.f32 v14, v15;
	v15 =	vmul.f32 $2.000000030e-01, v9;
	v7 =	vadd.f32 v13, v7;
	v13 =	vld [tilespmem:s16+$0x58C0]  }
0x370: {  	v17 =	vmul.f32 $2.000000030e-01, v12;
	v8 =	vadd.f32 v16, v8;
	v11 =	vmul.f32 v11, v42;
	v16 =	vld [tilespmem:s16+$0x5940]  }
0x371: {  	[tilespmem:s15+$0x1640] =	vst v14;
	v9 =	vmax.f32 v9, v15;
	v15 =	vld [tilespmem:s15+$0x1650]  }
0x372: {  	v10 =	vadd.f32 v19, v10;
	v12 =	vmax.f32 v12, v17;
	v14 =	vmul.f32 $2.000000030e-01, v7;
	v19 =	vld [tilespmem:s16+$0x5250];
	[tilespmem:s15+$0x16C0] =	vst v11  }
0x373: {  	v12 =	vmul.f32 v12, v43;
	v11 =	vld [tilespmem:s16+$0x52D0]  }
0x374: {  	v17 =	vmul.f32 $2.000000030e-01, v10;
	v7 =	vmax.f32 v7, v14;
	v14 =	vld [tilespmem:s15+$0x1750]  }
0x375: {  	[tilespmem:s15+$0x1740] =	vst v12;
	v50 =	vld [tilespmem:s16+$0x56D0]  }
0x376: {  	v10 =	vmax.f32 v10, v17;
	v17 =	vmul.f32 $2.000000030e-01, v8;
	v12 =	vld [tilespmem:s16+$0x5350]  }
0x377: {  	v7 =	vmul.f32 v7, v13;
	v13 =	vld [tilespmem:s15+$0x16D0]  }
0x378: {  	v9 =	vmul.f32 v9, v44;
	v8 =	vmax.f32 v8, v17;
	v17 =	vld [tilespmem:s15+$0x1850]  }
0x379: {  	v10 =	vmul.f32 v10, v18;
	v18 =	vld [tilespmem:s15+$0x18D0]  }
0x37a: {  	[tilespmem:s15+$0x17C0] =	vst v9;
	v51 =	vld [tilespmem:s16+$0x5750]  }
0x37b: {  	v9 =	vld [tilespmem:s16+$0x53D0]  }
0x37c: {  	v8 =	vmul.f32 v8, v16;
	v16 =	vld [tilespmem:s15+$0x17D0];
	[tilespmem:s15+$0x1840] =	vst v10  }
0x37d: {  	[tilespmem:s15+$0x18C0] =	vst v7;
	v10 =	vld [tilespmem:s16+$0x5450]  }
0x37e: {  	v7 =	vld [tilespmem:s16+$0x54D0];
	[tilespmem:s15+$0x1940] =	vst v8  }
0x37f: {  	v15 =	vadd.f32 v19, v15;
	v8 =	vld [tilespmem:s16+$0x5550]  }
0x380: {  	v11 =	vadd.f32 v11, v13;
	v13 =	vld [tilespmem:s15+$0x90D0]  }
0x381: {  	v12 =	vadd.f32 v12, v14;
	v14 =	vadd.f32 v46, v15;
	v15 =	vld [tilespmem:s16+$0x5650]  }
0x382: {  	v9 =	vadd.f32 v9, v16;
	v16 =	vld [tilespmem:s15+$0x9150];
	v11 =	vadd.f32 v47, v11  }
0x383: {  	v52 =	vld [tilespmem:s16+$0x57D0];
	v10 =	vadd.f32 v10, v17;
	v17 =	vmul.f32 $2.000000030e-01, v14;
	v7 =	vadd.f32 v7, v18  }
0x384: {  	v19 =	vld [tilespmem:s15+$0x9050];
	v12 =	vadd.f32 v48, v12;
	v9 =	vadd.f32 v49, v9;
	v18 =	vmul.f32 $2.000000030e-01, v11  }
0x385: {  	v8 =	vadd.f32 v8, v45;
	v14 =	vmax.f32 v14, v17;
	v7 =	vadd.f32 v13, v7;
	v13 =	vld [tilespmem:s16+$0x58D0]  }
0x386: {  	v11 =	vmax.f32 v11, v18;
	v18 =	vld [tilespmem:s16+$0x5850];
	v14 =	vmul.f32 v14, v15;
	v15 =	vmul.f32 $2.000000030e-01, v9  }
0x387: {  	v17 =	vmul.f32 $2.000000030e-01, v12;
	v8 =	vadd.f32 v16, v8;
	v16 =	vld [tilespmem:s16+$0x5950];
	v11 =	vmul.f32 v11, v50  }
0x388: {  	[tilespmem:s15+$0x1650] =	vst v14;
	v9 =	vmax.f32 v9, v15;
	v15 =	vld [tilespmem:s15+$0x1660]  }
0x389: {  	v10 =	vadd.f32 v19, v10;
	v12 =	vmax.f32 v12, v17;
	v14 =	vmul.f32 $2.000000030e-01, v7;
	v19 =	vld [tilespmem:s16+$0x5260];
	[tilespmem:s15+$0x16D0] =	vst v11  }
0x38a: {  	v12 =	vmul.f32 v12, v51;
	v11 =	vld [tilespmem:s16+$0x52E0]  }
0x38b: {  	v17 =	vmul.f32 $2.000000030e-01, v10;
	v7 =	vmax.f32 v7, v14;
	v14 =	vld [tilespmem:s15+$0x1760]  }
0x38c: {  	[tilespmem:s15+$0x1750] =	vst v12;
	v58 =	vld [tilespmem:s16+$0x56E0]  }
0x38d: {  	v10 =	vmax.f32 v10, v17;
	v17 =	vmul.f32 $2.000000030e-01, v8;
	v12 =	vld [tilespmem:s16+$0x5360]  }
0x38e: {  	v7 =	vmul.f32 v7, v13;
	v13 =	vld [tilespmem:s15+$0x16E0]  }
0x38f: {  	v9 =	vmul.f32 v9, v52;
	v8 =	vmax.f32 v8, v17;
	v17 =	vld [tilespmem:s15+$0x1860]  }
0x390: {  	v10 =	vmul.f32 v10, v18;
	v18 =	vld [tilespmem:s15+$0x18E0]  }
0x391: {  	[tilespmem:s15+$0x17D0] =	vst v9;
	v59 =	vld [tilespmem:s16+$0x5760]  }
0x392: {  	v9 =	vld [tilespmem:s16+$0x53E0]  }
0x393: {  	v8 =	vmul.f32 v8, v16;
	v16 =	vld [tilespmem:s15+$0x17E0];
	[tilespmem:s15+$0x1850] =	vst v10  }
0x394: {  	[tilespmem:s15+$0x18D0] =	vst v7;
	v10 =	vld [tilespmem:s16+$0x5460]  }
0x395: {  	v7 =	vld [tilespmem:s16+$0x54E0];
	[tilespmem:s15+$0x1950] =	vst v8  }
0x396: {  	v15 =	vadd.f32 v19, v15;
	v8 =	vld [tilespmem:s16+$0x5560]  }
0x397: {  	v11 =	vadd.f32 v11, v13;
	v13 =	vld [tilespmem:s15+$0x90E0];
	v12 =	vadd.f32 v12, v14  }
0x398: {  	v14 =	vadd.f32 v54, v15;
	v15 =	vld [tilespmem:s16+$0x5660];
	v9 =	vadd.f32 v9, v16  }
0x399: {  	v16 =	vld [tilespmem:s15+$0x9160];
	v11 =	vadd.f32 v55, v11;
	v12 =	vadd.f32 v56, v12  }
0x39a: {  	v19 =	vld [tilespmem:s15+$0x9060];
	v10 =	vadd.f32 v10, v17;
	v17 =	vmul.f32 $2.000000030e-01, v14;
	v7 =	vadd.f32 v7, v18  }
0x39b: {  	v60 =	vld [tilespmem:s16+$0x57E0];
	v9 =	vadd.f32 v57, v9;
	v8 =	vadd.f32 v8, v53;
	v18 =	vmul.f32 $2.000000030e-01, v11  }
0x39c: {  	v14 =	vmax.f32 v14, v17;
	v17 =	vmul.f32 $2.000000030e-01, v12;
	v7 =	vadd.f32 v13, v7;
	v13 =	vld [tilespmem:s16+$0x58E0]  }
0x39d: {  	v11 =	vmax.f32 v11, v18;
	v18 =	vld [tilespmem:s16+$0x5860];
	v14 =	vmul.f32 v14, v15;
	v15 =	vmul.f32 $2.000000030e-01, v9  }
0x39e: {  	v8 =	vadd.f32 v16, v8;
	v16 =	vld [tilespmem:s16+$0x5960];
	v11 =	vmul.f32 v11, v58  }
0x39f: {  	v10 =	vadd.f32 v19, v10;
	v12 =	vmax.f32 v12, v17;
	[tilespmem:s15+$0x1660] =	vst v14;
	v9 =	vmax.f32 v9, v15;
	v15 =	vld [tilespmem:s15+$0x1670]  }
0x3a0: {  	v14 =	vmul.f32 $2.000000030e-01, v7;
	v12 =	vmul.f32 v12, v59;
	v19 =	vld [tilespmem:s16+$0x5270];
	[tilespmem:s15+$0x16E0] =	vst v11  }
0x3a1: {  	v17 =	vmul.f32 $2.000000030e-01, v10;
	v11 =	vld [tilespmem:s16+$0x52F0]  }
0x3a2: {  	v7 =	vmax.f32 v7, v14;
	[tilespmem:s15+$0x1760] =	vst v12;
	v14 =	vld [tilespmem:s15+$0x1770]  }
0x3a3: {  	v10 =	vmax.f32 v10, v17;
	v17 =	vmul.f32 $2.000000030e-01, v8;
	v12 =	vld [tilespmem:s16+$0x5370]  }
0x3a4: {  	v9 =	vmul.f32 v9, v60;
	v7 =	vmul.f32 v7, v13;
	v13 =	vld [tilespmem:s15+$0x16F0]  }
0x3a5: {  	v8 =	vmax.f32 v8, v17;
	v17 =	vld [tilespmem:s15+$0x1870]  }
0x3a6: {  	v10 =	vmul.f32 v10, v18;
	[tilespmem:s15+$0x17E0] =	vst v9;
	v18 =	vld [tilespmem:s15+$0x18F0]  }
0x3a7: {  	v9 =	vld [tilespmem:s16+$0x53F0]  }
0x3a8: {  	v8 =	vmul.f32 v8, v16;
	v16 =	vld [tilespmem:s15+$0x17F0];
	[tilespmem:s15+$0x1860] =	vst v10  }
0x3a9: {  	[tilespmem:s15+$0x18E0] =	vst v7;
	v10 =	vld [tilespmem:s16+$0x5470]  }
0x3aa: {  	v7 =	vld [tilespmem:s16+$0x54F0]  }
0x3ab: {  	[tilespmem:s15+$0x1960] =	vst v8;
	v15 =	vadd.f32 v19, v15;
	v19 =	vld [tilespmem:s15+$0x8FF0]  }
0x3ac: {  	v63 =	vmul.f32 $2.000000030e-01, v3;
	v8 =	vld [tilespmem:s16+$0x5570]  }
0x3ad: {  	v11 =	vadd.f32 v11, v13;
	v12 =	vadd.f32 v12, v14;
	v13 =	vld [tilespmem:s15+$0x9070]  }
0x3ae: {  	v3 =	vmax.f32 v3, v63;
	v14 =	vadd.f32 v61, v15;
	v15 =	vld [tilespmem:s15+$0x90F0];
	v9 =	vadd.f32 v9, v16  }
0x3af: {  	v16 =	vmul.f32 v3, v6;
	v5 =	vadd.f32 v5, v11;
	v10 =	vadd.f32 v10, v17;
	v17 =	vld [tilespmem:s15+$0x9170]  }
0x3b0: {  	v3 =	vmul.f32 $2.000000030e-01, v14;
	v11 =	vadd.f32 v62, v12;
	v7 =	vadd.f32 v7, v18;
	v18 =	vld [tilespmem:s16+$0x5670]  }
0x3b1: {  	v6 =	vld [tilespmem:s16+$0x56F0];
	v9 =	vadd.f32 v19, v9;
	v8 =	vadd.f32 v8, v4;
	v4 =	vmul.f32 $2.000000030e-01, v5  }
0x3b2: {  	v19 =	vmax.f32 v14, v3;
	v14 =	vmul.f32 $2.000000030e-01, v11;
	v3 =	vld [tilespmem:s16+$0x5770];
	v10 =	vadd.f32 v13, v10  }
0x3b3: {  	v13 =	vmul.f32 $2.000000030e-01, v9;
	v7 =	vadd.f32 v15, v7;
	v12 =	vmax.f32 v5, v4;
	v4 =	vld [tilespmem:s16+$0x57F0]  }
0x3b4: {  	v11 =	vmax.f32 v11, v14;
	v5 =	vld [tilespmem:s16+$0x5870];
	v14 =	vmul.f32 $2.000000030e-01, v10;
	v8 =	vadd.f32 v17, v8  }
0x3b5: {  	s17 =	simm.s32 $0x8;
	[tilespmem:s15+$0x19F0] =	vst v16;
	v13 =	vmax.f32 v9, v13;
	v15 =	vmul.f32 $2.000000030e-01, v7;
	v9 =	vld [tilespmem:s16+$0x58F0];
	v16 =	vmul.f32 v19, v18  }
.LBB2_5:
0x3b6: {  	s11 =	sshll.u32 s17, $0x7;
	s13 =	sshll.u32 s17, $0x8;
	p1 =	slt.u32 s17, $0x20;
	v6 =	vmul.f32 v12, v6;
	v10 =	vmax.f32 v10, v14;
	v12 =	vmul.f32 $2.000000030e-01, v8;
	v14 =	vld [tilespmem:s16+$0x5970]  }
0x3b7: {  	s16 =	sand.u32 $0x3FFFFF00, s13;
	v17 =	vld [tilespmem:s11+$0x1980];
	[tilespmem:s15+$0x1670] =	vst v16;
	v3 =	vmul.f32 v11, v3;
	v7 =	vmax.f32 v7, v15  }
0x3b8: {  	v11 =	vld [tilespmem:s16+$0x5580];
	[tilespmem:s15+$0x16F0] =	vst v6;
	v4 =	vmul.f32 v13, v4;
	v6 =	vmax.f32 v8, v12  }
0x3b9: {  	v8 =	vld [tilespmem:s16+$0x5200];
	[tilespmem:s15+$0x1770] =	vst v3;
	v3 =	vmul.f32 v10, v5  }
0x3ba: {  	v5 =	vld [tilespmem:s11+$0x9180];
	[tilespmem:s15+$0x17F0] =	vst v4;
	v4 =	vmul.f32 v7, v9  }
0x3bb: {  	v7 =	vld [tilespmem:s16+$0x5280];
	[tilespmem:s15+$0x1870] =	vst v3;
	v3 =	vmul.f32 v6, v14  }
0x3bc: {  	v6 =	vld [tilespmem:s16+$0x5300];
	[tilespmem:s15+$0x18F0] =	vst v4  }
0x3bd: {  	v4 =	vld [tilespmem:s16+$0x5380];
	v9 =	vadd.f32 v11, v17;
	[tilespmem:s15+$0x1970] =	vst v3;
	s15 =	smov.u32 s11  }
0x3be: {  	v3 =	vld [tilespmem:s16+$0x5400]  }
0x3bf: {  	v5 =	vadd.f32 v5, v9;
	v9 =	vld [tilespmem:s16+$0x5980]  }
0x3c0: {  	v10 =	vld [tilespmem:s16+$0x5480]  }
0x3c1: {  	v11 =	vld [tilespmem:s16+$0x5500];
	v12 =	vmul.f32 $2.000000030e-01, v5  }
0x3c2: {  	v13 =	vld [tilespmem:s15+$0x1600]  }
0x3c3: {  	v14 =	vld [tilespmem:s15+$0x1680];
	v5 =	vmax.f32 v5, v12  }
0x3c4: {  	v12 =	vld [tilespmem:s15+$0x1700];
	v5 =	vmul.f32 v5, v9  }
0x3c5: {  	v9 =	vld [tilespmem:s15+$0x1780]  }
0x3c6: {  	[tilespmem:s15+$0x1980] =	vst v5;
	v5 =	vld [tilespmem:s15+$0x1990]  }
0x3c7: {  	v8 =	vadd.f32 v8, v13;
	v13 =	vld [tilespmem:s16+$0x5590]  }
0x3c8: {  	v7 =	vadd.f32 v7, v14;
	v14 =	vld [tilespmem:s15+$0x1800]  }
0x3c9: {  	v6 =	vadd.f32 v6, v12;
	v12 =	vld [tilespmem:s15+$0x9190]  }
0x3ca: {  	v4 =	vadd.f32 v4, v9;
	v9 =	vld [tilespmem:s15+$0x1880]  }
0x3cb: {  	v15 =	vld [tilespmem:s15+$0x1900]  }
0x3cc: {  	v16 =	vld [tilespmem:s15+$0x8E00];
	v5 =	vadd.f32 v13, v5  }
0x3cd: {  	v13 =	vld [tilespmem:s15+$0x8E80];
	v3 =	vadd.f32 v3, v14  }
0x3ce: {  	v5 =	vadd.f32 v12, v5;
	v12 =	vld [tilespmem:s16+$0x5990]  }
0x3cf: {  	v14 =	vld [tilespmem:s15+$0x8F00];
	v9 =	vadd.f32 v10, v9  }
0x3d0: {  	v10 =	vld [tilespmem:s15+$0x8F80];
	v11 =	vadd.f32 v11, v15;
	v15 =	vmul.f32 $2.000000030e-01, v5  }
0x3d1: {  	v8 =	vadd.f32 v16, v8;
	v16 =	vld [tilespmem:s15+$0x9000]  }
0x3d2: {  	v7 =	vadd.f32 v13, v7;
	v13 =	vld [tilespmem:s15+$0x9080];
	v5 =	vmax.f32 v5, v15  }
0x3d3: {  	v15 =	vmul.f32 $2.000000030e-01, v8;
	v17 =	vld [tilespmem:s15+$0x9100];
	v5 =	vmul.f32 v5, v12  }
0x3d4: {  	v12 =	vld [tilespmem:s16+$0x5600];
	v18 =	vmul.f32 $2.000000030e-01, v7;
	v6 =	vadd.f32 v14, v6  }
0x3d5: {  	v8 =	vmax.f32 v8, v15;
	v4 =	vadd.f32 v10, v4;
	[tilespmem:s15+$0x1990] =	vst v5;
	v5 =	vld [tilespmem:s15+$0x19A0]  }
0x3d6: {  	v7 =	vmax.f32 v7, v18;
	v10 =	vmul.f32 $2.000000030e-01, v6;
	v3 =	vadd.f32 v16, v3;
	v14 =	vld [tilespmem:s16+$0x55A0]  }
0x3d7: {  	v15 =	vld [tilespmem:s16+$0x5680];
	v16 =	vmul.f32 $2.000000030e-01, v4;
	v9 =	vadd.f32 v13, v9  }
0x3d8: {  	v6 =	vmax.f32 v6, v10;
	v10 =	vmul.f32 $2.000000030e-01, v3;
	v11 =	vadd.f32 v17, v11;
	v13 =	vld [tilespmem:s15+$0x91A0]  }
0x3d9: {  	v8 =	vmul.f32 v8, v12;
	v12 =	vld [tilespmem:s16+$0x5700];
	v4 =	vmax.f32 v4, v16;
	v16 =	vmul.f32 $2.000000030e-01, v9  }
0x3da: {  	v17 =	vld [tilespmem:s16+$0x5780];
	v3 =	vmax.f32 v3, v10;
	v10 =	vmul.f32 $2.000000030e-01, v11  }
0x3db: {  	[tilespmem:s15+$0x1600] =	vst v8;
	v8 =	vld [tilespmem:s16+$0x5800];
	v9 =	vmax.f32 v9, v16;
	v5 =	vadd.f32 v14, v5  }
0x3dc: {  	v7 =	vmul.f32 v7, v15;
	v14 =	vld [tilespmem:s16+$0x5880];
	v10 =	vmax.f32 v11, v10  }
0x3dd: {  	v5 =	vadd.f32 v13, v5;
	v11 =	vld [tilespmem:s16+$0x59A0]  }
0x3de: {  	[tilespmem:s15+$0x1680] =	vst v7;
	v6 =	vmul.f32 v6, v12;
	v7 =	vld [tilespmem:s16+$0x5900]  }
0x3df: {  	v12 =	vld [tilespmem:s16+$0x5210];
	v4 =	vmul.f32 v4, v17;
	v13 =	vmul.f32 $2.000000030e-01, v5  }
0x3e0: {  	v15 =	vld [tilespmem:s16+$0x5290];
	[tilespmem:s15+$0x1700] =	vst v6;
	v3 =	vmul.f32 v3, v8  }
0x3e1: {  	v6 =	vld [tilespmem:s16+$0x5310];
	[tilespmem:s15+$0x1780] =	vst v4;
	v4 =	vmul.f32 v9, v14;
	v5 =	vmax.f32 v5, v13  }
0x3e2: {  	v8 =	vld [tilespmem:s16+$0x5390];
	[tilespmem:s15+$0x1800] =	vst v3;
	v3 =	vmul.f32 v5, v11  }
0x3e3: {  	v5 =	vld [tilespmem:s16+$0x5410];
	[tilespmem:s15+$0x1880] =	vst v4;
	v4 =	vmul.f32 v10, v7  }
0x3e4: {  	[tilespmem:s15+$0x19A0] =	vst v3;
	v3 =	vld [tilespmem:s15+$0x19B0]  }
0x3e5: {  	[tilespmem:s15+$0x1900] =	vst v4;
	v4 =	vld [tilespmem:s16+$0x55B0]  }
0x3e6: {  	v7 =	vld [tilespmem:s16+$0x5490]  }
0x3e7: {  	v9 =	vld [tilespmem:s15+$0x91B0]  }
0x3e8: {  	v10 =	vld [tilespmem:s16+$0x5510]  }
0x3e9: {  	v11 =	vld [tilespmem:s15+$0x1610]  }
0x3ea: {  	v13 =	vld [tilespmem:s15+$0x1690];
	v3 =	vadd.f32 v4, v3  }
0x3eb: {  	v4 =	vld [tilespmem:s15+$0x1710]  }
0x3ec: {  	v3 =	vadd.f32 v9, v3;
	v9 =	vld [tilespmem:s16+$0x59B0]  }
0x3ed: {  	v14 =	vld [tilespmem:s15+$0x1790]  }
0x3ee: {  	v11 =	vadd.f32 v12, v11;
	v12 =	vld [tilespmem:s15+$0x1810];
	v16 =	vmul.f32 $2.000000030e-01, v3  }
0x3ef: {  	v13 =	vadd.f32 v15, v13;
	v15 =	vld [tilespmem:s15+$0x1890]  }
0x3f0: {  	v4 =	vadd.f32 v6, v4;
	v6 =	vld [tilespmem:s15+$0x1910];
	v3 =	vmax.f32 v3, v16  }
0x3f1: {  	v16 =	vld [tilespmem:s15+$0x8E10];
	v3 =	vmul.f32 v3, v9  }
0x3f2: {  	v9 =	vld [tilespmem:s15+$0x8E90];
	v8 =	vadd.f32 v8, v14  }
0x3f3: {  	v5 =	vadd.f32 v5, v12;
	[tilespmem:s15+$0x19B0] =	vst v3;
	v3 =	vld [tilespmem:s15+$0x19C0]  }
0x3f4: {  	v7 =	vadd.f32 v7, v15;
	v12 =	vld [tilespmem:s16+$0x55C0]  }
0x3f5: {  	v14 =	vld [tilespmem:s15+$0x8F10];
	v6 =	vadd.f32 v10, v6  }
0x3f6: {  	v10 =	vadd.f32 v16, v11;
	v11 =	vld [tilespmem:s15+$0x91C0]  }
0x3f7: {  	v9 =	vadd.f32 v9, v13;
	v13 =	vld [tilespmem:s15+$0x8F90]  }
0x3f8: {  	v15 =	vmul.f32 $2.000000030e-01, v10;
	v16 =	vld [tilespmem:s15+$0x9010]  }
0x3f9: {  	v17 =	vmul.f32 $2.000000030e-01, v9;
	v18 =	vld [tilespmem:s15+$0x9090];
	v3 =	vadd.f32 v12, v3  }
0x3fa: {  	v10 =	vmax.f32 v10, v15;
	v4 =	vadd.f32 v14, v4;
	v12 =	vld [tilespmem:s15+$0x9110]  }
0x3fb: {  	v9 =	vmax.f32 v9, v17;
	v3 =	vadd.f32 v11, v3;
	v11 =	vld [tilespmem:s16+$0x59C0]  }
0x3fc: {  	v14 =	vld [tilespmem:s16+$0x5610];
	v15 =	vmul.f32 $2.000000030e-01, v4;
	v8 =	vadd.f32 v13, v8  }
0x3fd: {  	v13 =	vld [tilespmem:s16+$0x5690];
	v5 =	vadd.f32 v16, v5;
	v16 =	vmul.f32 $2.000000030e-01, v3  }
0x3fe: {  	v4 =	vmax.f32 v4, v15;
	v15 =	vld [tilespmem:s16+$0x5710];
	v17 =	vmul.f32 $2.000000030e-01, v8;
	v7 =	vadd.f32 v18, v7  }
0x3ff: {  	v18 =	vld [tilespmem:s16+$0x5790];
	v19 =	vmul.f32 $2.000000030e-01, v5;
	v6 =	vadd.f32 v12, v6;
	v3 =	vmax.f32 v3, v16  }
0x400: {  	v8 =	vmax.f32 v8, v17;
	v12 =	vld [tilespmem:s16+$0x5810];
	v16 =	vmul.f32 $2.000000030e-01, v7;
	v3 =	vmul.f32 v3, v11  }
0x401: {  	v10 =	vmul.f32 v10, v14;
	v5 =	vmax.f32 v5, v19;
	v11 =	vld [tilespmem:s16+$0x5890];
	v14 =	vmul.f32 $2.000000030e-01, v6  }
0x402: {  	v9 =	vmul.f32 v9, v13;
	v7 =	vmax.f32 v7, v16;
	[tilespmem:s15+$0x19C0] =	vst v3;
	v3 =	vld [tilespmem:s15+$0x19D0]  }
0x403: {  	[tilespmem:s15+$0x1610] =	vst v10;
	v4 =	vmul.f32 v4, v15;
	v6 =	vmax.f32 v6, v14;
	v10 =	vld [tilespmem:s16+$0x55D0]  }
0x404: {  	[tilespmem:s15+$0x1690] =	vst v9;
	v8 =	vmul.f32 v8, v18;
	v9 =	vld [tilespmem:s16+$0x5910]  }
0x405: {  	[tilespmem:s15+$0x1710] =	vst v4;
	v4 =	vmul.f32 v5, v12;
	v5 =	vld [tilespmem:s15+$0x91D0]  }
0x406: {  	v12 =	vld [tilespmem:s16+$0x5220];
	[tilespmem:s15+$0x1790] =	vst v8;
	v7 =	vmul.f32 v7, v11  }
0x407: {  	v8 =	vld [tilespmem:s16+$0x52A0];
	[tilespmem:s15+$0x1810] =	vst v4  }
0x408: {  	v4 =	vld [tilespmem:s16+$0x5320];
	[tilespmem:s15+$0x1890] =	vst v7;
	v3 =	vadd.f32 v10, v3  }
0x409: {  	v7 =	vld [tilespmem:s16+$0x53A0];
	v6 =	vmul.f32 v6, v9  }
0x40a: {  	v3 =	vadd.f32 v5, v3;
	v5 =	vld [tilespmem:s16+$0x59D0]  }
0x40b: {  	v9 =	vld [tilespmem:s16+$0x5420];
	[tilespmem:s15+$0x1910] =	vst v6  }
0x40c: {  	v6 =	vld [tilespmem:s16+$0x54A0];
	v10 =	vmul.f32 $2.000000030e-01, v3  }
0x40d: {  	v11 =	vld [tilespmem:s16+$0x5520]  }
0x40e: {  	v13 =	vld [tilespmem:s15+$0x1620];
	v3 =	vmax.f32 v3, v10  }
0x40f: {  	v10 =	vld [tilespmem:s15+$0x16A0];
	v3 =	vmul.f32 v3, v5  }
0x410: {  	v5 =	vld [tilespmem:s15+$0x1720]  }
0x411: {  	[tilespmem:s15+$0x19D0] =	vst v3;
	v3 =	vld [tilespmem:s15+$0x19E0]  }
0x412: {  	v14 =	vld [tilespmem:s16+$0x55E0]  }
0x413: {  	v12 =	vadd.f32 v12, v13;
	v13 =	vld [tilespmem:s15+$0x17A0]  }
0x414: {  	v8 =	vadd.f32 v8, v10;
	v10 =	vld [tilespmem:s15+$0x91E0]  }
0x415: {  	v4 =	vadd.f32 v4, v5;
	v5 =	vld [tilespmem:s15+$0x1820]  }
0x416: {  	v15 =	vld [tilespmem:s15+$0x18A0]  }
0x417: {  	v16 =	vld [tilespmem:s15+$0x1920];
	v3 =	vadd.f32 v14, v3  }
0x418: {  	v14 =	vld [tilespmem:s15+$0x8E20];
	v7 =	vadd.f32 v7, v13  }
0x419: {  	v3 =	vadd.f32 v10, v3;
	v10 =	vld [tilespmem:s16+$0x59E0]  }
0x41a: {  	v13 =	vld [tilespmem:s15+$0x8EA0];
	v5 =	vadd.f32 v9, v5  }
0x41b: {  	v9 =	vld [tilespmem:s15+$0x8F20];
	v6 =	vadd.f32 v6, v15;
	v15 =	vmul.f32 $2.000000030e-01, v3  }
0x41c: {  	v17 =	vld [tilespmem:s15+$0x8FA0];
	v11 =	vadd.f32 v11, v16  }
0x41d: {  	v12 =	vadd.f32 v14, v12;
	v14 =	vld [tilespmem:s15+$0x9020];
	v3 =	vmax.f32 v3, v15  }
0x41e: {  	v15 =	vld [tilespmem:s15+$0x90A0];
	v3 =	vmul.f32 v3, v10  }
0x41f: {  	v10 =	vmul.f32 $2.000000030e-01, v12;
	v8 =	vadd.f32 v13, v8;
	v13 =	vld [tilespmem:s15+$0x9120]  }
0x420: {  	v4 =	vadd.f32 v9, v4;
	[tilespmem:s15+$0x19E0] =	vst v3;
	v3 =	vld [tilespmem:s15+$0x19F0]  }
0x421: {  	v9 =	vmax.f32 v12, v10;
	v10 =	vmul.f32 $2.000000030e-01, v8;
	v7 =	vadd.f32 v17, v7;
	v12 =	vld [tilespmem:s16+$0x55F0]  }
0x422: {  	v16 =	vld [tilespmem:s16+$0x5620];
	v17 =	vmul.f32 $2.000000030e-01, v4;
	v5 =	vadd.f32 v14, v5  }
0x423: {  	v8 =	vmax.f32 v8, v10;
	v10 =	vmul.f32 $2.000000030e-01, v7;
	v6 =	vadd.f32 v15, v6;
	v14 =	vld [tilespmem:s15+$0x91F0]  }
0x424: {  	v15 =	vld [tilespmem:s16+$0x56A0];
	v4 =	vmax.f32 v4, v17;
	v17 =	vmul.f32 $2.000000030e-01, v5;
	v11 =	vadd.f32 v13, v11  }
0x425: {  	v13 =	vld [tilespmem:s16+$0x5720];
	v7 =	vmax.f32 v7, v10;
	v10 =	vmul.f32 $2.000000030e-01, v6  }
0x426: {  	v18 =	vld [tilespmem:s16+$0x57A0];
	v5 =	vmax.f32 v5, v17;
	v17 =	vmul.f32 $2.000000030e-01, v11;
	v3 =	vadd.f32 v12, v3  }
0x427: {  	v9 =	vmul.f32 v9, v16;
	v12 =	vld [tilespmem:s16+$0x5820];
	v6 =	vmax.f32 v6, v10  }
0x428: {  	v10 =	vmax.f32 v11, v17;
	v3 =	vadd.f32 v14, v3;
	v11 =	vld [tilespmem:s16+$0x59F0]  }
0x429: {  	[tilespmem:s15+$0x1620] =	vst v9;
	v8 =	vmul.f32 v8, v15;
	v9 =	vld [tilespmem:s16+$0x58A0]  }
0x42a: {  	v4 =	vmul.f32 v4, v13;
	v13 =	vld [tilespmem:s16+$0x5920];
	v14 =	vmul.f32 $2.000000030e-01, v3  }
0x42b: {  	v15 =	vld [tilespmem:s16+$0x5230];
	[tilespmem:s15+$0x16A0] =	vst v8;
	v7 =	vmul.f32 v7, v18  }
0x42c: {  	v8 =	vld [tilespmem:s16+$0x52B0];
	[tilespmem:s15+$0x1720] =	vst v4;
	v4 =	vmul.f32 v5, v12;
	v3 =	vmax.f32 v3, v14  }
0x42d: {  	v5 =	vld [tilespmem:s16+$0x5330];
	[tilespmem:s15+$0x17A0] =	vst v7;
	v3 =	vmul.f32 v3, v11  }
0x42e: {  	v7 =	vld [tilespmem:s16+$0x53B0];
	[tilespmem:s15+$0x1820] =	vst v4;
	v4 =	vmul.f32 v6, v9  }
0x42f: {  	v6 =	vld [tilespmem:s16+$0x5430];
	v9 =	vmul.f32 v10, v13;
	[tilespmem:s15+$0x19F0] =	vst v3  }
0x430: {  	v3 =	vld [tilespmem:s15+$0x1630];
	[tilespmem:s15+$0x18A0] =	vst v4  }
0x431: {  	v4 =	vld [tilespmem:s16+$0x54B0];
	[tilespmem:s15+$0x1920] =	vst v9  }
0x432: {  	v9 =	vld [tilespmem:s16+$0x5530]  }
0x433: {  	v10 =	vld [tilespmem:s15+$0x16B0]  }
0x434: {  	v11 =	vld [tilespmem:s15+$0x1730]  }
0x435: {  	v3 =	vadd.f32 v15, v3;
	v12 =	vld [tilespmem:s15+$0x17B0]  }
0x436: {  	v13 =	vld [tilespmem:s15+$0x1830]  }
0x437: {  	v14 =	vld [tilespmem:s15+$0x18B0]  }
0x438: {  	v8 =	vadd.f32 v8, v10;
	v10 =	vld [tilespmem:s15+$0x1930]  }
0x439: {  	v15 =	vld [tilespmem:s15+$0x8E30];
	v5 =	vadd.f32 v5, v11  }
0x43a: {  	v11 =	vld [tilespmem:s15+$0x8EB0];
	v7 =	vadd.f32 v7, v12  }
0x43b: {  	v12 =	vld [tilespmem:s15+$0x8F30];
	v6 =	vadd.f32 v6, v13  }
0x43c: {  	v13 =	vld [tilespmem:s15+$0x8FB0];
	v4 =	vadd.f32 v4, v14  }
0x43d: {  	v14 =	vld [tilespmem:s15+$0x9030];
	v9 =	vadd.f32 v9, v10  }
0x43e: {  	v3 =	vadd.f32 v15, v3;
	v10 =	vld [tilespmem:s15+$0x90B0]  }
0x43f: {  	v8 =	vadd.f32 v11, v8;
	v11 =	vld [tilespmem:s15+$0x9130]  }
0x440: {  	v15 =	vmul.f32 $2.000000030e-01, v3;
	v16 =	vld [tilespmem:s16+$0x5630];
	v5 =	vadd.f32 v12, v5  }
0x441: {  	v12 =	vmul.f32 $2.000000030e-01, v8;
	v17 =	vld [tilespmem:s16+$0x56B0];
	v7 =	vadd.f32 v13, v7  }
0x442: {  	v3 =	vmax.f32 v3, v15;
	v13 =	vmul.f32 $2.000000030e-01, v5;
	v15 =	vld [tilespmem:s16+$0x5730];
	v6 =	vadd.f32 v14, v6  }
0x443: {  	v8 =	vmax.f32 v8, v12;
	v12 =	vmul.f32 $2.000000030e-01, v7;
	v14 =	vld [tilespmem:s16+$0x57B0];
	v4 =	vadd.f32 v10, v4  }
0x444: {  	v5 =	vmax.f32 v5, v13;
	v10 =	vmul.f32 $2.000000030e-01, v6;
	v13 =	vld [tilespmem:s16+$0x5830];
	v9 =	vadd.f32 v11, v9  }
0x445: {  	v3 =	vmul.f32 v3, v16;
	v7 =	vmax.f32 v7, v12;
	v11 =	vmul.f32 $2.000000030e-01, v4;
	v12 =	vld [tilespmem:s16+$0x58B0]  }
0x446: {  	v8 =	vmul.f32 v8, v17;
	v6 =	vmax.f32 v6, v10;
	v10 =	vmul.f32 $2.000000030e-01, v9;
	v16 =	vld [tilespmem:s16+$0x5930]  }
0x447: {  	[tilespmem:s15+$0x1630] =	vst v3;
	v3 =	vld [tilespmem:s15+$0x1640];
	v5 =	vmul.f32 v5, v15;
	v4 =	vmax.f32 v4, v11  }
0x448: {  	v11 =	vld [tilespmem:s16+$0x5240];
	[tilespmem:s15+$0x16B0] =	vst v8;
	v7 =	vmul.f32 v7, v14;
	v8 =	vmax.f32 v9, v10  }
0x449: {  	v9 =	vld [tilespmem:s16+$0x52C0];
	[tilespmem:s15+$0x1730] =	vst v5;
	v5 =	vmul.f32 v6, v13  }
0x44a: {  	v6 =	vld [tilespmem:s16+$0x5340];
	[tilespmem:s15+$0x17B0] =	vst v7;
	v4 =	vmul.f32 v4, v12  }
0x44b: {  	v7 =	vld [tilespmem:s16+$0x53C0];
	[tilespmem:s15+$0x1830] =	vst v5;
	v5 =	vmul.f32 v8, v16  }
0x44c: {  	v8 =	vld [tilespmem:s16+$0x5440];
	[tilespmem:s15+$0x18B0] =	vst v4  }
0x44d: {  	v3 =	vadd.f32 v11, v3;
	v4 =	vld [tilespmem:s16+$0x54C0];
	[tilespmem:s15+$0x1930] =	vst v5  }
0x44e: {  	v5 =	vld [tilespmem:s16+$0x5540]  }
0x44f: {  	v10 =	vld [tilespmem:s15+$0x16C0]  }
0x450: {  	v11 =	vld [tilespmem:s15+$0x1740]  }
0x451: {  	v12 =	vld [tilespmem:s15+$0x17C0]  }
0x452: {  	v13 =	vld [tilespmem:s15+$0x1840]  }
0x453: {  	v14 =	vld [tilespmem:s15+$0x18C0]  }
0x454: {  	v9 =	vadd.f32 v9, v10;
	v10 =	vld [tilespmem:s15+$0x1940]  }
0x455: {  	v15 =	vld [tilespmem:s15+$0x8E40];
	v6 =	vadd.f32 v6, v11  }
0x456: {  	v11 =	vld [tilespmem:s15+$0x8EC0];
	v7 =	vadd.f32 v7, v12  }
0x457: {  	v12 =	vld [tilespmem:s15+$0x8F40];
	v8 =	vadd.f32 v8, v13  }
0x458: {  	v13 =	vld [tilespmem:s15+$0x8FC0];
	v4 =	vadd.f32 v4, v14  }
0x459: {  	v14 =	vld [tilespmem:s15+$0x9040];
	v5 =	vadd.f32 v5, v10  }
0x45a: {  	v3 =	vadd.f32 v15, v3;
	v10 =	vld [tilespmem:s15+$0x90C0]  }
0x45b: {  	v9 =	vadd.f32 v11, v9;
	v11 =	vld [tilespmem:s15+$0x9140]  }
0x45c: {  	v15 =	vmul.f32 $2.000000030e-01, v3;
	v16 =	vld [tilespmem:s16+$0x5640];
	v6 =	vadd.f32 v12, v6  }
0x45d: {  	v12 =	vmul.f32 $2.000000030e-01, v9;
	v17 =	vld [tilespmem:s16+$0x56C0];
	v7 =	vadd.f32 v13, v7  }
0x45e: {  	v3 =	vmax.f32 v3, v15;
	v13 =	vmul.f32 $2.000000030e-01, v6;
	v15 =	vld [tilespmem:s16+$0x5740];
	v8 =	vadd.f32 v14, v8  }
0x45f: {  	v9 =	vmax.f32 v9, v12;
	v12 =	vmul.f32 $2.000000030e-01, v7;
	v14 =	vld [tilespmem:s16+$0x57C0];
	v4 =	vadd.f32 v10, v4  }
0x460: {  	v6 =	vmax.f32 v6, v13;
	v10 =	vmul.f32 $2.000000030e-01, v8;
	v13 =	vld [tilespmem:s16+$0x5840];
	v5 =	vadd.f32 v11, v5  }
0x461: {  	v3 =	vmul.f32 v3, v16;
	v7 =	vmax.f32 v7, v12;
	v11 =	vmul.f32 $2.000000030e-01, v4;
	v12 =	vld [tilespmem:s16+$0x58C0]  }
0x462: {  	v9 =	vmul.f32 v9, v17;
	v8 =	vmax.f32 v8, v10;
	v10 =	vmul.f32 $2.000000030e-01, v5;
	v16 =	vld [tilespmem:s16+$0x5940]  }
0x463: {  	[tilespmem:s15+$0x1640] =	vst v3;
	v3 =	vld [tilespmem:s15+$0x1650];
	v6 =	vmul.f32 v6, v15;
	v4 =	vmax.f32 v4, v11  }
0x464: {  	v11 =	vld [tilespmem:s16+$0x5250];
	[tilespmem:s15+$0x16C0] =	vst v9;
	v7 =	vmul.f32 v7, v14;
	v5 =	vmax.f32 v5, v10  }
0x465: {  	v9 =	vld [tilespmem:s16+$0x52D0];
	[tilespmem:s15+$0x1740] =	vst v6;
	v6 =	vmul.f32 v8, v13  }
0x466: {  	v8 =	vld [tilespmem:s16+$0x5350];
	[tilespmem:s15+$0x17C0] =	vst v7;
	v4 =	vmul.f32 v4, v12  }
0x467: {  	v7 =	vld [tilespmem:s16+$0x53D0];
	[tilespmem:s15+$0x1840] =	vst v6;
	v5 =	vmul.f32 v5, v16  }
0x468: {  	v6 =	vld [tilespmem:s16+$0x5450];
	[tilespmem:s15+$0x18C0] =	vst v4  }
0x469: {  	v3 =	vadd.f32 v11, v3;
	v4 =	vld [tilespmem:s16+$0x54D0];
	[tilespmem:s15+$0x1940] =	vst v5  }
0x46a: {  	v5 =	vld [tilespmem:s16+$0x5550]  }
0x46b: {  	v10 =	vld [tilespmem:s15+$0x16D0]  }
0x46c: {  	v11 =	vld [tilespmem:s15+$0x1750]  }
0x46d: {  	v12 =	vld [tilespmem:s15+$0x17D0]  }
0x46e: {  	v13 =	vld [tilespmem:s15+$0x1850]  }
0x46f: {  	v14 =	vld [tilespmem:s15+$0x18D0]  }
0x470: {  	v9 =	vadd.f32 v9, v10;
	v10 =	vld [tilespmem:s15+$0x1950]  }
0x471: {  	v15 =	vld [tilespmem:s15+$0x8E50];
	v8 =	vadd.f32 v8, v11  }
0x472: {  	v11 =	vld [tilespmem:s15+$0x8ED0];
	v7 =	vadd.f32 v7, v12  }
0x473: {  	v12 =	vld [tilespmem:s15+$0x8F50];
	v6 =	vadd.f32 v6, v13  }
0x474: {  	v13 =	vld [tilespmem:s15+$0x8FD0];
	v4 =	vadd.f32 v4, v14  }
0x475: {  	v14 =	vld [tilespmem:s15+$0x9050];
	v5 =	vadd.f32 v5, v10  }
0x476: {  	v3 =	vadd.f32 v15, v3;
	v10 =	vld [tilespmem:s15+$0x90D0]  }
0x477: {  	v9 =	vadd.f32 v11, v9;
	v11 =	vld [tilespmem:s15+$0x9150]  }
0x478: {  	v15 =	vmul.f32 $2.000000030e-01, v3;
	v16 =	vld [tilespmem:s16+$0x5650];
	v8 =	vadd.f32 v12, v8  }
0x479: {  	v12 =	vmul.f32 $2.000000030e-01, v9;
	v17 =	vld [tilespmem:s16+$0x56D0];
	v7 =	vadd.f32 v13, v7  }
0x47a: {  	v3 =	vmax.f32 v3, v15;
	v13 =	vmul.f32 $2.000000030e-01, v8;
	v15 =	vld [tilespmem:s16+$0x5750];
	v6 =	vadd.f32 v14, v6  }
0x47b: {  	v9 =	vmax.f32 v9, v12;
	v12 =	vmul.f32 $2.000000030e-01, v7;
	v14 =	vld [tilespmem:s16+$0x57D0];
	v4 =	vadd.f32 v10, v4  }
0x47c: {  	v8 =	vmax.f32 v8, v13;
	v10 =	vmul.f32 $2.000000030e-01, v6;
	v13 =	vld [tilespmem:s16+$0x5850];
	v5 =	vadd.f32 v11, v5  }
0x47d: {  	v3 =	vmul.f32 v3, v16;
	v7 =	vmax.f32 v7, v12;
	v11 =	vmul.f32 $2.000000030e-01, v4;
	v12 =	vld [tilespmem:s16+$0x58D0]  }
0x47e: {  	v9 =	vmul.f32 v9, v17;
	v6 =	vmax.f32 v6, v10;
	v10 =	vmul.f32 $2.000000030e-01, v5;
	v16 =	vld [tilespmem:s16+$0x5950]  }
0x47f: {  	[tilespmem:s15+$0x1650] =	vst v3;
	v3 =	vld [tilespmem:s15+$0x1660];
	v8 =	vmul.f32 v8, v15;
	v4 =	vmax.f32 v4, v11  }
0x480: {  	v11 =	vld [tilespmem:s16+$0x5260];
	[tilespmem:s15+$0x16D0] =	vst v9;
	v7 =	vmul.f32 v7, v14;
	v5 =	vmax.f32 v5, v10  }
0x481: {  	v9 =	vld [tilespmem:s16+$0x52E0];
	[tilespmem:s15+$0x1750] =	vst v8;
	v6 =	vmul.f32 v6, v13  }
0x482: {  	v8 =	vld [tilespmem:s16+$0x5360];
	[tilespmem:s15+$0x17D0] =	vst v7;
	v4 =	vmul.f32 v4, v12  }
0x483: {  	v7 =	vld [tilespmem:s16+$0x53E0];
	[tilespmem:s15+$0x1850] =	vst v6;
	v5 =	vmul.f32 v5, v16  }
0x484: {  	v6 =	vld [tilespmem:s16+$0x5460];
	[tilespmem:s15+$0x18D0] =	vst v4  }
0x485: {  	v3 =	vadd.f32 v11, v3;
	v4 =	vld [tilespmem:s16+$0x54E0];
	[tilespmem:s15+$0x1950] =	vst v5  }
0x486: {  	v5 =	vld [tilespmem:s16+$0x5560]  }
0x487: {  	v10 =	vld [tilespmem:s15+$0x16E0]  }
0x488: {  	v11 =	vld [tilespmem:s15+$0x1760]  }
0x489: {  	v12 =	vld [tilespmem:s15+$0x17E0]  }
0x48a: {  	v13 =	vld [tilespmem:s15+$0x1860]  }
0x48b: {  	v14 =	vld [tilespmem:s15+$0x18E0]  }
0x48c: {  	v9 =	vadd.f32 v9, v10;
	v10 =	vld [tilespmem:s15+$0x1960]  }
0x48d: {  	v15 =	vld [tilespmem:s15+$0x8E60];
	v8 =	vadd.f32 v8, v11  }
0x48e: {  	v11 =	vld [tilespmem:s15+$0x8EE0];
	v7 =	vadd.f32 v7, v12  }
0x48f: {  	v12 =	vld [tilespmem:s15+$0x8F60];
	v6 =	vadd.f32 v6, v13  }
0x490: {  	v13 =	vld [tilespmem:s15+$0x8FE0];
	v4 =	vadd.f32 v4, v14  }
0x491: {  	v14 =	vld [tilespmem:s15+$0x9060];
	v5 =	vadd.f32 v5, v10  }
0x492: {  	v3 =	vadd.f32 v15, v3;
	v10 =	vld [tilespmem:s15+$0x90E0]  }
0x493: {  	v9 =	vadd.f32 v11, v9;
	v11 =	vld [tilespmem:s15+$0x9160]  }
0x494: {  	v15 =	vmul.f32 $2.000000030e-01, v3;
	v16 =	vld [tilespmem:s16+$0x5660];
	v8 =	vadd.f32 v12, v8  }
0x495: {  	v12 =	vmul.f32 $2.000000030e-01, v9;
	v17 =	vld [tilespmem:s16+$0x56E0];
	v7 =	vadd.f32 v13, v7  }
0x496: {  	v3 =	vmax.f32 v3, v15;
	v13 =	vmul.f32 $2.000000030e-01, v8;
	v15 =	vld [tilespmem:s16+$0x5760];
	v6 =	vadd.f32 v14, v6  }
0x497: {  	v9 =	vmax.f32 v9, v12;
	v12 =	vmul.f32 $2.000000030e-01, v7;
	v14 =	vld [tilespmem:s16+$0x57E0];
	v4 =	vadd.f32 v10, v4  }
0x498: {  	v8 =	vmax.f32 v8, v13;
	v10 =	vmul.f32 $2.000000030e-01, v6;
	v13 =	vld [tilespmem:s16+$0x5860];
	v5 =	vadd.f32 v11, v5  }
0x499: {  	v3 =	vmul.f32 v3, v16;
	v7 =	vmax.f32 v7, v12;
	v11 =	vmul.f32 $2.000000030e-01, v4;
	v12 =	vld [tilespmem:s16+$0x58E0]  }
0x49a: {  	v9 =	vmul.f32 v9, v17;
	v6 =	vmax.f32 v6, v10;
	v10 =	vmul.f32 $2.000000030e-01, v5;
	v16 =	vld [tilespmem:s16+$0x5960]  }
0x49b: {  	[tilespmem:s15+$0x1660] =	vst v3;
	v3 =	vld [tilespmem:s15+$0x1670];
	v8 =	vmul.f32 v8, v15;
	v4 =	vmax.f32 v4, v11  }
0x49c: {  	v11 =	vld [tilespmem:s16+$0x5270];
	[tilespmem:s15+$0x16E0] =	vst v9;
	v7 =	vmul.f32 v7, v14;
	v5 =	vmax.f32 v5, v10  }
0x49d: {  	v9 =	vld [tilespmem:s16+$0x52F0];
	[tilespmem:s15+$0x1760] =	vst v8;
	v6 =	vmul.f32 v6, v13  }
0x49e: {  	v8 =	vld [tilespmem:s16+$0x5370];
	[tilespmem:s15+$0x17E0] =	vst v7;
	v4 =	vmul.f32 v4, v12  }
0x49f: {  	v7 =	vld [tilespmem:s16+$0x53F0];
	[tilespmem:s15+$0x1860] =	vst v6;
	v5 =	vmul.f32 v5, v16  }
0x4a0: {  	v6 =	vld [tilespmem:s16+$0x5470];
	[tilespmem:s15+$0x18E0] =	vst v4  }
0x4a1: {  	v3 =	vadd.f32 v11, v3;
	v4 =	vld [tilespmem:s16+$0x54F0];
	[tilespmem:s15+$0x1960] =	vst v5  }
0x4a2: {  	v5 =	vld [tilespmem:s16+$0x5570]  }
0x4a3: {  	v10 =	vld [tilespmem:s15+$0x16F0]  }
0x4a4: {  	v11 =	vld [tilespmem:s15+$0x1770]  }
0x4a5: {  	v12 =	vld [tilespmem:s15+$0x17F0]  }
0x4a6: {  	v13 =	vld [tilespmem:s15+$0x1870]  }
0x4a7: {  	v14 =	vld [tilespmem:s15+$0x18F0]  }
0x4a8: {  	v9 =	vadd.f32 v9, v10;
	v10 =	vld [tilespmem:s15+$0x1970]  }
0x4a9: {  	v15 =	vld [tilespmem:s15+$0x8E70];
	v8 =	vadd.f32 v8, v11  }
0x4aa: {  	v11 =	vld [tilespmem:s15+$0x8EF0];
	v7 =	vadd.f32 v7, v12  }
0x4ab: {  	v12 =	vld [tilespmem:s15+$0x8F70];
	v13 =	vadd.f32 v6, v13  }
0x4ac: {  	v16 =	vld [tilespmem:s15+$0x8FF0];
	v14 =	vadd.f32 v4, v14  }
0x4ad: {  	v4 =	vld [tilespmem:s15+$0x9070];
	v17 =	vadd.f32 v5, v10  }
0x4ae: {  	v3 =	vadd.f32 v15, v3;
	v5 =	vld [tilespmem:s15+$0x90F0]  }
0x4af: {  	v9 =	vadd.f32 v11, v9;
	v15 =	vld [tilespmem:s15+$0x9170]  }
0x4b0: {  	v10 =	vmul.f32 $2.000000030e-01, v3;
	v18 =	vld [tilespmem:s16+$0x5670];
	v8 =	vadd.f32 v12, v8  }
.Ltmp3:
0x4b1: {  	v11 =	vmul.f32 $2.000000030e-01, v9;
	v6 =	vld [tilespmem:s16+$0x56F0];
	v19 =	vadd.f32 v16, v7;
	(pc) =	sbr.rel @p1 .LBB2_5-.Ltmp3, $4  }
0x4b2: {  	v16 =	vmax.f32 v3, v10;
	v20 =	vmul.f32 $2.000000030e-01, v8;
	v3 =	vld [tilespmem:s16+$0x5770];
	v10 =	vadd.f32 v4, v13  }
0x4b3: {  	v12 =	vmax.f32 v9, v11;
	v9 =	vmul.f32 $2.000000030e-01, v19;
	v4 =	vld [tilespmem:s16+$0x57F0];
	v7 =	vadd.f32 v5, v14  }
0x4b4: {  	v11 =	vmax.f32 v8, v20;
	v14 =	vmul.f32 $2.000000030e-01, v10;
	v5 =	vld [tilespmem:s16+$0x5870];
	v8 =	vadd.f32 v15, v17  }
0x4b5: {  	s17 =	sadd.s32 $0x8, s17;
	v16 =	vmul.f32 v16, v18;
	v13 =	vmax.f32 v19, v9;
	v15 =	vmul.f32 $2.000000030e-01, v7;
	v9 =	vld [tilespmem:s16+$0x58F0]  }
0x4b6: {  	v6 =	vmul.f32 v12, v6;
	v59 =	vld [tilespmem:s16+$0x5970]  }
0x4b7: {  	[tilespmem:s15+$0x1670] =	vst v16;
	v3 =	vmul.f32 v11, v3  }
0x4b8: {  	v10 =	vmax.f32 v10, v14;
	v60 =	vmul.f32 $2.000000030e-01, v8;
	[tilespmem:s15+$0x16F0] =	vst v6;
	v4 =	vmul.f32 v13, v4  }
0x4b9: {  	v61 =	vmax.f32 v7, v15;
	[tilespmem:s15+$0x1770] =	vst v3;
	v3 =	vmul.f32 v10, v5  }
0x4ba: {  	v62 =	vmax.f32 v8, v60;
	[tilespmem:s15+$0x17F0] =	vst v4;
	v63 =	vmul.f32 v61, v9  }
0x4bb: {  	[tilespmem:s15+$0x1870] =	vst v3;
	v3 =	vmul.f32 v62, v59  }
0x4bc: {  	[tilespmem:s15+$0x18F0] =	vst v63  }
.Ltmp4:
0x4bd: {  	[tilespmem:s15+$0x1970] =	vst v3;
	(pc) =	sbr.rel @p0 .LBB2_8-.Ltmp4, $4  }
0x4be: {  	[spmem:s3] =	stream.indirect.scatter.add.f32 [tilespmem:s30], [sflag:$0x3], $0x80, s29, s20, $0xb8;
	[tilespmem:$0x1E200] =	vst v63  }
0x4bf: {  	_ =	swait.ge [sflag:s19], $0x1400  }
0x4c0: {  	[sflag:s19] =	ssyncset.done $0x0  }
0x4c1: {  	[sflag:s19] =	ssyncadd.s32 $0xFFFFEC00  }
0x4c2: {  	s11 =	sadd.s32 $0x3, s14  }
0x4c3: {  	s13 =	sadd.s32 s9, s11  }
0x4c4: {  	s13 =	sshll.u32 s13, $0x5  }
0x4c5: {  	s13 =	sadd.s32 s7, s13  }
0x4c6: {  	[tilespmem:s29], [sflag:$0x3] =	stream.linear.gather [hbm4b:s13+s4], $0x100, $0x38;
	[tilespmem:$0x1E200] =	vst v63  }
0x4c7: {  	_ =	swait.ge [sflag:s19], $0x100  }
0x4c8: {  	[sflag:s19] =	ssyncset.done $0x0  }
0x4c9: {  	[sflag:s19] =	ssyncadd.s32 $0xFFFFFF00  }
0x4ca: {  	[tilespmem:s30], [sflag:$0x2] =	stream.indirect.gather [hbm4b:s2+s20], $0x80, s29, s20, $0xb8;
	[tilespmem:$0x1E200] =	vst v63  }
0x4cb: {  	v3 =	vld [tilespmem:$0x180];
	_ =	sdelay $0x4  }
0x4cc: {  	v4 =	vshll.u32 v3, $0x1  }
0x4cd: {  	v3 =	vand.u32 $0x7, v3;
	v4 =	vand.u32 $0xFFFFFFF0, v4  }
0x4ce: {  	v3 =	vor.u32 v3, v4  }
0x4cf: {  	v4 =	vperm.xlane v3, v0;
	_ =	sdelay $0x1  }
0x4d0: {  	v3 =	vperm.xlane v3, v2;
	v4 =	vadd.s32 v1, v4;
	_ =	sdelay $0x1  }
0x4d1: {  	v3 =	vadd.s32 v1, v3;
	_ =	sdelay $0x2  }
0x4d2: {  	[tilespmem:s31], [sflag:$0x2] =	stream.indirect_vreg.gather [hbm4b:s5+s4], $0x80, v4, vm0, $0xb8;
	[tilespmem:$0x1E200] =	vst v63  }
0x4d3: {  	_ = 	snop  }
0x4d4: {  	[tilespmem:s0], [sflag:$0x2] =	stream.indirect_vreg.gather [hbm4b:s5+s4], $0x80, v3, vm0, $0xb8;
	[tilespmem:$0x1E200] =	vst v63  }
0x4d5: {  	v3 =	vld [tilespmem:$0x190];
	_ =	sdelay $0x4  }
0x4d6: {  	v62 =	vshll.u32 v3, $0x1  }
0x4d7: {  	v3 =	vand.u32 $0x7, v3;
	v4 =	vand.u32 $0xFFFFFFF0, v62  }
0x4d8: {  	v3 =	vor.u32 v3, v4  }
0x4d9: {  	v4 =	vperm.xlane v3, v0;
	_ =	sdelay $0x1  }
0x4da: {  	v3 =	vperm.xlane v3, v2;
	v4 =	vadd.s32 v1, v4;
	_ =	sdelay $0x1  }
0x4db: {  	v3 =	vadd.s32 v1, v3;
	_ =	sdelay $0x2  }
0x4dc: {  	[tilespmem:s1], [sflag:$0x2] =	stream.indirect_vreg.gather [hbm4b:s5+s4], $0x80, v4, vm0, $0xb8;
	[tilespmem:$0x1E200] =	vst v63  }
0x4dd: {  	_ = 	snop  }
0x4de: {  	[tilespmem:s22], [sflag:$0x2] =	stream.indirect_vreg.gather [hbm4b:s5+s4], $0x80, v3, vm0, $0xb8;
	[tilespmem:$0x1E200] =	vst v63  }
0x4df: {  	v3 =	vld.msk [tilespmem:$0x1A0], $0xff;
	_ =	sdelay $0x4  }
0x4e0: {  	v63 =	vshll.u32 v3, $0x1  }
0x4e1: {  	v3 =	vand.u32 $0x7, v3;
	v4 =	vand.u32 $0xFFFFFFF0, v63  }
0x4e2: {  	v3 =	vor.u32 v3, v4  }
0x4e3: {  	v3 =	vperm.xlane v3, v0;
	_ =	sdelay $0x1  }
0x4e4: {  	v3 =	vadd.s32 v1, v3  }
0x4e5: {  	s11 =	smul.u32 $0x28, s11;
	_ =	sdelay $0x1  }
.Ltmp5:
0x4e6: {  	s11 =	sadd.s32 s8, s11;
	(pc) =	sbr.rel .LBB2_2-.Ltmp5, $4  }
0x4e7: {  	s11 =	sshll.u32 s11, $0x4  }
0x4e8: {  	[tilespmem:s23], [sflag:$0x2] =	stream.indirect_vreg.gather [hbm4b:s5+s4], $0x80, v3, vm0, $0xb8;
	[tilespmem:$0x1E200] =	vst v63  }
0x4e9: {  	s10 =	sadd.s32 $0x1, s10;
	s11 =	sadd.s32 s6, s11  }
0x4ea: {  	[tilespmem:s24], [sflag:$0x2] =	stream.linear.gather [hbm4b:s11+s4], $0x1400, $0x38;
	[tilespmem:$0x1E200] =	vst v63  }
.LBB2_9:
0x4eb: {  	_ =	sfence.sel $0x180000  }
0x4ec: {  	[bflag:$0x0] =	sbarrier.arrive $0xFFFF  }
0x4ed: {  	_ =	strace $0x90000047  }
0x4ee: {  	s0 =	stileid.u32;
	[bflag:$0x2] =	sbarrier.arrive $0xFFFF  }
0x4ef: {  	p0 =	sne.s32 s0, $0x0;
	s0 =	rddreg [dreg:$0x3]  }
0x4f0: {  	s0 =	sadd.s32 @!p0 $0x100000, s0  }
0x4f1: {  	[sflag:s0] =	ssyncadd.tile.s32 @!p0 $0x1;
	_ =	shalt  }
.Lfunc_end2:
_tile_overlayer_lowered:
.L_overlay_start_2:
0x4f2: {  	(tag) =	ssettag $0x2  }
0x4f3: {  	s0 =	rddreg [dreg:$0x0];
	s2 =	stileid.u32  }
0x4f4: {  	s1 =	rddreg [dreg:$0x1];
	p0 =	sne.s32 s2, $0x0  }
0x4f5: {  	s3 =	rddreg [dreg:$0x2];
	[bflag:$0x3] =	sbarrier.arrive $0xFFFF;
	s2 =	simm.s32 @!p0 $0x1C03  }
0x4f6: {  	[timem:s3], [sflag:s2] =	dma.local @!p0 [hbm:s0], s1  }
0x4f7: {  	s0 =	simm.s32 @!p0 $0x3  }
0x4f8: {  	_ =	swait.ge @!p0 [sflag:s0], s1  }
0x4f9: {  	s1 =	ssub.s32 @!p0 $0x0, s1;
	[sflag:s0] =	ssyncset.done @!p0 $0x0  }
0x4fa: {  	[sflag:s0] =	ssyncadd.s32 @!p0 s1  }
0x4fb: {  	[bflag:$0x3] =	sbarrier.arrive $0xFFFF  }
0x4fc: {  	_ =	shalt  }

</sc_bundles>
